<compile_context>
chip_gen: v7x
topology: tpu7x:2x2x1
jax: 0.10.2.dev20260603
libtpu: 0.0.44.dev20260713+nightly
codegen_flags: <defaults>
</compile_context>

<pallas_src>
import jax
import jax.numpy as jnp
from jax import lax
from jax.experimental import pallas as pl
from jax.experimental.pallas import tpu as pltpu
from jax.experimental.pallas import tpu_sc as plsc

NP = 102400
N_TILES = 16
NODES_PER_TILE = NP // N_TILES
EROWS = 12800
E_PAD = EROWS * 128
ROWS_PER_TILE = EROWS // N_TILES
CH_ROWS = 32
N_CHUNKS = ROWS_PER_TILE // CH_ROWS
STEPS = 8

F32 = jnp.float32
I32 = jnp.int32


def _bf16r(v):
    return v.astype(jnp.bfloat16).astype(F32)


def _body(xtf, src, dst, ln, gm, io, oo, elev, wt,
          outf, c1a, c1b, c1c, c2, ese, ede,
          s_elev, s_ns0, s_ns1, s_mp0, s_mp1, s_mp2, s_y,
          v_sidx, v_didx,
          v_a, v_b, v_c, v_d, v_e, v_f, v_g, v_h, v_i, v_j, v_k, v_l,
          v_nbuf, v_zbuf, v_wtab, sem):
    wid = lax.axis_index("s")
    nbase = pl.multiple_of(wid * NODES_PER_TILE, NODES_PER_TILE)
    erow0 = wid * ROWS_PER_TILE
    nsl = pl.ds(nbase, NODES_PER_TILE)

    def wrow(r):
        return v_wtab[pl.ds(16 * r, 16)]

    pltpu.sync_copy(wt, v_wtab)

    def zinit(i, _):
        v_zbuf[pl.ds(pl.multiple_of(i * 16, 16), 16)] = jnp.zeros((16,), F32)
        return 0
    lax.fori_loop(0, NODES_PER_TILE // 16, zinit, 0)

    pltpu.sync_copy(elev.at[nsl], s_elev.at[nsl])
    pltpu.sync_copy(xtf.at[nsl], s_ns0.at[nsl])
    plsc.subcore_barrier()

    def phase0(c, _):
        row0 = erow0 + c * CH_ROWS
        rsl = pl.ds(row0, CH_ROWS)
        pltpu.sync_copy(src.at[rsl], v_sidx)
        pltpu.sync_copy(dst.at[rsl], v_didx)
        pltpu.sync_copy(ln.at[rsl], v_a)
        pltpu.sync_copy(gm.at[rsl], v_b)
        pltpu.sync_copy(io.at[rsl], v_c)
        pltpu.sync_copy(oo.at[rsl], v_d)

        def grow(j, _):
            d1 = pltpu.async_copy(s_elev.at[v_sidx.at[j]], v_e.at[j], sem)
            d2 = pltpu.async_copy(s_elev.at[v_didx.at[j]], v_f.at[j], sem)
            d1.wait()
            d2.wait()
            return 0
        lax.fori_loop(0, CH_ROWS, grow, 0)

        def comp(i, _):
            def comp16(k, _):
                csl = pl.ds(pl.multiple_of(k * 16, 16), 16)
                lnr = _bf16r(v_a[i, csl])
                gmr = _bf16r(v_b[i, csl])
                v_g[i, csl] = lnr * wrow(18) + gmr * wrow(19) + wrow(20)
                v_h[i, csl] = lnr * wrow(21) + gmr * wrow(22) + wrow(23)
                v_i[i, csl] = lnr * wrow(24) + gmr * wrow(25) + wrow(26)
                v_j[i, csl] = lnr * wrow(27) + gmr * wrow(28) + wrow(29)
                v_k[i, csl] = v_e[i, csl] + v_d[i, csl]
                v_l[i, csl] = v_f[i, csl] + v_c[i, csl]
                return 0
            lax.fori_loop(0, 8, comp16, 0)
            return 0
        lax.fori_loop(0, CH_ROWS, comp, 0)

        pltpu.sync_copy(v_g, c1a.at[rsl])
        pltpu.sync_copy(v_h, c1b.at[rsl])
        pltpu.sync_copy(v_i, c1c.at[rsl])
        pltpu.sync_copy(v_j, c2.at[rsl])
        pltpu.sync_copy(v_k, ese.at[rsl])
        pltpu.sync_copy(v_l, ede.at[rsl])
        return 0
    lax.fori_loop(0, N_CHUNKS, phase0, 0)

    def step(s, _):
        xoff = pl.multiple_of((s + 1) * NP, NP) + nbase
        pltpu.sync_copy(xtf.at[pl.ds(xoff, NODES_PER_TILE)], s_ns1.at[nsl])
        pltpu.sync_copy(v_zbuf, s_mp0.at[nsl])
        pltpu.sync_copy(v_zbuf, s_mp1.at[nsl])
        pltpu.sync_copy(v_zbuf, s_mp2.at[nsl])
        pltpu.sync_copy(v_zbuf, s_y.at[nsl])
        plsc.subcore_barrier()

        def pass1(c, _):
            row0 = erow0 + c * CH_ROWS
            rsl = pl.ds(row0, CH_ROWS)
            pltpu.sync_copy(src.at[rsl], v_sidx)
            pltpu.sync_copy(dst.at[rsl], v_didx)
            pltpu.sync_copy(c1a.at[rsl], v_e)
            pltpu.sync_copy(c1b.at[rsl], v_f)
            pltpu.sync_copy(c1c.at[rsl], v_g)
            pltpu.sync_copy(ese.at[rsl], v_k)
            pltpu.sync_copy(ede.at[rsl], v_l)

            def grow(j, _):
                sj = v_sidx.at[j]
                dj = v_didx.at[j]
                d1 = pltpu.async_copy(s_ns0.at[sj], v_a.at[j], sem)
                d2 = pltpu.async_copy(s_ns1.at[sj], v_b.at[j], sem)
                d3 = pltpu.async_copy(s_ns0.at[dj], v_c.at[j], sem)
                d4 = pltpu.async_copy(s_ns1.at[dj], v_d.at[j], sem)
                d1.wait()
                d2.wait()
                d3.wait()
                d4.wait()
                return 0
            lax.fori_loop(0, CH_ROWS, grow, 0)

            def comp(i, _):
                def comp16(k, _):
                    csl = pl.ds(pl.multiple_of(k * 16, 16), 16)
                    es = v_k[i, csl]
                    ed = v_l[i, csl]
                    hs0 = _bf16r(v_a[i, csl] + es)
                    hs1 = _bf16r(v_b[i, csl] + es)
                    hd0 = _bf16r(v_c[i, csl] + ed)
                    hd1 = _bf16r(v_d[i, csl] + ed)
                    z = jnp.zeros((16,), F32)
                    v_h[i, csl] = jnp.maximum(
                        hs0 * wrow(0) + hs1 * wrow(1) + hd0 * wrow(2)
                        + hd1 * wrow(3) + v_e[i, csl], z)
                    v_i[i, csl] = jnp.maximum(
                        hs0 * wrow(4) + hs1 * wrow(5) + hd0 * wrow(6)
                        + hd1 * wrow(7) + v_f[i, csl], z)
                    v_j[i, csl] = jnp.maximum(
                        hs0 * wrow(8) + hs1 * wrow(9) + hd0 * wrow(10)
                        + hd1 * wrow(11) + v_g[i, csl], z)
                    return 0
                lax.fori_loop(0, 8, comp16, 0)
                return 0
            lax.fori_loop(0, CH_ROWS, comp, 0)

            def srow(j, _):
                dj = v_didx.at[j]
                pltpu.async_copy(v_h.at[j], s_mp0.at[dj], sem, add=True).wait()
                pltpu.async_copy(v_i.at[j], s_mp1.at[dj], sem, add=True).wait()
                pltpu.async_copy(v_j.at[j], s_mp2.at[dj], sem, add=True).wait()
                return 0
            lax.fori_loop(0, CH_ROWS, srow, 0)
            return 0
        lax.fori_loop(0, N_CHUNKS, pass1, 0)
        plsc.subcore_barrier()

        def pass2(c, _):
            row0 = erow0 + c * CH_ROWS
            rsl = pl.ds(row0, CH_ROWS)
            pltpu.sync_copy(src.at[rsl], v_sidx)
            pltpu.sync_copy(dst.at[rsl], v_didx)
            pltpu.sync_copy(c2.at[rsl], v_g)
            pltpu.sync_copy(ese.at[rsl], v_k)
            pltpu.sync_copy(ede.at[rsl], v_l)

            def grow(j, _):
                sj = v_sidx.at[j]
                dj = v_didx.at[j]
                d1 = pltpu.async_copy(s_mp0.at[sj], v_a.at[j], sem)
                d2 = pltpu.async_copy(s_mp1.at[sj], v_b.at[j], sem)
                d3 = pltpu.async_copy(s_mp2.at[sj], v_c.at[j], sem)
                d4 = pltpu.async_copy(s_mp0.at[dj], v_d.at[j], sem)
                d5 = pltpu.async_copy(s_mp1.at[dj], v_e.at[j], sem)
                d6 = pltpu.async_copy(s_mp2.at[dj], v_f.at[j], sem)
                d1.wait()
                d2.wait()
                d3.wait()
                d4.wait()
                d5.wait()
                d6.wait()
                return 0
            lax.fori_loop(0, CH_ROWS, grow, 0)

            def comp(i, _):
                def comp16(k, _):
                    csl = pl.ds(pl.multiple_of(k * 16, 16), 16)
                    es = v_k[i, csl]
                    ed = v_l[i, csl]
                    acc = (_bf16r(v_a[i, csl] + es) * wrow(12)
                           + _bf16r(v_b[i, csl] + es) * wrow(13)
                           + _bf16r(v_c[i, csl] + es) * wrow(14)
                           + _bf16r(v_d[i, csl] + ed) * wrow(15)
                           + _bf16r(v_e[i, csl] + ed) * wrow(16)
                           + _bf16r(v_f[i, csl] + ed) * wrow(17)
                           + v_g[i, csl])
                    v_h[i, csl] = jnp.maximum(acc, jnp.zeros((16,), F32))
                    return 0
                lax.fori_loop(0, 8, comp16, 0)
                return 0
            lax.fori_loop(0, CH_ROWS, comp, 0)

            def srow(j, _):
                pltpu.async_copy(v_h.at[j], s_y.at[v_didx.at[j]], sem,
                                 add=True).wait()
                return 0
            lax.fori_loop(0, CH_ROWS, srow, 0)
            return 0
        lax.fori_loop(0, N_CHUNKS, pass2, 0)
        plsc.subcore_barrier()

        pltpu.sync_copy(s_y.at[nsl], v_nbuf)
        oof = pl.multiple_of(s * NP, NP) + nbase
        pltpu.sync_copy(v_nbuf, outf.at[pl.ds(oof, NODES_PER_TILE)])
        pltpu.sync_copy(v_nbuf, s_ns0.at[nsl])
        return 0
    lax.fori_loop(0, STEPS, step, 0)


@jax.jit
def kernel(x, edge_index, norm_elev, norm_length, norm_geom_1,
           norm_in_offset, norm_out_offset, W1, b1, W2, b2):
    N = x.shape[0]
    E = edge_index.shape[1]

    xtf = jnp.pad(x.T, ((0, 0), (0, NP - N))).reshape(-1)
    elev = jnp.pad(norm_elev[:, 0], (0, NP - N))
    src = jnp.pad(edge_index[0], (0, E_PAD - E)).reshape(EROWS, 128)
    dst = jnp.pad(edge_index[1], (0, E_PAD - E),
                  constant_values=N).reshape(EROWS, 128)
    ln = jnp.pad(norm_length[:, 0], (0, E_PAD - E)).reshape(EROWS, 128)
    gm = jnp.pad(norm_geom_1[:, 0], (0, E_PAD - E)).reshape(EROWS, 128)
    io = jnp.pad(norm_in_offset[:, 0], (0, E_PAD - E)).reshape(EROWS, 128)
    oo = jnp.pad(norm_out_offset[:, 0], (0, E_PAD - E)).reshape(EROWS, 128)

    W1r = W1.astype(jnp.bfloat16).astype(F32)
    W2r = W2.astype(jnp.bfloat16).astype(F32)
    coef = []
    for j in range(3):
        coef += [W1r[0, j], W1r[1, j], W1r[2, j], W1r[3, j]]
    coef += [W2r[k, 0] for k in range(6)]
    for j in range(3):
        coef += [W1r[4, j], W1r[5, j], b1[j]]
    coef += [W2r[6, 0], W2r[7, 0], b2[0]]
    wt = jnp.tile(jnp.stack(coef)[:, None], (1, 16)).reshape(-1)

    mesh = plsc.VectorSubcoreMesh(core_axis_name="c", subcore_axis_name="s",
                                  num_cores=1)
    out_type = (
        jax.ShapeDtypeStruct((STEPS * NP,), F32),
        jax.ShapeDtypeStruct((EROWS, 128), F32),
        jax.ShapeDtypeStruct((EROWS, 128), F32),
        jax.ShapeDtypeStruct((EROWS, 128), F32),
        jax.ShapeDtypeStruct((EROWS, 128), F32),
        jax.ShapeDtypeStruct((EROWS, 128), F32),
        jax.ShapeDtypeStruct((EROWS, 128), F32),
    )
    scratch = [
        pltpu.VMEM_SHARED((NP,), F32),
        pltpu.VMEM_SHARED((NP,), F32),
        pltpu.VMEM_SHARED((NP,), F32),
        pltpu.VMEM_SHARED((NP,), F32),
        pltpu.VMEM_SHARED((NP,), F32),
        pltpu.VMEM_SHARED((NP,), F32),
        pltpu.VMEM_SHARED((NP,), F32),
        pltpu.VMEM((CH_ROWS, 128), I32),
        pltpu.VMEM((CH_ROWS, 128), I32),
    ] + [pltpu.VMEM((CH_ROWS, 128), F32) for _ in range(12)] + [
        pltpu.VMEM((NODES_PER_TILE,), F32),
        pltpu.VMEM((NODES_PER_TILE,), F32),
        pltpu.VMEM((480,), F32),
        pltpu.SemaphoreType.DMA,
    ]
    outs = pl.kernel(
        _body, out_type=out_type, mesh=mesh, scratch_types=scratch,
    )(xtf, src, dst, ln, gm, io, oo, elev, wt)
    return outs[0].reshape(STEPS, NP)[:, :N].T

# --- scband reference (transcript-rebuilt; emitter-appended) ---
"""Pipeline reference for scband-gnnmodel-86526411145355 (READ-ONLY COPY).

The authoritative reference and input builder live on the scoring server;
editing this copy changes nothing except your own understanding.
"""

import jax, jax.numpy as jnp
import numpy as np


def dyn_em(edge_index, x, norm_elev, norm_length, norm_geom_1, norm_in_offset, norm_out_offset, W, b):
    num_nodes = x.shape[0]
    src = edge_index[0]
    dst = edge_index[1]
    h_src = x[src] + norm_elev[src] + norm_out_offset
    h_dst = x[dst] + norm_elev[dst] + norm_in_offset
    m_in = jnp.concatenate([h_src, h_dst, norm_length, norm_geom_1], axis=1)
    m = jax.nn.relu(m_in @ W + b)
    return jax.ops.segment_sum(m, dst, num_segments=num_nodes)


def setup_inputs(seed: int = 0):
    key = jax.random.key(seed)
    ks = jax.random.split(key, 12)
    N = 100000
    E = 1600000
    x = jax.random.normal(ks[0], (N, 9), dtype=jnp.float32)
    edge_index = jax.random.randint(ks[1], (2, E), 0, N, dtype=jnp.int32)
    norm_elev = jax.random.uniform(ks[2], (N, 1), dtype=jnp.float32)
    norm_length = jax.random.uniform(ks[3], (E, 1), dtype=jnp.float32)
    norm_geom_1 = jax.random.uniform(ks[4], (E, 1), dtype=jnp.float32)
    norm_in_offset = jax.random.uniform(ks[5], (E, 1), dtype=jnp.float32)
    norm_out_offset = jax.random.uniform(ks[6], (E, 1), dtype=jnp.float32)
    W1 = jax.random.normal(ks[7], (6, 3), dtype=jnp.float32) * 0.4
    b1 = jnp.zeros((3,), dtype=jnp.float32)
    W2 = jax.random.normal(ks[8], (8, 1), dtype=jnp.float32) * 0.35
    b2 = jnp.zeros((1,), dtype=jnp.float32)
    return {"x": x, "edge_index": edge_index, "norm_elev": norm_elev, "norm_length": norm_length, "norm_geom_1": norm_geom_1, "norm_in_offset": norm_in_offset, "norm_out_offset": norm_out_offset, "W1": W1, "b1": b1, "W2": W2, "b2": b2}


def reference(x, edge_index, norm_elev, norm_length, norm_geom_1, norm_in_offset, norm_out_offset, W1, b1, W2, b2):
    steps_ahead = x.shape[1] - 1
    cur_x = x
    preds = []
    for step in range(steps_ahead):
        one_step_x = cur_x[:, :2]
        out_mp = dyn_em(edge_index, one_step_x, norm_elev, norm_length, norm_geom_1, norm_in_offset, norm_out_offset, W1, b1)
        y = dyn_em(edge_index, out_mp, norm_elev, norm_length, norm_geom_1, norm_in_offset, norm_out_offset, W2, b2)
        preds.append(y.reshape(-1))
        new_runoff = cur_x[:, 2:]
        cur_x = jnp.concatenate([y, new_runoff], axis=1)
    return jnp.stack(preds, axis=1)

if __name__ == "__main__":
    import jax
    _d = setup_inputs()
    print(jax.jit(kernel)(*tuple(_d.values())))

</pallas_src>

<mosaic_0001>
#map = affine_map<(d0, d1) -> (0)>
#map1 = affine_map<(d0, d1) -> (0, 0)>
module attributes {stable_mosaic.version = 14 : i64} {
  func.func @_body(%arg0: i32, %arg1: i32, %arg2: memref<921600xf32, #tpu.memory_space<hbm>>, %arg3: memref<12800x128xi32, #tpu.memory_space<hbm>>, %arg4: memref<12800x128xi32, #tpu.memory_space<hbm>>, %arg5: memref<12800x128xf32, #tpu.memory_space<hbm>>, %arg6: memref<12800x128xf32, #tpu.memory_space<hbm>>, %arg7: memref<12800x128xf32, #tpu.memory_space<hbm>>, %arg8: memref<12800x128xf32, #tpu.memory_space<hbm>>, %arg9: memref<102400xf32, #tpu.memory_space<hbm>>, %arg10: memref<480xf32, #tpu.memory_space<hbm>>, %arg11: memref<819200xf32, #tpu.memory_space<hbm>>, %arg12: memref<12800x128xf32, #tpu.memory_space<hbm>>, %arg13: memref<12800x128xf32, #tpu.memory_space<hbm>>, %arg14: memref<12800x128xf32, #tpu.memory_space<hbm>>, %arg15: memref<12800x128xf32, #tpu.memory_space<hbm>>, %arg16: memref<12800x128xf32, #tpu.memory_space<hbm>>, %arg17: memref<12800x128xf32, #tpu.memory_space<hbm>>, %arg18: memref<102400xf32, #tpu.memory_space<vmem_shared>>, %arg19: memref<102400xf32, #tpu.memory_space<vmem_shared>>, %arg20: memref<102400xf32, #tpu.memory_space<vmem_shared>>, %arg21: memref<102400xf32, #tpu.memory_space<vmem_shared>>, %arg22: memref<102400xf32, #tpu.memory_space<vmem_shared>>, %arg23: memref<102400xf32, #tpu.memory_space<vmem_shared>>, %arg24: memref<102400xf32, #tpu.memory_space<vmem_shared>>, %arg25: memref<32x128xi32, #tpu.memory_space<vmem>>, %arg26: memref<32x128xi32, #tpu.memory_space<vmem>>, %arg27: memref<32x128xf32, #tpu.memory_space<vmem>>, %arg28: memref<32x128xf32, #tpu.memory_space<vmem>>, %arg29: memref<32x128xf32, #tpu.memory_space<vmem>>, %arg30: memref<32x128xf32, #tpu.memory_space<vmem>>, %arg31: memref<32x128xf32, #tpu.memory_space<vmem>>, %arg32: memref<32x128xf32, #tpu.memory_space<vmem>>, %arg33: memref<32x128xf32, #tpu.memory_space<vmem>>, %arg34: memref<32x128xf32, #tpu.memory_space<vmem>>, %arg35: memref<32x128xf32, #tpu.memory_space<vmem>>, %arg36: memref<32x128xf32, #tpu.memory_space<vmem>>, %arg37: memref<32x128xf32, #tpu.memory_space<vmem>>, %arg38: memref<32x128xf32, #tpu.memory_space<vmem>>, %arg39: memref<6400xf32, #tpu.memory_space<vmem>>, %arg40: memref<6400xf32, #tpu.memory_space<vmem>>, %arg41: memref<480xf32, #tpu.memory_space<vmem>>, %arg42: memref<!tpu.dma_semaphore, #tpu.memory_space<semaphore_mem>>) attributes {dimension_semantics = [#tpu.dimension_semantics<core_parallel>, #tpu.dimension_semantics<subcore_parallel>], iteration_bounds = array<i64: 1, 16>, scalar_prefetch = 0 : i64, scratch_operands = 25 : i64, tpu.core_type = #tpu.core_type<sc_vector_subcore>, window_params = [{transform_indices = #map}, {transform_indices = #map1}, {transform_indices = #map1}, {transform_indices = #map1}, {transform_indices = #map1}, {transform_indices = #map1}, {transform_indices = #map1}, {transform_indices = #map}, {transform_indices = #map}, {transform_indices = #map}, {transform_indices = #map1}, {transform_indices = #map1}, {transform_indices = #map1}, {transform_indices = #map1}, {transform_indices = #map1}, {transform_indices = #map1}]} {
    %mul3A = arith.constant 6400 : i32
    %mul3A_0 = arith.muli %arg1, %mul3A : i32
    %multiple_of3A = tpu.assume_multiple %mul3A_0, 6400 : i32
    %mul3A_1 = arith.constant 800 : i32
    %mul3A_2 = arith.muli %arg1, %mul3A_1 : i32
    "tpu.region"() ({
      %run_scoped3A = tpu.sem_alloc : memref<!tpu.dma_semaphore, #tpu.memory_space<semaphore_mem>>
      tpu.enqueue_dma source(%arg10 : memref<480xf32, #tpu.memory_space<hbm>>) target(%arg41 : memref<480xf32, #tpu.memory_space<vmem>>) target_semaphore(%run_scoped3A : memref<!tpu.dma_semaphore, #tpu.memory_space<semaphore_mem>>)
      tpu.wait_dma2 semaphore(%run_scoped3A : memref<!tpu.dma_semaphore, #tpu.memory_space<semaphore_mem>>) src(%arg10 : memref<480xf32, #tpu.memory_space<hbm>>) dst(%arg41 : memref<480xf32, #tpu.memory_space<vmem>>)
      tpu.yield
    }) : () -> ()
    %scan3A = arith.constant 0 : i32
    %scan3A_3 = arith.constant 0 : i32
    %scan3A_4 = arith.constant 400 : i32
    %scan3A_5 = arith.addi %scan3A_3, %scan3A_4 : i32
    %scan3A_6 = arith.constant 1 : i32
    %scan3A_7 = scf.for %scan3A_23 = %scan3A_3 to %scan3A_5 step %scan3A_6 iter_args(%scan3A_24 = %scan3A) -> (i32)  : i32 {
      %broadcast_in_dim3A = arith.constant 0.000000e+00 : f32
      %broadcast_in_dim3A_25 = vector.broadcast %broadcast_in_dim3A : f32 to vector<16xf32>
      %mul3A_26 = arith.constant 16 : i32
      %mul3A_27 = arith.muli %scan3A_23, %mul3A_26 : i32
      %multiple_of3A_28 = tpu.assume_multiple %mul3A_27, 16 : i32
      %swap3A = arith.index_cast %multiple_of3A_28 : i32 to index
      %swap3A_29 = tpu.vector_load %arg40[%swap3A] {strides = array<i32>} : memref<6400xf32, #tpu.memory_space<vmem>>, vector<16xf32>,
      %swap3A_30 = vector.shape_cast %swap3A_29 : vector<16xf32> to vector<16xf32>
      %swap3A_31 = vector.shape_cast %broadcast_in_dim3A_25 : vector<16xf32> to vector<16xf32>
      tpu.vector_store %arg40[%swap3A], %swap3A_31 {strides = array<i32>} : memref<6400xf32, #tpu.memory_space<vmem>>, vector<16xf32>,
      %scan3A_32 = arith.constant 0 : i32
      scf.yield %scan3A_32 : i32
    }
    %scan3A_8 = arith.constant 400 : i32
    "tpu.region"() ({
      %run_scoped3A = tpu.sem_alloc : memref<!tpu.dma_semaphore, #tpu.memory_space<semaphore_mem>>
      %dma_start3A = tpu.memref_slice %arg18[%multiple_of3A] : memref<102400xf32, #tpu.memory_space<vmem_shared>> -> memref<6400xf32, #tpu.memory_space<vmem_shared>>
      %dma_start3A_23 = tpu.memref_slice %arg9[%multiple_of3A] : memref<102400xf32, #tpu.memory_space<hbm>> -> memref<6400xf32, #tpu.memory_space<hbm>>
      tpu.enqueue_dma source(%dma_start3A_23 : memref<6400xf32, #tpu.memory_space<hbm>>) target(%dma_start3A : memref<6400xf32, #tpu.memory_space<vmem_shared>>) target_semaphore(%run_scoped3A : memref<!tpu.dma_semaphore, #tpu.memory_space<semaphore_mem>>)
      %dma_wait3A = tpu.memref_slice %arg18[%multiple_of3A] : memref<102400xf32, #tpu.memory_space<vmem_shared>> -> memref<6400xf32, #tpu.memory_space<vmem_shared>>
      %dma_wait3A_24 = tpu.memref_slice %arg9[%multiple_of3A] : memref<102400xf32, #tpu.memory_space<hbm>> -> memref<6400xf32, #tpu.memory_space<hbm>>
      tpu.wait_dma2 semaphore(%run_scoped3A : memref<!tpu.dma_semaphore, #tpu.memory_space<semaphore_mem>>) src(%dma_wait3A_24 : memref<6400xf32, #tpu.memory_space<hbm>>) dst(%dma_wait3A : memref<6400xf32, #tpu.memory_space<vmem_shared>>)
      tpu.yield
    }) : () -> ()
    "tpu.region"() ({
      %run_scoped3A = tpu.sem_alloc : memref<!tpu.dma_semaphore, #tpu.memory_space<semaphore_mem>>
      %dma_start3A = tpu.memref_slice %arg19[%multiple_of3A] : memref<102400xf32, #tpu.memory_space<vmem_shared>> -> memref<6400xf32, #tpu.memory_space<vmem_shared>>
      %dma_start3A_23 = tpu.memref_slice %arg2[%multiple_of3A] : memref<921600xf32, #tpu.memory_space<hbm>> -> memref<6400xf32, #tpu.memory_space<hbm>>
      tpu.enqueue_dma source(%dma_start3A_23 : memref<6400xf32, #tpu.memory_space<hbm>>) target(%dma_start3A : memref<6400xf32, #tpu.memory_space<vmem_shared>>) target_semaphore(%run_scoped3A : memref<!tpu.dma_semaphore, #tpu.memory_space<semaphore_mem>>)
      %dma_wait3A = tpu.memref_slice %arg19[%multiple_of3A] : memref<102400xf32, #tpu.memory_space<vmem_shared>> -> memref<6400xf32, #tpu.memory_space<vmem_shared>>
      %dma_wait3A_24 = tpu.memref_slice %arg2[%multiple_of3A] : memref<921600xf32, #tpu.memory_space<hbm>> -> memref<6400xf32, #tpu.memory_space<hbm>>
      tpu.wait_dma2 semaphore(%run_scoped3A : memref<!tpu.dma_semaphore, #tpu.memory_space<semaphore_mem>>) src(%dma_wait3A_24 : memref<6400xf32, #tpu.memory_space<hbm>>) dst(%dma_wait3A : memref<6400xf32, #tpu.memory_space<vmem_shared>>)
      tpu.yield
    }) : () -> ()
    %barrier3A = arith.constant 0 : index
    tpu.barrier barrier_id(%barrier3A)
    %scan3A_9 = arith.constant 0 : i32
    %scan3A_10 = arith.constant 0 : i32
    %scan3A_11 = arith.constant 25 : i32
    %scan3A_12 = arith.addi %scan3A_10, %scan3A_11 : i32
    %scan3A_13 = arith.constant 1 : i32
    %scan3A_14 = scf.for %scan3A_23 = %scan3A_10 to %scan3A_12 step %scan3A_13 iter_args(%scan3A_24 = %scan3A_9) -> (i32)  : i32 {
      %mul3A_25 = arith.constant 32 : i32
      %mul3A_26 = arith.muli %scan3A_23, %mul3A_25 : i32
      %add3A = arith.addi %mul3A_2, %mul3A_26 : i32
      "tpu.region"() ({
        %run_scoped3A = tpu.sem_alloc : memref<!tpu.dma_semaphore, #tpu.memory_space<semaphore_mem>>
        %dma_start3A = arith.constant 0 : i32
        %dma_start3A_42 = tpu.memref_slice %arg3[%add3A, %dma_start3A] : memref<12800x128xi32, #tpu.memory_space<hbm>> -> memref<32x128xi32, #tpu.memory_space<hbm>>
        %dma_start3A_43 = arith.constant 0 : i32
        %dma_start3A_44 = tpu.memref_slice %arg3[%add3A, %dma_start3A_43] : memref<12800x128xi32, #tpu.memory_space<hbm>> -> memref<32x128xi32, #tpu.memory_space<hbm>>
        tpu.enqueue_dma source(%dma_start3A_44 : memref<32x128xi32, #tpu.memory_space<hbm>>) target(%arg25 : memref<32x128xi32, #tpu.memory_space<vmem>>) target_semaphore(%run_scoped3A : memref<!tpu.dma_semaphore, #tpu.memory_space<semaphore_mem>>)
        %dma_wait3A = arith.constant 0 : i32
        %dma_wait3A_45 = tpu.memref_slice %arg3[%add3A, %dma_wait3A] : memref<12800x128xi32, #tpu.memory_space<hbm>> -> memref<32x128xi32, #tpu.memory_space<hbm>>
        %dma_wait3A_46 = arith.constant 0 : i32
        %dma_wait3A_47 = tpu.memref_slice %arg3[%add3A, %dma_wait3A_46] : memref<12800x128xi32, #tpu.memory_space<hbm>> -> memref<32x128xi32, #tpu.memory_space<hbm>>
        tpu.wait_dma2 semaphore(%run_scoped3A : memref<!tpu.dma_semaphore, #tpu.memory_space<semaphore_mem>>) src(%dma_wait3A_47 : memref<32x128xi32, #tpu.memory_space<hbm>>) dst(%arg25 : memref<32x128xi32, #tpu.memory_space<vmem>>)
        tpu.yield
      }) : () -> ()
      "tpu.region"() ({
        %run_scoped3A = tpu.sem_alloc : memref<!tpu.dma_semaphore, #tpu.memory_space<semaphore_mem>>
        %dma_start3A = arith.constant 0 : i32
        %dma_start3A_42 = tpu.memref_slice %arg4[%add3A, %dma_start3A] : memref<12800x128xi32, #tpu.memory_space<hbm>> -> memref<32x128xi32, #tpu.memory_space<hbm>>
        %dma_start3A_43 = arith.constant 0 : i32
        %dma_start3A_44 = tpu.memref_slice %arg4[%add3A, %dma_start3A_43] : memref<12800x128xi32, #tpu.memory_space<hbm>> -> memref<32x128xi32, #tpu.memory_space<hbm>>
        tpu.enqueue_dma source(%dma_start3A_44 : memref<32x128xi32, #tpu.memory_space<hbm>>) target(%arg26 : memref<32x128xi32, #tpu.memory_space<vmem>>) target_semaphore(%run_scoped3A : memref<!tpu.dma_semaphore, #tpu.memory_space<semaphore_mem>>)
        %dma_wait3A = arith.constant 0 : i32
        %dma_wait3A_45 = tpu.memref_slice %arg4[%add3A, %dma_wait3A] : memref<12800x128xi32, #tpu.memory_space<hbm>> -> memref<32x128xi32, #tpu.memory_space<hbm>>
        %dma_wait3A_46 = arith.constant 0 : i32
        %dma_wait3A_47 = tpu.memref_slice %arg4[%add3A, %dma_wait3A_46] : memref<12800x128xi32, #tpu.memory_space<hbm>> -> memref<32x128xi32, #tpu.memory_space<hbm>>
        tpu.wait_dma2 semaphore(%run_scoped3A : memref<!tpu.dma_semaphore, #tpu.memory_space<semaphore_mem>>) src(%dma_wait3A_47 : memref<32x128xi32, #tpu.memory_space<hbm>>) dst(%arg26 : memref<32x128xi32, #tpu.memory_space<vmem>>)
        tpu.yield
      }) : () -> ()
      "tpu.region"() ({
        %run_scoped3A = tpu.sem_alloc : memref<!tpu.dma_semaphore, #tpu.memory_space<semaphore_mem>>
        %dma_start3A = arith.constant 0 : i32
        %dma_start3A_42 = tpu.memref_slice %arg5[%add3A, %dma_start3A] : memref<12800x128xf32, #tpu.memory_space<hbm>> -> memref<32x128xf32, #tpu.memory_space<hbm>>
        %dma_start3A_43 = arith.constant 0 : i32
        %dma_start3A_44 = tpu.memref_slice %arg5[%add3A, %dma_start3A_43] : memref<12800x128xf32, #tpu.memory_space<hbm>> -> memref<32x128xf32, #tpu.memory_space<hbm>>
        tpu.enqueue_dma source(%dma_start3A_44 : memref<32x128xf32, #tpu.memory_space<hbm>>) target(%arg27 : memref<32x128xf32, #tpu.memory_space<vmem>>) target_semaphore(%run_scoped3A : memref<!tpu.dma_semaphore, #tpu.memory_space<semaphore_mem>>)
        %dma_wait3A = arith.constant 0 : i32
        %dma_wait3A_45 = tpu.memref_slice %arg5[%add3A, %dma_wait3A] : memref<12800x128xf32, #tpu.memory_space<hbm>> -> memref<32x128xf32, #tpu.memory_space<hbm>>
        %dma_wait3A_46 = arith.constant 0 : i32
        %dma_wait3A_47 = tpu.memref_slice %arg5[%add3A, %dma_wait3A_46] : memref<12800x128xf32, #tpu.memory_space<hbm>> -> memref<32x128xf32, #tpu.memory_space<hbm>>
        tpu.wait_dma2 semaphore(%run_scoped3A : memref<!tpu.dma_semaphore, #tpu.memory_space<semaphore_mem>>) src(%dma_wait3A_47 : memref<32x128xf32, #tpu.memory_space<hbm>>) dst(%arg27 : memref<32x128xf32, #tpu.memory_space<vmem>>)
        tpu.yield
      }) : () -> ()
      "tpu.region"() ({
        %run_scoped3A = tpu.sem_alloc : memref<!tpu.dma_semaphore, #tpu.memory_space<semaphore_mem>>
        %dma_start3A = arith.constant 0 : i32
        %dma_start3A_42 = tpu.memref_slice %arg6[%add3A, %dma_start3A] : memref<12800x128xf32, #tpu.memory_space<hbm>> -> memref<32x128xf32, #tpu.memory_space<hbm>>
        %dma_start3A_43 = arith.constant 0 : i32
        %dma_start3A_44 = tpu.memref_slice %arg6[%add3A, %dma_start3A_43] : memref<12800x128xf32, #tpu.memory_space<hbm>> -> memref<32x128xf32, #tpu.memory_space<hbm>>
        tpu.enqueue_dma source(%dma_start3A_44 : memref<32x128xf32, #tpu.memory_space<hbm>>) target(%arg28 : memref<32x128xf32, #tpu.memory_space<vmem>>) target_semaphore(%run_scoped3A : memref<!tpu.dma_semaphore, #tpu.memory_space<semaphore_mem>>)
        %dma_wait3A = arith.constant 0 : i32
        %dma_wait3A_45 = tpu.memref_slice %arg6[%add3A, %dma_wait3A] : memref<12800x128xf32, #tpu.memory_space<hbm>> -> memref<32x128xf32, #tpu.memory_space<hbm>>
        %dma_wait3A_46 = arith.constant 0 : i32
        %dma_wait3A_47 = tpu.memref_slice %arg6[%add3A, %dma_wait3A_46] : memref<12800x128xf32, #tpu.memory_space<hbm>> -> memref<32x128xf32, #tpu.memory_space<hbm>>
        tpu.wait_dma2 semaphore(%run_scoped3A : memref<!tpu.dma_semaphore, #tpu.memory_space<semaphore_mem>>) src(%dma_wait3A_47 : memref<32x128xf32, #tpu.memory_space<hbm>>) dst(%arg28 : memref<32x128xf32, #tpu.memory_space<vmem>>)
        tpu.yield
      }) : () -> ()
      "tpu.region"() ({
        %run_scoped3A = tpu.sem_alloc : memref<!tpu.dma_semaphore, #tpu.memory_space<semaphore_mem>>
        %dma_start3A = arith.constant 0 : i32
        %dma_start3A_42 = tpu.memref_slice %arg7[%add3A, %dma_start3A] : memref<12800x128xf32, #tpu.memory_space<hbm>> -> memref<32x128xf32, #tpu.memory_space<hbm>>
        %dma_start3A_43 = arith.constant 0 : i32
        %dma_start3A_44 = tpu.memref_slice %arg7[%add3A, %dma_start3A_43] : memref<12800x128xf32, #tpu.memory_space<hbm>> -> memref<32x128xf32, #tpu.memory_space<hbm>>
        tpu.enqueue_dma source(%dma_start3A_44 : memref<32x128xf32, #tpu.memory_space<hbm>>) target(%arg29 : memref<32x128xf32, #tpu.memory_space<vmem>>) target_semaphore(%run_scoped3A : memref<!tpu.dma_semaphore, #tpu.memory_space<semaphore_mem>>)
        %dma_wait3A = arith.constant 0 : i32
        %dma_wait3A_45 = tpu.memref_slice %arg7[%add3A, %dma_wait3A] : memref<12800x128xf32, #tpu.memory_space<hbm>> -> memref<32x128xf32, #tpu.memory_space<hbm>>
        %dma_wait3A_46 = arith.constant 0 : i32
        %dma_wait3A_47 = tpu.memref_slice %arg7[%add3A, %dma_wait3A_46] : memref<12800x128xf32, #tpu.memory_space<hbm>> -> memref<32x128xf32, #tpu.memory_space<hbm>>
        tpu.wait_dma2 semaphore(%run_scoped3A : memref<!tpu.dma_semaphore, #tpu.memory_space<semaphore_mem>>) src(%dma_wait3A_47 : memref<32x128xf32, #tpu.memory_space<hbm>>) dst(%arg29 : memref<32x128xf32, #tpu.memory_space<vmem>>)
        tpu.yield
      }) : () -> ()
      "tpu.region"() ({
        %run_scoped3A = tpu.sem_alloc : memref<!tpu.dma_semaphore, #tpu.memory_space<semaphore_mem>>
        %dma_start3A = arith.constant 0 : i32
        %dma_start3A_42 = tpu.memref_slice %arg8[%add3A, %dma_start3A] : memref<12800x128xf32, #tpu.memory_space<hbm>> -> memref<32x128xf32, #tpu.memory_space<hbm>>
        %dma_start3A_43 = arith.constant 0 : i32
        %dma_start3A_44 = tpu.memref_slice %arg8[%add3A, %dma_start3A_43] : memref<12800x128xf32, #tpu.memory_space<hbm>> -> memref<32x128xf32, #tpu.memory_space<hbm>>
        tpu.enqueue_dma source(%dma_start3A_44 : memref<32x128xf32, #tpu.memory_space<hbm>>) target(%arg30 : memref<32x128xf32, #tpu.memory_space<vmem>>) target_semaphore(%run_scoped3A : memref<!tpu.dma_semaphore, #tpu.memory_space<semaphore_mem>>)
        %dma_wait3A = arith.constant 0 : i32
        %dma_wait3A_45 = tpu.memref_slice %arg8[%add3A, %dma_wait3A] : memref<12800x128xf32, #tpu.memory_space<hbm>> -> memref<32x128xf32, #tpu.memory_space<hbm>>
        %dma_wait3A_46 = arith.constant 0 : i32
        %dma_wait3A_47 = tpu.memref_slice %arg8[%add3A, %dma_wait3A_46] : memref<12800x128xf32, #tpu.memory_space<hbm>> -> memref<32x128xf32, #tpu.memory_space<hbm>>
        tpu.wait_dma2 semaphore(%run_scoped3A : memref<!tpu.dma_semaphore, #tpu.memory_space<semaphore_mem>>) src(%dma_wait3A_47 : memref<32x128xf32, #tpu.memory_space<hbm>>) dst(%arg30 : memref<32x128xf32, #tpu.memory_space<vmem>>)
        tpu.yield
      }) : () -> ()
      %scan3A_27 = arith.constant 0 : i32
      %scan3A_28 = arith.constant 0 : i32
      %scan3A_29 = arith.constant 32 : i32
      %scan3A_30 = arith.addi %scan3A_28, %scan3A_29 : i32
      %scan3A_31 = arith.constant 1 : i32
      %scan3A_32 = scf.for %scan3A_42 = %scan3A_28 to %scan3A_30 step %scan3A_31 iter_args(%scan3A_43 = %scan3A_27) -> (i32)  : i32 {
        %dma_start3A = arith.constant 0 : i32
        %dma_start3A_44 = tpu.memref_slice %arg31[%scan3A_42, %dma_start3A] : memref<32x128xf32, #tpu.memory_space<vmem>> -> memref<1x128xf32, #tpu.memory_space<vmem>>
        %dma_start3A_45 = tpu.memref_squeeze %dma_start3A_44 : memref<1x128xf32, #tpu.memory_space<vmem>> -> memref<128xf32, #tpu.memory_space<vmem>>
        %dma_start3A_46 = arith.constant 0 : i32
        %dma_start3A_47 = tpu.memref_slice %arg25[%scan3A_42, %dma_start3A_46] : memref<32x128xi32, #tpu.memory_space<vmem>> -> memref<1x128xi32, #tpu.memory_space<vmem>>
        %dma_start3A_48 = tpu.memref_squeeze %dma_start3A_47 : memref<1x128xi32, #tpu.memory_space<vmem>> -> memref<128xi32, #tpu.memory_space<vmem>>
        %dma_start3A_49 = arith.constant 0 : i32
        %dma_start3A_50 = tpu.memref_slice %arg18[%dma_start3A_49] : memref<102400xf32, #tpu.memory_space<vmem_shared>> -> memref<102400xf32, #tpu.memory_space<vmem_shared>>
        tpu.enqueue_indirect_dma source(%dma_start3A_50 : memref<102400xf32, #tpu.memory_space<vmem_shared>>) target(%dma_start3A_45 : memref<128xf32, #tpu.memory_space<vmem>>) offsets(%dma_start3A_48 : memref<128xi32, #tpu.memory_space<vmem>>) semaphore(%arg42 : memref<!tpu.dma_semaphore, #tpu.memory_space<semaphore_mem>>)
        %dma_start3A_51 = arith.constant 0 : i32
        %dma_start3A_52 = tpu.memref_slice %arg32[%scan3A_42, %dma_start3A_51] : memref<32x128xf32, #tpu.memory_space<vmem>> -> memref<1x128xf32, #tpu.memory_space<vmem>>
        %dma_start3A_53 = tpu.memref_squeeze %dma_start3A_52 : memref<1x128xf32, #tpu.memory_space<vmem>> -> memref<128xf32, #tpu.memory_space<vmem>>
        %dma_start3A_54 = arith.constant 0 : i32
        %dma_start3A_55 = tpu.memref_slice %arg26[%scan3A_42, %dma_start3A_54] : memref<32x128xi32, #tpu.memory_space<vmem>> -> memref<1x128xi32, #tpu.memory_space<vmem>>
        %dma_start3A_56 = tpu.memref_squeeze %dma_start3A_55 : memref<1x128xi32, #tpu.memory_space<vmem>> -> memref<128xi32, #tpu.memory_space<vmem>>
        %dma_start3A_57 = arith.constant 0 : i32
        %dma_start3A_58 = tpu.memref_slice %arg18[%dma_start3A_57] : memref<102400xf32, #tpu.memory_space<vmem_shared>> -> memref<102400xf32, #tpu.memory_space<vmem_shared>>
        tpu.enqueue_indirect_dma source(%dma_start3A_58 : memref<102400xf32, #tpu.memory_space<vmem_shared>>) target(%dma_start3A_53 : memref<128xf32, #tpu.memory_space<vmem>>) offsets(%dma_start3A_56 : memref<128xi32, #tpu.memory_space<vmem>>) semaphore(%arg42 : memref<!tpu.dma_semaphore, #tpu.memory_space<semaphore_mem>>)
        %dma_wait3A = arith.constant 0 : i32
        %dma_wait3A_59 = tpu.memref_slice %arg31[%scan3A_42, %dma_wait3A] : memref<32x128xf32, #tpu.memory_space<vmem>> -> memref<1x128xf32, #tpu.memory_space<vmem>>
        %dma_wait3A_60 = tpu.memref_squeeze %dma_wait3A_59 : memref<1x128xf32, #tpu.memory_space<vmem>> -> memref<128xf32, #tpu.memory_space<vmem>>
        %dma_wait3A_61 = arith.constant 0 : i32
        %dma_wait3A_62 = tpu.memref_slice %arg25[%scan3A_42, %dma_wait3A_61] : memref<32x128xi32, #tpu.memory_space<vmem>> -> memref<1x128xi32, #tpu.memory_space<vmem>>
        %dma_wait3A_63 = tpu.memref_squeeze %dma_wait3A_62 : memref<1x128xi32, #tpu.memory_space<vmem>> -> memref<128xi32, #tpu.memory_space<vmem>>
        %dma_wait3A_64 = arith.constant 0 : i32
        %dma_wait3A_65 = tpu.memref_slice %arg18[%dma_wait3A_64] : memref<102400xf32, #tpu.memory_space<vmem_shared>> -> memref<102400xf32, #tpu.memory_space<vmem_shared>>
        tpu.wait_indirect_dma semaphore(%arg42 : memref<!tpu.dma_semaphore, #tpu.memory_space<semaphore_mem>>) src(%dma_wait3A_65 : memref<102400xf32, #tpu.memory_space<vmem_shared>>) dst(%dma_wait3A_60 : memref<128xf32, #tpu.memory_space<vmem>>)
        %dma_wait3A_66 = arith.constant 0 : i32
        %dma_wait3A_67 = tpu.memref_slice %arg32[%scan3A_42, %dma_wait3A_66] : memref<32x128xf32, #tpu.memory_space<vmem>> -> memref<1x128xf32, #tpu.memory_space<vmem>>
        %dma_wait3A_68 = tpu.memref_squeeze %dma_wait3A_67 : memref<1x128xf32, #tpu.memory_space<vmem>> -> memref<128xf32, #tpu.memory_space<vmem>>
        %dma_wait3A_69 = arith.constant 0 : i32
        %dma_wait3A_70 = tpu.memref_slice %arg26[%scan3A_42, %dma_wait3A_69] : memref<32x128xi32, #tpu.memory_space<vmem>> -> memref<1x128xi32, #tpu.memory_space<vmem>>
        %dma_wait3A_71 = tpu.memref_squeeze %dma_wait3A_70 : memref<1x128xi32, #tpu.memory_space<vmem>> -> memref<128xi32, #tpu.memory_space<vmem>>
        %dma_wait3A_72 = arith.constant 0 : i32
        %dma_wait3A_73 = tpu.memref_slice %arg18[%dma_wait3A_72] : memref<102400xf32, #tpu.memory_space<vmem_shared>> -> memref<102400xf32, #tpu.memory_space<vmem_shared>>
        tpu.wait_indirect_dma semaphore(%arg42 : memref<!tpu.dma_semaphore, #tpu.memory_space<semaphore_mem>>) src(%dma_wait3A_73 : memref<102400xf32, #tpu.memory_space<vmem_shared>>) dst(%dma_wait3A_68 : memref<128xf32, #tpu.memory_space<vmem>>)
        %scan3A_74 = arith.constant 0 : i32
        scf.yield %scan3A_74 : i32
      }
      %scan3A_33 = arith.constant 32 : i32
      %scan3A_34 = arith.constant 0 : i32
      %scan3A_35 = arith.constant 0 : i32
      %scan3A_36 = arith.constant 32 : i32
      %scan3A_37 = arith.addi %scan3A_35, %scan3A_36 : i32
      %scan3A_38 = arith.constant 1 : i32
      %scan3A_39 = scf.for %scan3A_42 = %scan3A_35 to %scan3A_37 step %scan3A_38 iter_args(%scan3A_43 = %scan3A_34) -> (i32)  : i32 {
        %scan3A_44 = arith.constant 0 : i32
        %scan3A_45 = arith.constant 0 : i32
        %scan3A_46 = arith.constant 8 : i32
        %scan3A_47 = arith.addi %scan3A_45, %scan3A_46 : i32
        %scan3A_48 = arith.constant 1 : i32
        %scan3A_49 = scf.for %scan3A_52 = %scan3A_45 to %scan3A_47 step %scan3A_48 iter_args(%scan3A_53 = %scan3A_44) -> (i32)  : i32 {
          %mul3A_54 = arith.constant 16 : i32
          %mul3A_55 = arith.muli %scan3A_52, %mul3A_54 : i32
          %multiple_of3A_56 = tpu.assume_multiple %mul3A_55, 16 : i32
          %get3A = arith.index_cast %scan3A_42 : i32 to index
          %get3A_57 = arith.index_cast %multiple_of3A_56 : i32 to index
          %get3A_58 = tpu.vector_load %arg27[%get3A, %get3A_57] {strides = array<i32>} : memref<32x128xf32, #tpu.memory_space<vmem>>, vector<1x16xf32>,
          %get3A_59 = vector.shape_cast %get3A_58 : vector<1x16xf32> to vector<16xf32>
          %convert_element_type3A = arith.truncf %get3A_59 : vector<16xf32> to vector<16xbf16>
          %convert_element_type3A_60 = arith.extf %convert_element_type3A : vector<16xbf16> to vector<16xf32>
          %get3A_61 = arith.index_cast %scan3A_42 : i32 to index
          %get3A_62 = arith.index_cast %multiple_of3A_56 : i32 to index
          %get3A_63 = tpu.vector_load %arg28[%get3A_61, %get3A_62] {strides = array<i32>} : memref<32x128xf32, #tpu.memory_space<vmem>>, vector<1x16xf32>,
          %get3A_64 = vector.shape_cast %get3A_63 : vector<1x16xf32> to vector<16xf32>
          %convert_element_type3A_65 = arith.truncf %get3A_64 : vector<16xf32> to vector<16xbf16>
          %convert_element_type3A_66 = arith.extf %convert_element_type3A_65 : vector<16xbf16> to vector<16xf32>
          %get3A_67 = arith.constant 288 : index
          %get3A_68 = tpu.vector_load %arg41[%get3A_67] {strides = array<i32>} : memref<480xf32, #tpu.memory_space<vmem>>, vector<16xf32>,
          %get3A_69 = vector.shape_cast %get3A_68 : vector<16xf32> to vector<16xf32>
          %mul3A_70 = arith.mulf %convert_element_type3A_60, %get3A_69 : vector<16xf32>
          %get3A_71 = arith.constant 304 : index
          %get3A_72 = tpu.vector_load %arg41[%get3A_71] {strides = array<i32>} : memref<480xf32, #tpu.memory_space<vmem>>, vector<16xf32>,
          %get3A_73 = vector.shape_cast %get3A_72 : vector<16xf32> to vector<16xf32>
          %mul3A_74 = arith.mulf %convert_element_type3A_66, %get3A_73 : vector<16xf32>
          %add3A_75 = arith.addf %mul3A_70, %mul3A_74 : vector<16xf32>
          %get3A_76 = arith.constant 320 : index
          %get3A_77 = tpu.vector_load %arg41[%get3A_76] {strides = array<i32>} : memref<480xf32, #tpu.memory_space<vmem>>, vector<16xf32>,
          %get3A_78 = vector.shape_cast %get3A_77 : vector<16xf32> to vector<16xf32>
          %add3A_79 = arith.addf %add3A_75, %get3A_78 : vector<16xf32>
          %swap3A = arith.index_cast %scan3A_42 : i32 to index
          %swap3A_80 = arith.index_cast %multiple_of3A_56 : i32 to index
          %swap3A_81 = tpu.vector_load %arg33[%swap3A, %swap3A_80] {strides = array<i32>} : memref<32x128xf32, #tpu.memory_space<vmem>>, vector<1x16xf32>,
          %swap3A_82 = vector.shape_cast %swap3A_81 : vector<1x16xf32> to vector<16xf32>
          %swap3A_83 = vector.shape_cast %add3A_79 : vector<16xf32> to vector<1x16xf32>
          tpu.vector_store %arg33[%swap3A, %swap3A_80], %swap3A_83 {strides = array<i32>} : memref<32x128xf32, #tpu.memory_space<vmem>>, vector<1x16xf32>,
          %get3A_84 = arith.constant 336 : index
          %get3A_85 = tpu.vector_load %arg41[%get3A_84] {strides = array<i32>} : memref<480xf32, #tpu.memory_space<vmem>>, vector<16xf32>,
          %get3A_86 = vector.shape_cast %get3A_85 : vector<16xf32> to vector<16xf32>
          %mul3A_87 = arith.mulf %convert_element_type3A_60, %get3A_86 : vector<16xf32>
          %get3A_88 = arith.constant 352 : index
          %get3A_89 = tpu.vector_load %arg41[%get3A_88] {strides = array<i32>} : memref<480xf32, #tpu.memory_space<vmem>>, vector<16xf32>,
          %get3A_90 = vector.shape_cast %get3A_89 : vector<16xf32> to vector<16xf32>
          %mul3A_91 = arith.mulf %convert_element_type3A_66, %get3A_90 : vector<16xf32>
          %add3A_92 = arith.addf %mul3A_87, %mul3A_91 : vector<16xf32>
          %get3A_93 = arith.constant 368 : index
          %get3A_94 = tpu.vector_load %arg41[%get3A_93] {strides = array<i32>} : memref<480xf32, #tpu.memory_space<vmem>>, vector<16xf32>,
          %get3A_95 = vector.shape_cast %get3A_94 : vector<16xf32> to vector<16xf32>
          %add3A_96 = arith.addf %add3A_92, %get3A_95 : vector<16xf32>
          %swap3A_97 = arith.index_cast %scan3A_42 : i32 to index
          %swap3A_98 = arith.index_cast %multiple_of3A_56 : i32 to index
          %swap3A_99 = tpu.vector_load %arg34[%swap3A_97, %swap3A_98] {strides = array<i32>} : memref<32x128xf32, #tpu.memory_space<vmem>>, vector<1x16xf32>,
          %swap3A_100 = vector.shape_cast %swap3A_99 : vector<1x16xf32> to vector<16xf32>
          %swap3A_101 = vector.shape_cast %add3A_96 : vector<16xf32> to vector<1x16xf32>
          tpu.vector_store %arg34[%swap3A_97, %swap3A_98], %swap3A_101 {strides = array<i32>} : memref<32x128xf32, #tpu.memory_space<vmem>>, vector<1x16xf32>,
          %get3A_102 = arith.constant 384 : index
          %get3A_103 = tpu.vector_load %arg41[%get3A_102] {strides = array<i32>} : memref<480xf32, #tpu.memory_space<vmem>>, vector<16xf32>,
          %get3A_104 = vector.shape_cast %get3A_103 : vector<16xf32> to vector<16xf32>
          %mul3A_105 = arith.mulf %convert_element_type3A_60, %get3A_104 : vector<16xf32>
          %get3A_106 = arith.constant 400 : index
          %get3A_107 = tpu.vector_load %arg41[%get3A_106] {strides = array<i32>} : memref<480xf32, #tpu.memory_space<vmem>>, vector<16xf32>,
          %get3A_108 = vector.shape_cast %get3A_107 : vector<16xf32> to vector<16xf32>
          %mul3A_109 = arith.mulf %convert_element_type3A_66, %get3A_108 : vector<16xf32>
          %add3A_110 = arith.addf %mul3A_105, %mul3A_109 : vector<16xf32>
          %get3A_111 = arith.constant 416 : index
          %get3A_112 = tpu.vector_load %arg41[%get3A_111] {strides = array<i32>} : memref<480xf32, #tpu.memory_space<vmem>>, vector<16xf32>,
          %get3A_113 = vector.shape_cast %get3A_112 : vector<16xf32> to vector<16xf32>
          %add3A_114 = arith.addf %add3A_110, %get3A_113 : vector<16xf32>
          %swap3A_115 = arith.index_cast %scan3A_42 : i32 to index
          %swap3A_116 = arith.index_cast %multiple_of3A_56 : i32 to index
          %swap3A_117 = tpu.vector_load %arg35[%swap3A_115, %swap3A_116] {strides = array<i32>} : memref<32x128xf32, #tpu.memory_space<vmem>>, vector<1x16xf32>,
          %swap3A_118 = vector.shape_cast %swap3A_117 : vector<1x16xf32> to vector<16xf32>
          %swap3A_119 = vector.shape_cast %add3A_114 : vector<16xf32> to vector<1x16xf32>
          tpu.vector_store %arg35[%swap3A_115, %swap3A_116], %swap3A_119 {strides = array<i32>} : memref<32x128xf32, #tpu.memory_space<vmem>>, vector<1x16xf32>,
          %get3A_120 = arith.constant 432 : index
          %get3A_121 = tpu.vector_load %arg41[%get3A_120] {strides = array<i32>} : memref<480xf32, #tpu.memory_space<vmem>>, vector<16xf32>,
          %get3A_122 = vector.shape_cast %get3A_121 : vector<16xf32> to vector<16xf32>
          %mul3A_123 = arith.mulf %convert_element_type3A_60, %get3A_122 : vector<16xf32>
          %get3A_124 = arith.constant 448 : index
          %get3A_125 = tpu.vector_load %arg41[%get3A_124] {strides = array<i32>} : memref<480xf32, #tpu.memory_space<vmem>>, vector<16xf32>,
          %get3A_126 = vector.shape_cast %get3A_125 : vector<16xf32> to vector<16xf32>
          %mul3A_127 = arith.mulf %convert_element_type3A_66, %get3A_126 : vector<16xf32>
          %add3A_128 = arith.addf %mul3A_123, %mul3A_127 : vector<16xf32>
          %get3A_129 = arith.constant 464 : index
          %get3A_130 = tpu.vector_load %arg41[%get3A_129] {strides = array<i32>} : memref<480xf32, #tpu.memory_space<vmem>>, vector<16xf32>,
          %get3A_131 = vector.shape_cast %get3A_130 : vector<16xf32> to vector<16xf32>
          %add3A_132 = arith.addf %add3A_128, %get3A_131 : vector<16xf32>
          %swap3A_133 = arith.index_cast %scan3A_42 : i32 to index
          %swap3A_134 = arith.index_cast %multiple_of3A_56 : i32 to index
          %swap3A_135 = tpu.vector_load %arg36[%swap3A_133, %swap3A_134] {strides = array<i32>} : memref<32x128xf32, #tpu.memory_space<vmem>>, vector<1x16xf32>,
          %swap3A_136 = vector.shape_cast %swap3A_135 : vector<1x16xf32> to vector<16xf32>
          %swap3A_137 = vector.shape_cast %add3A_132 : vector<16xf32> to vector<1x16xf32>
          tpu.vector_store %arg36[%swap3A_133, %swap3A_134], %swap3A_137 {strides = array<i32>} : memref<32x128xf32, #tpu.memory_space<vmem>>, vector<1x16xf32>,
          %get3A_138 = arith.index_cast %scan3A_42 : i32 to index
          %get3A_139 = arith.index_cast %multiple_of3A_56 : i32 to index
          %get3A_140 = tpu.vector_load %arg31[%get3A_138, %get3A_139] {strides = array<i32>} : memref<32x128xf32, #tpu.memory_space<vmem>>, vector<1x16xf32>,
          %get3A_141 = vector.shape_cast %get3A_140 : vector<1x16xf32> to vector<16xf32>
          %get3A_142 = arith.index_cast %scan3A_42 : i32 to index
          %get3A_143 = arith.index_cast %multiple_of3A_56 : i32 to index
          %get3A_144 = tpu.vector_load %arg30[%get3A_142, %get3A_143] {strides = array<i32>} : memref<32x128xf32, #tpu.memory_space<vmem>>, vector<1x16xf32>,
          %get3A_145 = vector.shape_cast %get3A_144 : vector<1x16xf32> to vector<16xf32>
          %add3A_146 = arith.addf %get3A_141, %get3A_145 : vector<16xf32>
          %swap3A_147 = arith.index_cast %scan3A_42 : i32 to index
          %swap3A_148 = arith.index_cast %multiple_of3A_56 : i32 to index
          %swap3A_149 = tpu.vector_load %arg37[%swap3A_147, %swap3A_148] {strides = array<i32>} : memref<32x128xf32, #tpu.memory_space<vmem>>, vector<1x16xf32>,
          %swap3A_150 = vector.shape_cast %swap3A_149 : vector<1x16xf32> to vector<16xf32>
          %swap3A_151 = vector.shape_cast %add3A_146 : vector<16xf32> to vector<1x16xf32>
          tpu.vector_store %arg37[%swap3A_147, %swap3A_148], %swap3A_151 {strides = array<i32>} : memref<32x128xf32, #tpu.memory_space<vmem>>, vector<1x16xf32>,
          %get3A_152 = arith.index_cast %scan3A_42 : i32 to index
          %get3A_153 = arith.index_cast %multiple_of3A_56 : i32 to index
          %get3A_154 = tpu.vector_load %arg32[%get3A_152, %get3A_153] {strides = array<i32>} : memref<32x128xf32, #tpu.memory_space<vmem>>, vector<1x16xf32>,
          %get3A_155 = vector.shape_cast %get3A_154 : vector<1x16xf32> to vector<16xf32>
          %get3A_156 = arith.index_cast %scan3A_42 : i32 to index
          %get3A_157 = arith.index_cast %multiple_of3A_56 : i32 to index
          %get3A_158 = tpu.vector_load %arg29[%get3A_156, %get3A_157] {strides = array<i32>} : memref<32x128xf32, #tpu.memory_space<vmem>>, vector<1x16xf32>,
          %get3A_159 = vector.shape_cast %get3A_158 : vector<1x16xf32> to vector<16xf32>
          %add3A_160 = arith.addf %get3A_155, %get3A_159 : vector<16xf32>
          %swap3A_161 = arith.index_cast %scan3A_42 : i32 to index
          %swap3A_162 = arith.index_cast %multiple_of3A_56 : i32 to index
          %swap3A_163 = tpu.vector_load %arg38[%swap3A_161, %swap3A_162] {strides = array<i32>} : memref<32x128xf32, #tpu.memory_space<vmem>>, vector<1x16xf32>,
          %swap3A_164 = vector.shape_cast %swap3A_163 : vector<1x16xf32> to vector<16xf32>
          %swap3A_165 = vector.shape_cast %add3A_160 : vector<16xf32> to vector<1x16xf32>
          tpu.vector_store %arg38[%swap3A_161, %swap3A_162], %swap3A_165 {strides = array<i32>} : memref<32x128xf32, #tpu.memory_space<vmem>>, vector<1x16xf32>,
          %scan3A_166 = arith.constant 0 : i32
          scf.yield %scan3A_166 : i32
        }
        %scan3A_50 = arith.constant 8 : i32
        %scan3A_51 = arith.constant 0 : i32
        scf.yield %scan3A_51 : i32
      }
      %scan3A_40 = arith.constant 32 : i32
      "tpu.region"() ({
        %run_scoped3A = tpu.sem_alloc : memref<!tpu.dma_semaphore, #tpu.memory_space<semaphore_mem>>
        %dma_start3A = arith.constant 0 : i32
        %dma_start3A_42 = tpu.memref_slice %arg12[%add3A, %dma_start3A] : memref<12800x128xf32, #tpu.memory_space<hbm>> -> memref<32x128xf32, #tpu.memory_space<hbm>>
        %dma_start3A_43 = arith.constant 0 : i32
        %dma_start3A_44 = tpu.memref_slice %arg12[%add3A, %dma_start3A_43] : memref<12800x128xf32, #tpu.memory_space<hbm>> -> memref<32x128xf32, #tpu.memory_space<hbm>>
        tpu.enqueue_dma source(%arg33 : memref<32x128xf32, #tpu.memory_space<vmem>>) target(%dma_start3A_44 : memref<32x128xf32, #tpu.memory_space<hbm>>) target_semaphore(%run_scoped3A : memref<!tpu.dma_semaphore, #tpu.memory_space<semaphore_mem>>)
        %dma_wait3A = arith.constant 0 : i32
        %dma_wait3A_45 = tpu.memref_slice %arg12[%add3A, %dma_wait3A] : memref<12800x128xf32, #tpu.memory_space<hbm>> -> memref<32x128xf32, #tpu.memory_space<hbm>>
        %dma_wait3A_46 = arith.constant 0 : i32
        %dma_wait3A_47 = tpu.memref_slice %arg12[%add3A, %dma_wait3A_46] : memref<12800x128xf32, #tpu.memory_space<hbm>> -> memref<32x128xf32, #tpu.memory_space<hbm>>
        tpu.wait_dma2 semaphore(%run_scoped3A : memref<!tpu.dma_semaphore, #tpu.memory_space<semaphore_mem>>) src(%arg33 : memref<32x128xf32, #tpu.memory_space<vmem>>) dst(%dma_wait3A_47 : memref<32x128xf32, #tpu.memory_space<hbm>>)
        tpu.yield
      }) : () -> ()
      "tpu.region"() ({
        %run_scoped3A = tpu.sem_alloc : memref<!tpu.dma_semaphore, #tpu.memory_space<semaphore_mem>>
        %dma_start3A = arith.constant 0 : i32
        %dma_start3A_42 = tpu.memref_slice %arg13[%add3A, %dma_start3A] : memref<12800x128xf32, #tpu.memory_space<hbm>> -> memref<32x128xf32, #tpu.memory_space<hbm>>
        %dma_start3A_43 = arith.constant 0 : i32
        %dma_start3A_44 = tpu.memref_slice %arg13[%add3A, %dma_start3A_43] : memref<12800x128xf32, #tpu.memory_space<hbm>> -> memref<32x128xf32, #tpu.memory_space<hbm>>
        tpu.enqueue_dma source(%arg34 : memref<32x128xf32, #tpu.memory_space<vmem>>) target(%dma_start3A_44 : memref<32x128xf32, #tpu.memory_space<hbm>>) target_semaphore(%run_scoped3A : memref<!tpu.dma_semaphore, #tpu.memory_space<semaphore_mem>>)
        %dma_wait3A = arith.constant 0 : i32
        %dma_wait3A_45 = tpu.memref_slice %arg13[%add3A, %dma_wait3A] : memref<12800x128xf32, #tpu.memory_space<hbm>> -> memref<32x128xf32, #tpu.memory_space<hbm>>
        %dma_wait3A_46 = arith.constant 0 : i32
        %dma_wait3A_47 = tpu.memref_slice %arg13[%add3A, %dma_wait3A_46] : memref<12800x128xf32, #tpu.memory_space<hbm>> -> memref<32x128xf32, #tpu.memory_space<hbm>>
        tpu.wait_dma2 semaphore(%run_scoped3A : memref<!tpu.dma_semaphore, #tpu.memory_space<semaphore_mem>>) src(%arg34 : memref<32x128xf32, #tpu.memory_space<vmem>>) dst(%dma_wait3A_47 : memref<32x128xf32, #tpu.memory_space<hbm>>)
        tpu.yield
      }) : () -> ()
      "tpu.region"() ({
        %run_scoped3A = tpu.sem_alloc : memref<!tpu.dma_semaphore, #tpu.memory_space<semaphore_mem>>
        %dma_start3A = arith.constant 0 : i32
        %dma_start3A_42 = tpu.memref_slice %arg14[%add3A, %dma_start3A] : memref<12800x128xf32, #tpu.memory_space<hbm>> -> memref<32x128xf32, #tpu.memory_space<hbm>>
        %dma_start3A_43 = arith.constant 0 : i32
        %dma_start3A_44 = tpu.memref_slice %arg14[%add3A, %dma_start3A_43] : memref<12800x128xf32, #tpu.memory_space<hbm>> -> memref<32x128xf32, #tpu.memory_space<hbm>>
        tpu.enqueue_dma source(%arg35 : memref<32x128xf32, #tpu.memory_space<vmem>>) target(%dma_start3A_44 : memref<32x128xf32, #tpu.memory_space<hbm>>) target_semaphore(%run_scoped3A : memref<!tpu.dma_semaphore, #tpu.memory_space<semaphore_mem>>)
        %dma_wait3A = arith.constant 0 : i32
        %dma_wait3A_45 = tpu.memref_slice %arg14[%add3A, %dma_wait3A] : memref<12800x128xf32, #tpu.memory_space<hbm>> -> memref<32x128xf32, #tpu.memory_space<hbm>>
        %dma_wait3A_46 = arith.constant 0 : i32
        %dma_wait3A_47 = tpu.memref_slice %arg14[%add3A, %dma_wait3A_46] : memref<12800x128xf32, #tpu.memory_space<hbm>> -> memref<32x128xf32, #tpu.memory_space<hbm>>
        tpu.wait_dma2 semaphore(%run_scoped3A : memref<!tpu.dma_semaphore, #tpu.memory_space<semaphore_mem>>) src(%arg35 : memref<32x128xf32, #tpu.memory_space<vmem>>) dst(%dma_wait3A_47 : memref<32x128xf32, #tpu.memory_space<hbm>>)
        tpu.yield
      }) : () -> ()
      "tpu.region"() ({
        %run_scoped3A = tpu.sem_alloc : memref<!tpu.dma_semaphore, #tpu.memory_space<semaphore_mem>>
        %dma_start3A = arith.constant 0 : i32
        %dma_start3A_42 = tpu.memref_slice %arg15[%add3A, %dma_start3A] : memref<12800x128xf32, #tpu.memory_space<hbm>> -> memref<32x128xf32, #tpu.memory_space<hbm>>
        %dma_start3A_43 = arith.constant 0 : i32
        %dma_start3A_44 = tpu.memref_slice %arg15[%add3A, %dma_start3A_43] : memref<12800x128xf32, #tpu.memory_space<hbm>> -> memref<32x128xf32, #tpu.memory_space<hbm>>
        tpu.enqueue_dma source(%arg36 : memref<32x128xf32, #tpu.memory_space<vmem>>) target(%dma_start3A_44 : memref<32x128xf32, #tpu.memory_space<hbm>>) target_semaphore(%run_scoped3A : memref<!tpu.dma_semaphore, #tpu.memory_space<semaphore_mem>>)
        %dma_wait3A = arith.constant 0 : i32
        %dma_wait3A_45 = tpu.memref_slice %arg15[%add3A, %dma_wait3A] : memref<12800x128xf32, #tpu.memory_space<hbm>> -> memref<32x128xf32, #tpu.memory_space<hbm>>
        %dma_wait3A_46 = arith.constant 0 : i32
        %dma_wait3A_47 = tpu.memref_slice %arg15[%add3A, %dma_wait3A_46] : memref<12800x128xf32, #tpu.memory_space<hbm>> -> memref<32x128xf32, #tpu.memory_space<hbm>>
        tpu.wait_dma2 semaphore(%run_scoped3A : memref<!tpu.dma_semaphore, #tpu.memory_space<semaphore_mem>>) src(%arg36 : memref<32x128xf32, #tpu.memory_space<vmem>>) dst(%dma_wait3A_47 : memref<32x128xf32, #tpu.memory_space<hbm>>)
        tpu.yield
      }) : () -> ()
      "tpu.region"() ({
        %run_scoped3A = tpu.sem_alloc : memref<!tpu.dma_semaphore, #tpu.memory_space<semaphore_mem>>
        %dma_start3A = arith.constant 0 : i32
        %dma_start3A_42 = tpu.memref_slice %arg16[%add3A, %dma_start3A] : memref<12800x128xf32, #tpu.memory_space<hbm>> -> memref<32x128xf32, #tpu.memory_space<hbm>>
        %dma_start3A_43 = arith.constant 0 : i32
        %dma_start3A_44 = tpu.memref_slice %arg16[%add3A, %dma_start3A_43] : memref<12800x128xf32, #tpu.memory_space<hbm>> -> memref<32x128xf32, #tpu.memory_space<hbm>>
        tpu.enqueue_dma source(%arg37 : memref<32x128xf32, #tpu.memory_space<vmem>>) target(%dma_start3A_44 : memref<32x128xf32, #tpu.memory_space<hbm>>) target_semaphore(%run_scoped3A : memref<!tpu.dma_semaphore, #tpu.memory_space<semaphore_mem>>)
        %dma_wait3A = arith.constant 0 : i32
        %dma_wait3A_45 = tpu.memref_slice %arg16[%add3A, %dma_wait3A] : memref<12800x128xf32, #tpu.memory_space<hbm>> -> memref<32x128xf32, #tpu.memory_space<hbm>>
        %dma_wait3A_46 = arith.constant 0 : i32
        %dma_wait3A_47 = tpu.memref_slice %arg16[%add3A, %dma_wait3A_46] : memref<12800x128xf32, #tpu.memory_space<hbm>> -> memref<32x128xf32, #tpu.memory_space<hbm>>
        tpu.wait_dma2 semaphore(%run_scoped3A : memref<!tpu.dma_semaphore, #tpu.memory_space<semaphore_mem>>) src(%arg37 : memref<32x128xf32, #tpu.memory_space<vmem>>) dst(%dma_wait3A_47 : memref<32x128xf32, #tpu.memory_space<hbm>>)
        tpu.yield
      }) : () -> ()
      "tpu.region"() ({
        %run_scoped3A = tpu.sem_alloc : memref<!tpu.dma_semaphore, #tpu.memory_space<semaphore_mem>>
        %dma_start3A = arith.constant 0 : i32
        %dma_start3A_42 = tpu.memref_slice %arg17[%add3A, %dma_start3A] : memref<12800x128xf32, #tpu.memory_space<hbm>> -> memref<32x128xf32, #tpu.memory_space<hbm>>
        %dma_start3A_43 = arith.constant 0 : i32
        %dma_start3A_44 = tpu.memref_slice %arg17[%add3A, %dma_start3A_43] : memref<12800x128xf32, #tpu.memory_space<hbm>> -> memref<32x128xf32, #tpu.memory_space<hbm>>
        tpu.enqueue_dma source(%arg38 : memref<32x128xf32, #tpu.memory_space<vmem>>) target(%dma_start3A_44 : memref<32x128xf32, #tpu.memory_space<hbm>>) target_semaphore(%run_scoped3A : memref<!tpu.dma_semaphore, #tpu.memory_space<semaphore_mem>>)
        %dma_wait3A = arith.constant 0 : i32
        %dma_wait3A_45 = tpu.memref_slice %arg17[%add3A, %dma_wait3A] : memref<12800x128xf32, #tpu.memory_space<hbm>> -> memref<32x128xf32, #tpu.memory_space<hbm>>
        %dma_wait3A_46 = arith.constant 0 : i32
        %dma_wait3A_47 = tpu.memref_slice %arg17[%add3A, %dma_wait3A_46] : memref<12800x128xf32, #tpu.memory_space<hbm>> -> memref<32x128xf32, #tpu.memory_space<hbm>>
        tpu.wait_dma2 semaphore(%run_scoped3A : memref<!tpu.dma_semaphore, #tpu.memory_space<semaphore_mem>>) src(%arg38 : memref<32x128xf32, #tpu.memory_space<vmem>>) dst(%dma_wait3A_47 : memref<32x128xf32, #tpu.memory_space<hbm>>)
        tpu.yield
      }) : () -> ()
      %scan3A_41 = arith.constant 0 : i32
      scf.yield %scan3A_41 : i32
    }
    %scan3A_15 = arith.constant 25 : i32
    %scan3A_16 = arith.constant 0 : i32
    %scan3A_17 = arith.constant 0 : i32
    %scan3A_18 = arith.constant 8 : i32
    %scan3A_19 = arith.addi %scan3A_17, %scan3A_18 : i32
    %scan3A_20 = arith.constant 1 : i32
    %scan3A_21 = scf.for %scan3A_23 = %scan3A_17 to %scan3A_19 step %scan3A_20 iter_args(%scan3A_24 = %scan3A_16) -> (i32)  : i32 {
      %add3A = arith.constant 1 : i32
      %add3A_25 = arith.addi %scan3A_23, %add3A : i32
      %mul3A_26 = arith.constant 102400 : i32
      %mul3A_27 = arith.muli %add3A_25, %mul3A_26 : i32
      %multiple_of3A_28 = tpu.assume_multiple %mul3A_27, 102400 : i32
      %add3A_29 = arith.addi %multiple_of3A_28, %multiple_of3A : i32
      "tpu.region"() ({
        %run_scoped3A = tpu.sem_alloc : memref<!tpu.dma_semaphore, #tpu.memory_space<semaphore_mem>>
        %dma_start3A = tpu.memref_slice %arg20[%multiple_of3A] : memref<102400xf32, #tpu.memory_space<vmem_shared>> -> memref<6400xf32, #tpu.memory_space<vmem_shared>>
        %dma_start3A_52 = tpu.memref_slice %arg2[%add3A_29] : memref<921600xf32, #tpu.memory_space<hbm>> -> memref<6400xf32, #tpu.memory_space<hbm>>
        tpu.enqueue_dma source(%dma_start3A_52 : memref<6400xf32, #tpu.memory_space<hbm>>) target(%dma_start3A : memref<6400xf32, #tpu.memory_space<vmem_shared>>) target_semaphore(%run_scoped3A : memref<!tpu.dma_semaphore, #tpu.memory_space<semaphore_mem>>)
        %dma_wait3A = tpu.memref_slice %arg20[%multiple_of3A] : memref<102400xf32, #tpu.memory_space<vmem_shared>> -> memref<6400xf32, #tpu.memory_space<vmem_shared>>
        %dma_wait3A_53 = tpu.memref_slice %arg2[%add3A_29] : memref<921600xf32, #tpu.memory_space<hbm>> -> memref<6400xf32, #tpu.memory_space<hbm>>
        tpu.wait_dma2 semaphore(%run_scoped3A : memref<!tpu.dma_semaphore, #tpu.memory_space<semaphore_mem>>) src(%dma_wait3A_53 : memref<6400xf32, #tpu.memory_space<hbm>>) dst(%dma_wait3A : memref<6400xf32, #tpu.memory_space<vmem_shared>>)
        tpu.yield
      }) : () -> ()
      "tpu.region"() ({
        %run_scoped3A = tpu.sem_alloc : memref<!tpu.dma_semaphore, #tpu.memory_space<semaphore_mem>>
        %dma_start3A = tpu.memref_slice %arg21[%multiple_of3A] : memref<102400xf32, #tpu.memory_space<vmem_shared>> -> memref<6400xf32, #tpu.memory_space<vmem_shared>>
        %dma_start3A_52 = tpu.memref_slice %arg21[%multiple_of3A] : memref<102400xf32, #tpu.memory_space<vmem_shared>> -> memref<6400xf32, #tpu.memory_space<vmem_shared>>
        tpu.enqueue_dma source(%arg40 : memref<6400xf32, #tpu.memory_space<vmem>>) target(%dma_start3A_52 : memref<6400xf32, #tpu.memory_space<vmem_shared>>) target_semaphore(%run_scoped3A : memref<!tpu.dma_semaphore, #tpu.memory_space<semaphore_mem>>)
        %dma_wait3A = tpu.memref_slice %arg21[%multiple_of3A] : memref<102400xf32, #tpu.memory_space<vmem_shared>> -> memref<6400xf32, #tpu.memory_space<vmem_shared>>
        %dma_wait3A_53 = tpu.memref_slice %arg21[%multiple_of3A] : memref<102400xf32, #tpu.memory_space<vmem_shared>> -> memref<6400xf32, #tpu.memory_space<vmem_shared>>
        tpu.wait_dma2 semaphore(%run_scoped3A : memref<!tpu.dma_semaphore, #tpu.memory_space<semaphore_mem>>) src(%arg40 : memref<6400xf32, #tpu.memory_space<vmem>>) dst(%dma_wait3A_53 : memref<6400xf32, #tpu.memory_space<vmem_shared>>)
        tpu.yield
      }) : () -> ()
      "tpu.region"() ({
        %run_scoped3A = tpu.sem_alloc : memref<!tpu.dma_semaphore, #tpu.memory_space<semaphore_mem>>
        %dma_start3A = tpu.memref_slice %arg22[%multiple_of3A] : memref<102400xf32, #tpu.memory_space<vmem_shared>> -> memref<6400xf32, #tpu.memory_space<vmem_shared>>
        %dma_start3A_52 = tpu.memref_slice %arg22[%multiple_of3A] : memref<102400xf32, #tpu.memory_space<vmem_shared>> -> memref<6400xf32, #tpu.memory_space<vmem_shared>>
        tpu.enqueue_dma source(%arg40 : memref<6400xf32, #tpu.memory_space<vmem>>) target(%dma_start3A_52 : memref<6400xf32, #tpu.memory_space<vmem_shared>>) target_semaphore(%run_scoped3A : memref<!tpu.dma_semaphore, #tpu.memory_space<semaphore_mem>>)
        %dma_wait3A = tpu.memref_slice %arg22[%multiple_of3A] : memref<102400xf32, #tpu.memory_space<vmem_shared>> -> memref<6400xf32, #tpu.memory_space<vmem_shared>>
        %dma_wait3A_53 = tpu.memref_slice %arg22[%multiple_of3A] : memref<102400xf32, #tpu.memory_space<vmem_shared>> -> memref<6400xf32, #tpu.memory_space<vmem_shared>>
        tpu.wait_dma2 semaphore(%run_scoped3A : memref<!tpu.dma_semaphore, #tpu.memory_space<semaphore_mem>>) src(%arg40 : memref<6400xf32, #tpu.memory_space<vmem>>) dst(%dma_wait3A_53 : memref<6400xf32, #tpu.memory_space<vmem_shared>>)
        tpu.yield
      }) : () -> ()
      "tpu.region"() ({
        %run_scoped3A = tpu.sem_alloc : memref<!tpu.dma_semaphore, #tpu.memory_space<semaphore_mem>>
        %dma_start3A = tpu.memref_slice %arg23[%multiple_of3A] : memref<102400xf32, #tpu.memory_space<vmem_shared>> -> memref<6400xf32, #tpu.memory_space<vmem_shared>>
        %dma_start3A_52 = tpu.memref_slice %arg23[%multiple_of3A] : memref<102400xf32, #tpu.memory_space<vmem_shared>> -> memref<6400xf32, #tpu.memory_space<vmem_shared>>
        tpu.enqueue_dma source(%arg40 : memref<6400xf32, #tpu.memory_space<vmem>>) target(%dma_start3A_52 : memref<6400xf32, #tpu.memory_space<vmem_shared>>) target_semaphore(%run_scoped3A : memref<!tpu.dma_semaphore, #tpu.memory_space<semaphore_mem>>)
        %dma_wait3A = tpu.memref_slice %arg23[%multiple_of3A] : memref<102400xf32, #tpu.memory_space<vmem_shared>> -> memref<6400xf32, #tpu.memory_space<vmem_shared>>
        %dma_wait3A_53 = tpu.memref_slice %arg23[%multiple_of3A] : memref<102400xf32, #tpu.memory_space<vmem_shared>> -> memref<6400xf32, #tpu.memory_space<vmem_shared>>
        tpu.wait_dma2 semaphore(%run_scoped3A : memref<!tpu.dma_semaphore, #tpu.memory_space<semaphore_mem>>) src(%arg40 : memref<6400xf32, #tpu.memory_space<vmem>>) dst(%dma_wait3A_53 : memref<6400xf32, #tpu.memory_space<vmem_shared>>)
        tpu.yield
      }) : () -> ()
      "tpu.region"() ({
        %run_scoped3A = tpu.sem_alloc : memref<!tpu.dma_semaphore, #tpu.memory_space<semaphore_mem>>
        %dma_start3A = tpu.memref_slice %arg24[%multiple_of3A] : memref<102400xf32, #tpu.memory_space<vmem_shared>> -> memref<6400xf32, #tpu.memory_space<vmem_shared>>
        %dma_start3A_52 = tpu.memref_slice %arg24[%multiple_of3A] : memref<102400xf32, #tpu.memory_space<vmem_shared>> -> memref<6400xf32, #tpu.memory_space<vmem_shared>>
        tpu.enqueue_dma source(%arg40 : memref<6400xf32, #tpu.memory_space<vmem>>) target(%dma_start3A_52 : memref<6400xf32, #tpu.memory_space<vmem_shared>>) target_semaphore(%run_scoped3A : memref<!tpu.dma_semaphore, #tpu.memory_space<semaphore_mem>>)
        %dma_wait3A = tpu.memref_slice %arg24[%multiple_of3A] : memref<102400xf32, #tpu.memory_space<vmem_shared>> -> memref<6400xf32, #tpu.memory_space<vmem_shared>>
        %dma_wait3A_53 = tpu.memref_slice %arg24[%multiple_of3A] : memref<102400xf32, #tpu.memory_space<vmem_shared>> -> memref<6400xf32, #tpu.memory_space<vmem_shared>>
        tpu.wait_dma2 semaphore(%run_scoped3A : memref<!tpu.dma_semaphore, #tpu.memory_space<semaphore_mem>>) src(%arg40 : memref<6400xf32, #tpu.memory_space<vmem>>) dst(%dma_wait3A_53 : memref<6400xf32, #tpu.memory_space<vmem_shared>>)
        tpu.yield
      }) : () -> ()
      %barrier3A_30 = arith.constant 0 : index
      tpu.barrier barrier_id(%barrier3A_30)
      %scan3A_31 = arith.constant 0 : i32
      %scan3A_32 = arith.constant 0 : i32
      %scan3A_33 = arith.constant 25 : i32
      %scan3A_34 = arith.addi %scan3A_32, %scan3A_33 : i32
      %scan3A_35 = arith.constant 1 : i32
      %scan3A_36 = scf.for %scan3A_52 = %scan3A_32 to %scan3A_34 step %scan3A_35 iter_args(%scan3A_53 = %scan3A_31) -> (i32)  : i32 {
        %mul3A_54 = arith.constant 32 : i32
        %mul3A_55 = arith.muli %scan3A_52, %mul3A_54 : i32
        %add3A_56 = arith.addi %mul3A_2, %mul3A_55 : i32
        "tpu.region"() ({
          %run_scoped3A = tpu.sem_alloc : memref<!tpu.dma_semaphore, #tpu.memory_space<semaphore_mem>>
          %dma_start3A = arith.constant 0 : i32
          %dma_start3A_79 = tpu.memref_slice %arg3[%add3A_56, %dma_start3A] : memref<12800x128xi32, #tpu.memory_space<hbm>> -> memref<32x128xi32, #tpu.memory_space<hbm>>
          %dma_start3A_80 = arith.constant 0 : i32
          %dma_start3A_81 = tpu.memref_slice %arg3[%add3A_56, %dma_start3A_80] : memref<12800x128xi32, #tpu.memory_space<hbm>> -> memref<32x128xi32, #tpu.memory_space<hbm>>
          tpu.enqueue_dma source(%dma_start3A_81 : memref<32x128xi32, #tpu.memory_space<hbm>>) target(%arg25 : memref<32x128xi32, #tpu.memory_space<vmem>>) target_semaphore(%run_scoped3A : memref<!tpu.dma_semaphore, #tpu.memory_space<semaphore_mem>>)
          %dma_wait3A = arith.constant 0 : i32
          %dma_wait3A_82 = tpu.memref_slice %arg3[%add3A_56, %dma_wait3A] : memref<12800x128xi32, #tpu.memory_space<hbm>> -> memref<32x128xi32, #tpu.memory_space<hbm>>
          %dma_wait3A_83 = arith.constant 0 : i32
          %dma_wait3A_84 = tpu.memref_slice %arg3[%add3A_56, %dma_wait3A_83] : memref<12800x128xi32, #tpu.memory_space<hbm>> -> memref<32x128xi32, #tpu.memory_space<hbm>>
          tpu.wait_dma2 semaphore(%run_scoped3A : memref<!tpu.dma_semaphore, #tpu.memory_space<semaphore_mem>>) src(%dma_wait3A_84 : memref<32x128xi32, #tpu.memory_space<hbm>>) dst(%arg25 : memref<32x128xi32, #tpu.memory_space<vmem>>)
          tpu.yield
        }) : () -> ()
        "tpu.region"() ({
          %run_scoped3A = tpu.sem_alloc : memref<!tpu.dma_semaphore, #tpu.memory_space<semaphore_mem>>
          %dma_start3A = arith.constant 0 : i32
          %dma_start3A_79 = tpu.memref_slice %arg4[%add3A_56, %dma_start3A] : memref<12800x128xi32, #tpu.memory_space<hbm>> -> memref<32x128xi32, #tpu.memory_space<hbm>>
          %dma_start3A_80 = arith.constant 0 : i32
          %dma_start3A_81 = tpu.memref_slice %arg4[%add3A_56, %dma_start3A_80] : memref<12800x128xi32, #tpu.memory_space<hbm>> -> memref<32x128xi32, #tpu.memory_space<hbm>>
          tpu.enqueue_dma source(%dma_start3A_81 : memref<32x128xi32, #tpu.memory_space<hbm>>) target(%arg26 : memref<32x128xi32, #tpu.memory_space<vmem>>) target_semaphore(%run_scoped3A : memref<!tpu.dma_semaphore, #tpu.memory_space<semaphore_mem>>)
          %dma_wait3A = arith.constant 0 : i32
          %dma_wait3A_82 = tpu.memref_slice %arg4[%add3A_56, %dma_wait3A] : memref<12800x128xi32, #tpu.memory_space<hbm>> -> memref<32x128xi32, #tpu.memory_space<hbm>>
          %dma_wait3A_83 = arith.constant 0 : i32
          %dma_wait3A_84 = tpu.memref_slice %arg4[%add3A_56, %dma_wait3A_83] : memref<12800x128xi32, #tpu.memory_space<hbm>> -> memref<32x128xi32, #tpu.memory_space<hbm>>
          tpu.wait_dma2 semaphore(%run_scoped3A : memref<!tpu.dma_semaphore, #tpu.memory_space<semaphore_mem>>) src(%dma_wait3A_84 : memref<32x128xi32, #tpu.memory_space<hbm>>) dst(%arg26 : memref<32x128xi32, #tpu.memory_space<vmem>>)
          tpu.yield
        }) : () -> ()
        "tpu.region"() ({
          %run_scoped3A = tpu.sem_alloc : memref<!tpu.dma_semaphore, #tpu.memory_space<semaphore_mem>>
          %dma_start3A = arith.constant 0 : i32
          %dma_start3A_79 = tpu.memref_slice %arg12[%add3A_56, %dma_start3A] : memref<12800x128xf32, #tpu.memory_space<hbm>> -> memref<32x128xf32, #tpu.memory_space<hbm>>
          %dma_start3A_80 = arith.constant 0 : i32
          %dma_start3A_81 = tpu.memref_slice %arg12[%add3A_56, %dma_start3A_80] : memref<12800x128xf32, #tpu.memory_space<hbm>> -> memref<32x128xf32, #tpu.memory_space<hbm>>
          tpu.enqueue_dma source(%dma_start3A_81 : memref<32x128xf32, #tpu.memory_space<hbm>>) target(%arg31 : memref<32x128xf32, #tpu.memory_space<vmem>>) target_semaphore(%run_scoped3A : memref<!tpu.dma_semaphore, #tpu.memory_space<semaphore_mem>>)
          %dma_wait3A = arith.constant 0 : i32
          %dma_wait3A_82 = tpu.memref_slice %arg12[%add3A_56, %dma_wait3A] : memref<12800x128xf32, #tpu.memory_space<hbm>> -> memref<32x128xf32, #tpu.memory_space<hbm>>
          %dma_wait3A_83 = arith.constant 0 : i32
          %dma_wait3A_84 = tpu.memref_slice %arg12[%add3A_56, %dma_wait3A_83] : memref<12800x128xf32, #tpu.memory_space<hbm>> -> memref<32x128xf32, #tpu.memory_space<hbm>>
          tpu.wait_dma2 semaphore(%run_scoped3A : memref<!tpu.dma_semaphore, #tpu.memory_space<semaphore_mem>>) src(%dma_wait3A_84 : memref<32x128xf32, #tpu.memory_space<hbm>>) dst(%arg31 : memref<32x128xf32, #tpu.memory_space<vmem>>)
          tpu.yield
        }) : () -> ()
        "tpu.region"() ({
          %run_scoped3A = tpu.sem_alloc : memref<!tpu.dma_semaphore, #tpu.memory_space<semaphore_mem>>
          %dma_start3A = arith.constant 0 : i32
          %dma_start3A_79 = tpu.memref_slice %arg13[%add3A_56, %dma_start3A] : memref<12800x128xf32, #tpu.memory_space<hbm>> -> memref<32x128xf32, #tpu.memory_space<hbm>>
          %dma_start3A_80 = arith.constant 0 : i32
          %dma_start3A_81 = tpu.memref_slice %arg13[%add3A_56, %dma_start3A_80] : memref<12800x128xf32, #tpu.memory_space<hbm>> -> memref<32x128xf32, #tpu.memory_space<hbm>>
          tpu.enqueue_dma source(%dma_start3A_81 : memref<32x128xf32, #tpu.memory_space<hbm>>) target(%arg32 : memref<32x128xf32, #tpu.memory_space<vmem>>) target_semaphore(%run_scoped3A : memref<!tpu.dma_semaphore, #tpu.memory_space<semaphore_mem>>)
          %dma_wait3A = arith.constant 0 : i32
          %dma_wait3A_82 = tpu.memref_slice %arg13[%add3A_56, %dma_wait3A] : memref<12800x128xf32, #tpu.memory_space<hbm>> -> memref<32x128xf32, #tpu.memory_space<hbm>>
          %dma_wait3A_83 = arith.constant 0 : i32
          %dma_wait3A_84 = tpu.memref_slice %arg13[%add3A_56, %dma_wait3A_83] : memref<12800x128xf32, #tpu.memory_space<hbm>> -> memref<32x128xf32, #tpu.memory_space<hbm>>
          tpu.wait_dma2 semaphore(%run_scoped3A : memref<!tpu.dma_semaphore, #tpu.memory_space<semaphore_mem>>) src(%dma_wait3A_84 : memref<32x128xf32, #tpu.memory_space<hbm>>) dst(%arg32 : memref<32x128xf32, #tpu.memory_space<vmem>>)
          tpu.yield
        }) : () -> ()
        "tpu.region"() ({
          %run_scoped3A = tpu.sem_alloc : memref<!tpu.dma_semaphore, #tpu.memory_space<semaphore_mem>>
          %dma_start3A = arith.constant 0 : i32
          %dma_start3A_79 = tpu.memref_slice %arg14[%add3A_56, %dma_start3A] : memref<12800x128xf32, #tpu.memory_space<hbm>> -> memref<32x128xf32, #tpu.memory_space<hbm>>
          %dma_start3A_80 = arith.constant 0 : i32
          %dma_start3A_81 = tpu.memref_slice %arg14[%add3A_56, %dma_start3A_80] : memref<12800x128xf32, #tpu.memory_space<hbm>> -> memref<32x128xf32, #tpu.memory_space<hbm>>
          tpu.enqueue_dma source(%dma_start3A_81 : memref<32x128xf32, #tpu.memory_space<hbm>>) target(%arg33 : memref<32x128xf32, #tpu.memory_space<vmem>>) target_semaphore(%run_scoped3A : memref<!tpu.dma_semaphore, #tpu.memory_space<semaphore_mem>>)
          %dma_wait3A = arith.constant 0 : i32
          %dma_wait3A_82 = tpu.memref_slice %arg14[%add3A_56, %dma_wait3A] : memref<12800x128xf32, #tpu.memory_space<hbm>> -> memref<32x128xf32, #tpu.memory_space<hbm>>
          %dma_wait3A_83 = arith.constant 0 : i32
          %dma_wait3A_84 = tpu.memref_slice %arg14[%add3A_56, %dma_wait3A_83] : memref<12800x128xf32, #tpu.memory_space<hbm>> -> memref<32x128xf32, #tpu.memory_space<hbm>>
          tpu.wait_dma2 semaphore(%run_scoped3A : memref<!tpu.dma_semaphore, #tpu.memory_space<semaphore_mem>>) src(%dma_wait3A_84 : memref<32x128xf32, #tpu.memory_space<hbm>>) dst(%arg33 : memref<32x128xf32, #tpu.memory_space<vmem>>)
          tpu.yield
        }) : () -> ()
        "tpu.region"() ({
          %run_scoped3A = tpu.sem_alloc : memref<!tpu.dma_semaphore, #tpu.memory_space<semaphore_mem>>
          %dma_start3A = arith.constant 0 : i32
          %dma_start3A_79 = tpu.memref_slice %arg16[%add3A_56, %dma_start3A] : memref<12800x128xf32, #tpu.memory_space<hbm>> -> memref<32x128xf32, #tpu.memory_space<hbm>>
          %dma_start3A_80 = arith.constant 0 : i32
          %dma_start3A_81 = tpu.memref_slice %arg16[%add3A_56, %dma_start3A_80] : memref<12800x128xf32, #tpu.memory_space<hbm>> -> memref<32x128xf32, #tpu.memory_space<hbm>>
          tpu.enqueue_dma source(%dma_start3A_81 : memref<32x128xf32, #tpu.memory_space<hbm>>) target(%arg37 : memref<32x128xf32, #tpu.memory_space<vmem>>) target_semaphore(%run_scoped3A : memref<!tpu.dma_semaphore, #tpu.memory_space<semaphore_mem>>)
          %dma_wait3A = arith.constant 0 : i32
          %dma_wait3A_82 = tpu.memref_slice %arg16[%add3A_56, %dma_wait3A] : memref<12800x128xf32, #tpu.memory_space<hbm>> -> memref<32x128xf32, #tpu.memory_space<hbm>>
          %dma_wait3A_83 = arith.constant 0 : i32
          %dma_wait3A_84 = tpu.memref_slice %arg16[%add3A_56, %dma_wait3A_83] : memref<12800x128xf32, #tpu.memory_space<hbm>> -> memref<32x128xf32, #tpu.memory_space<hbm>>
          tpu.wait_dma2 semaphore(%run_scoped3A : memref<!tpu.dma_semaphore, #tpu.memory_space<semaphore_mem>>) src(%dma_wait3A_84 : memref<32x128xf32, #tpu.memory_space<hbm>>) dst(%arg37 : memref<32x128xf32, #tpu.memory_space<vmem>>)
          tpu.yield
        }) : () -> ()
        "tpu.region"() ({
          %run_scoped3A = tpu.sem_alloc : memref<!tpu.dma_semaphore, #tpu.memory_space<semaphore_mem>>
          %dma_start3A = arith.constant 0 : i32
          %dma_start3A_79 = tpu.memref_slice %arg17[%add3A_56, %dma_start3A] : memref<12800x128xf32, #tpu.memory_space<hbm>> -> memref<32x128xf32, #tpu.memory_space<hbm>>
          %dma_start3A_80 = arith.constant 0 : i32
          %dma_start3A_81 = tpu.memref_slice %arg17[%add3A_56, %dma_start3A_80] : memref<12800x128xf32, #tpu.memory_space<hbm>> -> memref<32x128xf32, #tpu.memory_space<hbm>>
          tpu.enqueue_dma source(%dma_start3A_81 : memref<32x128xf32, #tpu.memory_space<hbm>>) target(%arg38 : memref<32x128xf32, #tpu.memory_space<vmem>>) target_semaphore(%run_scoped3A : memref<!tpu.dma_semaphore, #tpu.memory_space<semaphore_mem>>)
          %dma_wait3A = arith.constant 0 : i32
          %dma_wait3A_82 = tpu.memref_slice %arg17[%add3A_56, %dma_wait3A] : memref<12800x128xf32, #tpu.memory_space<hbm>> -> memref<32x128xf32, #tpu.memory_space<hbm>>
          %dma_wait3A_83 = arith.constant 0 : i32
          %dma_wait3A_84 = tpu.memref_slice %arg17[%add3A_56, %dma_wait3A_83] : memref<12800x128xf32, #tpu.memory_space<hbm>> -> memref<32x128xf32, #tpu.memory_space<hbm>>
          tpu.wait_dma2 semaphore(%run_scoped3A : memref<!tpu.dma_semaphore, #tpu.memory_space<semaphore_mem>>) src(%dma_wait3A_84 : memref<32x128xf32, #tpu.memory_space<hbm>>) dst(%arg38 : memref<32x128xf32, #tpu.memory_space<vmem>>)
          tpu.yield
        }) : () -> ()
        %scan3A_57 = arith.constant 0 : i32
        %scan3A_58 = arith.constant 0 : i32
        %scan3A_59 = arith.constant 32 : i32
        %scan3A_60 = arith.addi %scan3A_58, %scan3A_59 : i32
        %scan3A_61 = arith.constant 1 : i32
        %scan3A_62 = scf.for %scan3A_79 = %scan3A_58 to %scan3A_60 step %scan3A_61 iter_args(%scan3A_80 = %scan3A_57) -> (i32)  : i32 {
          %dma_start3A = arith.constant 0 : i32
          %dma_start3A_81 = tpu.memref_slice %arg27[%scan3A_79, %dma_start3A] : memref<32x128xf32, #tpu.memory_space<vmem>> -> memref<1x128xf32, #tpu.memory_space<vmem>>
          %dma_start3A_82 = tpu.memref_squeeze %dma_start3A_81 : memref<1x128xf32, #tpu.memory_space<vmem>> -> memref<128xf32, #tpu.memory_space<vmem>>
          %dma_start3A_83 = arith.constant 0 : i32
          %dma_start3A_84 = tpu.memref_slice %arg25[%scan3A_79, %dma_start3A_83] : memref<32x128xi32, #tpu.memory_space<vmem>> -> memref<1x128xi32, #tpu.memory_space<vmem>>
          %dma_start3A_85 = tpu.memref_squeeze %dma_start3A_84 : memref<1x128xi32, #tpu.memory_space<vmem>> -> memref<128xi32, #tpu.memory_space<vmem>>
          %dma_start3A_86 = arith.constant 0 : i32
          %dma_start3A_87 = tpu.memref_slice %arg19[%dma_start3A_86] : memref<102400xf32, #tpu.memory_space<vmem_shared>> -> memref<102400xf32, #tpu.memory_space<vmem_shared>>
          tpu.enqueue_indirect_dma source(%dma_start3A_87 : memref<102400xf32, #tpu.memory_space<vmem_shared>>) target(%dma_start3A_82 : memref<128xf32, #tpu.memory_space<vmem>>) offsets(%dma_start3A_85 : memref<128xi32, #tpu.memory_space<vmem>>) semaphore(%arg42 : memref<!tpu.dma_semaphore, #tpu.memory_space<semaphore_mem>>)
          %dma_start3A_88 = arith.constant 0 : i32
          %dma_start3A_89 = tpu.memref_slice %arg28[%scan3A_79, %dma_start3A_88] : memref<32x128xf32, #tpu.memory_space<vmem>> -> memref<1x128xf32, #tpu.memory_space<vmem>>
          %dma_start3A_90 = tpu.memref_squeeze %dma_start3A_89 : memref<1x128xf32, #tpu.memory_space<vmem>> -> memref<128xf32, #tpu.memory_space<vmem>>
          %dma_start3A_91 = arith.constant 0 : i32
          %dma_start3A_92 = tpu.memref_slice %arg25[%scan3A_79, %dma_start3A_91] : memref<32x128xi32, #tpu.memory_space<vmem>> -> memref<1x128xi32, #tpu.memory_space<vmem>>
          %dma_start3A_93 = tpu.memref_squeeze %dma_start3A_92 : memref<1x128xi32, #tpu.memory_space<vmem>> -> memref<128xi32, #tpu.memory_space<vmem>>
          %dma_start3A_94 = arith.constant 0 : i32
          %dma_start3A_95 = tpu.memref_slice %arg20[%dma_start3A_94] : memref<102400xf32, #tpu.memory_space<vmem_shared>> -> memref<102400xf32, #tpu.memory_space<vmem_shared>>
          tpu.enqueue_indirect_dma source(%dma_start3A_95 : memref<102400xf32, #tpu.memory_space<vmem_shared>>) target(%dma_start3A_90 : memref<128xf32, #tpu.memory_space<vmem>>) offsets(%dma_start3A_93 : memref<128xi32, #tpu.memory_space<vmem>>) semaphore(%arg42 : memref<!tpu.dma_semaphore, #tpu.memory_space<semaphore_mem>>)
          %dma_start3A_96 = arith.constant 0 : i32
          %dma_start3A_97 = tpu.memref_slice %arg29[%scan3A_79, %dma_start3A_96] : memref<32x128xf32, #tpu.memory_space<vmem>> -> memref<1x128xf32, #tpu.memory_space<vmem>>
          %dma_start3A_98 = tpu.memref_squeeze %dma_start3A_97 : memref<1x128xf32, #tpu.memory_space<vmem>> -> memref<128xf32, #tpu.memory_space<vmem>>
          %dma_start3A_99 = arith.constant 0 : i32
          %dma_start3A_100 = tpu.memref_slice %arg26[%scan3A_79, %dma_start3A_99] : memref<32x128xi32, #tpu.memory_space<vmem>> -> memref<1x128xi32, #tpu.memory_space<vmem>>
          %dma_start3A_101 = tpu.memref_squeeze %dma_start3A_100 : memref<1x128xi32, #tpu.memory_space<vmem>> -> memref<128xi32, #tpu.memory_space<vmem>>
          %dma_start3A_102 = arith.constant 0 : i32
          %dma_start3A_103 = tpu.memref_slice %arg19[%dma_start3A_102] : memref<102400xf32, #tpu.memory_space<vmem_shared>> -> memref<102400xf32, #tpu.memory_space<vmem_shared>>
          tpu.enqueue_indirect_dma source(%dma_start3A_103 : memref<102400xf32, #tpu.memory_space<vmem_shared>>) target(%dma_start3A_98 : memref<128xf32, #tpu.memory_space<vmem>>) offsets(%dma_start3A_101 : memref<128xi32, #tpu.memory_space<vmem>>) semaphore(%arg42 : memref<!tpu.dma_semaphore, #tpu.memory_space<semaphore_mem>>)
          %dma_start3A_104 = arith.constant 0 : i32
          %dma_start3A_105 = tpu.memref_slice %arg30[%scan3A_79, %dma_start3A_104] : memref<32x128xf32, #tpu.memory_space<vmem>> -> memref<1x128xf32, #tpu.memory_space<vmem>>
          %dma_start3A_106 = tpu.memref_squeeze %dma_start3A_105 : memref<1x128xf32, #tpu.memory_space<vmem>> -> memref<128xf32, #tpu.memory_space<vmem>>
          %dma_start3A_107 = arith.constant 0 : i32
          %dma_start3A_108 = tpu.memref_slice %arg26[%scan3A_79, %dma_start3A_107] : memref<32x128xi32, #tpu.memory_space<vmem>> -> memref<1x128xi32, #tpu.memory_space<vmem>>
          %dma_start3A_109 = tpu.memref_squeeze %dma_start3A_108 : memref<1x128xi32, #tpu.memory_space<vmem>> -> memref<128xi32, #tpu.memory_space<vmem>>
          %dma_start3A_110 = arith.constant 0 : i32
          %dma_start3A_111 = tpu.memref_slice %arg20[%dma_start3A_110] : memref<102400xf32, #tpu.memory_space<vmem_shared>> -> memref<102400xf32, #tpu.memory_space<vmem_shared>>
          tpu.enqueue_indirect_dma source(%dma_start3A_111 : memref<102400xf32, #tpu.memory_space<vmem_shared>>) target(%dma_start3A_106 : memref<128xf32, #tpu.memory_space<vmem>>) offsets(%dma_start3A_109 : memref<128xi32, #tpu.memory_space<vmem>>) semaphore(%arg42 : memref<!tpu.dma_semaphore, #tpu.memory_space<semaphore_mem>>)
          %dma_wait3A = arith.constant 0 : i32
          %dma_wait3A_112 = tpu.memref_slice %arg27[%scan3A_79, %dma_wait3A] : memref<32x128xf32, #tpu.memory_space<vmem>> -> memref<1x128xf32, #tpu.memory_space<vmem>>
          %dma_wait3A_113 = tpu.memref_squeeze %dma_wait3A_112 : memref<1x128xf32, #tpu.memory_space<vmem>> -> memref<128xf32, #tpu.memory_space<vmem>>
          %dma_wait3A_114 = arith.constant 0 : i32
          %dma_wait3A_115 = tpu.memref_slice %arg25[%scan3A_79, %dma_wait3A_114] : memref<32x128xi32, #tpu.memory_space<vmem>> -> memref<1x128xi32, #tpu.memory_space<vmem>>
          %dma_wait3A_116 = tpu.memref_squeeze %dma_wait3A_115 : memref<1x128xi32, #tpu.memory_space<vmem>> -> memref<128xi32, #tpu.memory_space<vmem>>
          %dma_wait3A_117 = arith.constant 0 : i32
          %dma_wait3A_118 = tpu.memref_slice %arg19[%dma_wait3A_117] : memref<102400xf32, #tpu.memory_space<vmem_shared>> -> memref<102400xf32, #tpu.memory_space<vmem_shared>>
          tpu.wait_indirect_dma semaphore(%arg42 : memref<!tpu.dma_semaphore, #tpu.memory_space<semaphore_mem>>) src(%dma_wait3A_118 : memref<102400xf32, #tpu.memory_space<vmem_shared>>) dst(%dma_wait3A_113 : memref<128xf32, #tpu.memory_space<vmem>>)
          %dma_wait3A_119 = arith.constant 0 : i32
          %dma_wait3A_120 = tpu.memref_slice %arg28[%scan3A_79, %dma_wait3A_119] : memref<32x128xf32, #tpu.memory_space<vmem>> -> memref<1x128xf32, #tpu.memory_space<vmem>>
          %dma_wait3A_121 = tpu.memref_squeeze %dma_wait3A_120 : memref<1x128xf32, #tpu.memory_space<vmem>> -> memref<128xf32, #tpu.memory_space<vmem>>
          %dma_wait3A_122 = arith.constant 0 : i32
          %dma_wait3A_123 = tpu.memref_slice %arg25[%scan3A_79, %dma_wait3A_122] : memref<32x128xi32, #tpu.memory_space<vmem>> -> memref<1x128xi32, #tpu.memory_space<vmem>>
          %dma_wait3A_124 = tpu.memref_squeeze %dma_wait3A_123 : memref<1x128xi32, #tpu.memory_space<vmem>> -> memref<128xi32, #tpu.memory_space<vmem>>
          %dma_wait3A_125 = arith.constant 0 : i32
          %dma_wait3A_126 = tpu.memref_slice %arg20[%dma_wait3A_125] : memref<102400xf32, #tpu.memory_space<vmem_shared>> -> memref<102400xf32, #tpu.memory_space<vmem_shared>>
          tpu.wait_indirect_dma semaphore(%arg42 : memref<!tpu.dma_semaphore, #tpu.memory_space<semaphore_mem>>) src(%dma_wait3A_126 : memref<102400xf32, #tpu.memory_space<vmem_shared>>) dst(%dma_wait3A_121 : memref<128xf32, #tpu.memory_space<vmem>>)
          %dma_wait3A_127 = arith.constant 0 : i32
          %dma_wait3A_128 = tpu.memref_slice %arg29[%scan3A_79, %dma_wait3A_127] : memref<32x128xf32, #tpu.memory_space<vmem>> -> memref<1x128xf32, #tpu.memory_space<vmem>>
          %dma_wait3A_129 = tpu.memref_squeeze %dma_wait3A_128 : memref<1x128xf32, #tpu.memory_space<vmem>> -> memref<128xf32, #tpu.memory_space<vmem>>
          %dma_wait3A_130 = arith.constant 0 : i32
          %dma_wait3A_131 = tpu.memref_slice %arg26[%scan3A_79, %dma_wait3A_130] : memref<32x128xi32, #tpu.memory_space<vmem>> -> memref<1x128xi32, #tpu.memory_space<vmem>>
          %dma_wait3A_132 = tpu.memref_squeeze %dma_wait3A_131 : memref<1x128xi32, #tpu.memory_space<vmem>> -> memref<128xi32, #tpu.memory_space<vmem>>
          %dma_wait3A_133 = arith.constant 0 : i32
          %dma_wait3A_134 = tpu.memref_slice %arg19[%dma_wait3A_133] : memref<102400xf32, #tpu.memory_space<vmem_shared>> -> memref<102400xf32, #tpu.memory_space<vmem_shared>>
          tpu.wait_indirect_dma semaphore(%arg42 : memref<!tpu.dma_semaphore, #tpu.memory_space<semaphore_mem>>) src(%dma_wait3A_134 : memref<102400xf32, #tpu.memory_space<vmem_shared>>) dst(%dma_wait3A_129 : memref<128xf32, #tpu.memory_space<vmem>>)
          %dma_wait3A_135 = arith.constant 0 : i32
          %dma_wait3A_136 = tpu.memref_slice %arg30[%scan3A_79, %dma_wait3A_135] : memref<32x128xf32, #tpu.memory_space<vmem>> -> memref<1x128xf32, #tpu.memory_space<vmem>>
          %dma_wait3A_137 = tpu.memref_squeeze %dma_wait3A_136 : memref<1x128xf32, #tpu.memory_space<vmem>> -> memref<128xf32, #tpu.memory_space<vmem>>
          %dma_wait3A_138 = arith.constant 0 : i32
          %dma_wait3A_139 = tpu.memref_slice %arg26[%scan3A_79, %dma_wait3A_138] : memref<32x128xi32, #tpu.memory_space<vmem>> -> memref<1x128xi32, #tpu.memory_space<vmem>>
          %dma_wait3A_140 = tpu.memref_squeeze %dma_wait3A_139 : memref<1x128xi32, #tpu.memory_space<vmem>> -> memref<128xi32, #tpu.memory_space<vmem>>
          %dma_wait3A_141 = arith.constant 0 : i32
          %dma_wait3A_142 = tpu.memref_slice %arg20[%dma_wait3A_141] : memref<102400xf32, #tpu.memory_space<vmem_shared>> -> memref<102400xf32, #tpu.memory_space<vmem_shared>>
          tpu.wait_indirect_dma semaphore(%arg42 : memref<!tpu.dma_semaphore, #tpu.memory_space<semaphore_mem>>) src(%dma_wait3A_142 : memref<102400xf32, #tpu.memory_space<vmem_shared>>) dst(%dma_wait3A_137 : memref<128xf32, #tpu.memory_space<vmem>>)
          %scan3A_143 = arith.constant 0 : i32
          scf.yield %scan3A_143 : i32
        }
        %scan3A_63 = arith.constant 32 : i32
        %scan3A_64 = arith.constant 0 : i32
        %scan3A_65 = arith.constant 0 : i32
        %scan3A_66 = arith.constant 32 : i32
        %scan3A_67 = arith.addi %scan3A_65, %scan3A_66 : i32
        %scan3A_68 = arith.constant 1 : i32
        %scan3A_69 = scf.for %scan3A_79 = %scan3A_65 to %scan3A_67 step %scan3A_68 iter_args(%scan3A_80 = %scan3A_64) -> (i32)  : i32 {
          %scan3A_81 = arith.constant 0 : i32
          %scan3A_82 = arith.constant 0 : i32
          %scan3A_83 = arith.constant 8 : i32
          %scan3A_84 = arith.addi %scan3A_82, %scan3A_83 : i32
          %scan3A_85 = arith.constant 1 : i32
          %scan3A_86 = scf.for %scan3A_89 = %scan3A_82 to %scan3A_84 step %scan3A_85 iter_args(%scan3A_90 = %scan3A_81) -> (i32)  : i32 {
            %mul3A_91 = arith.constant 16 : i32
            %mul3A_92 = arith.muli %scan3A_89, %mul3A_91 : i32
            %multiple_of3A_93 = tpu.assume_multiple %mul3A_92, 16 : i32
            %get3A = arith.index_cast %scan3A_79 : i32 to index
            %get3A_94 = arith.index_cast %multiple_of3A_93 : i32 to index
            %get3A_95 = tpu.vector_load %arg37[%get3A, %get3A_94] {strides = array<i32>} : memref<32x128xf32, #tpu.memory_space<vmem>>, vector<1x16xf32>,
            %get3A_96 = vector.shape_cast %get3A_95 : vector<1x16xf32> to vector<16xf32>
            %get3A_97 = arith.index_cast %scan3A_79 : i32 to index
            %get3A_98 = arith.index_cast %multiple_of3A_93 : i32 to index
            %get3A_99 = tpu.vector_load %arg38[%get3A_97, %get3A_98] {strides = array<i32>} : memref<32x128xf32, #tpu.memory_space<vmem>>, vector<1x16xf32>,
            %get3A_100 = vector.shape_cast %get3A_99 : vector<1x16xf32> to vector<16xf32>
            %get3A_101 = arith.index_cast %scan3A_79 : i32 to index
            %get3A_102 = arith.index_cast %multiple_of3A_93 : i32 to index
            %get3A_103 = tpu.vector_load %arg27[%get3A_101, %get3A_102] {strides = array<i32>} : memref<32x128xf32, #tpu.memory_space<vmem>>, vector<1x16xf32>,
            %get3A_104 = vector.shape_cast %get3A_103 : vector<1x16xf32> to vector<16xf32>
            %add3A_105 = arith.addf %get3A_104, %get3A_96 : vector<16xf32>
            %convert_element_type3A = arith.truncf %add3A_105 : vector<16xf32> to vector<16xbf16>
            %convert_element_type3A_106 = arith.extf %convert_element_type3A : vector<16xbf16> to vector<16xf32>
            %get3A_107 = arith.index_cast %scan3A_79 : i32 to index
            %get3A_108 = arith.index_cast %multiple_of3A_93 : i32 to index
            %get3A_109 = tpu.vector_load %arg28[%get3A_107, %get3A_108] {strides = array<i32>} : memref<32x128xf32, #tpu.memory_space<vmem>>, vector<1x16xf32>,
            %get3A_110 = vector.shape_cast %get3A_109 : vector<1x16xf32> to vector<16xf32>
            %add3A_111 = arith.addf %get3A_110, %get3A_96 : vector<16xf32>
            %convert_element_type3A_112 = arith.truncf %add3A_111 : vector<16xf32> to vector<16xbf16>
            %convert_element_type3A_113 = arith.extf %convert_element_type3A_112 : vector<16xbf16> to vector<16xf32>
            %get3A_114 = arith.index_cast %scan3A_79 : i32 to index
            %get3A_115 = arith.index_cast %multiple_of3A_93 : i32 to index
            %get3A_116 = tpu.vector_load %arg29[%get3A_114, %get3A_115] {strides = array<i32>} : memref<32x128xf32, #tpu.memory_space<vmem>>, vector<1x16xf32>,
            %get3A_117 = vector.shape_cast %get3A_116 : vector<1x16xf32> to vector<16xf32>
            %add3A_118 = arith.addf %get3A_117, %get3A_100 : vector<16xf32>
            %convert_element_type3A_119 = arith.truncf %add3A_118 : vector<16xf32> to vector<16xbf16>
            %convert_element_type3A_120 = arith.extf %convert_element_type3A_119 : vector<16xbf16> to vector<16xf32>
            %get3A_121 = arith.index_cast %scan3A_79 : i32 to index
            %get3A_122 = arith.index_cast %multiple_of3A_93 : i32 to index
            %get3A_123 = tpu.vector_load %arg30[%get3A_121, %get3A_122] {strides = array<i32>} : memref<32x128xf32, #tpu.memory_space<vmem>>, vector<1x16xf32>,
            %get3A_124 = vector.shape_cast %get3A_123 : vector<1x16xf32> to vector<16xf32>
            %add3A_125 = arith.addf %get3A_124, %get3A_100 : vector<16xf32>
            %convert_element_type3A_126 = arith.truncf %add3A_125 : vector<16xf32> to vector<16xbf16>
            %convert_element_type3A_127 = arith.extf %convert_element_type3A_126 : vector<16xbf16> to vector<16xf32>
            %broadcast_in_dim3A = arith.constant 0.000000e+00 : f32
            %broadcast_in_dim3A_128 = vector.broadcast %broadcast_in_dim3A : f32 to vector<16xf32>
            %get3A_129 = arith.constant 0 : index
            %get3A_130 = tpu.vector_load %arg41[%get3A_129] {strides = array<i32>} : memref<480xf32, #tpu.memory_space<vmem>>, vector<16xf32>,
            %get3A_131 = vector.shape_cast %get3A_130 : vector<16xf32> to vector<16xf32>
            %mul3A_132 = arith.mulf %convert_element_type3A_106, %get3A_131 : vector<16xf32>
            %get3A_133 = arith.constant 16 : index
            %get3A_134 = tpu.vector_load %arg41[%get3A_133] {strides = array<i32>} : memref<480xf32, #tpu.memory_space<vmem>>, vector<16xf32>,
            %get3A_135 = vector.shape_cast %get3A_134 : vector<16xf32> to vector<16xf32>
            %mul3A_136 = arith.mulf %convert_element_type3A_113, %get3A_135 : vector<16xf32>
            %add3A_137 = arith.addf %mul3A_132, %mul3A_136 : vector<16xf32>
            %get3A_138 = arith.constant 32 : index
            %get3A_139 = tpu.vector_load %arg41[%get3A_138] {strides = array<i32>} : memref<480xf32, #tpu.memory_space<vmem>>, vector<16xf32>,
            %get3A_140 = vector.shape_cast %get3A_139 : vector<16xf32> to vector<16xf32>
            %mul3A_141 = arith.mulf %convert_element_type3A_120, %get3A_140 : vector<16xf32>
            %add3A_142 = arith.addf %add3A_137, %mul3A_141 : vector<16xf32>
            %get3A_143 = arith.constant 48 : index
            %get3A_144 = tpu.vector_load %arg41[%get3A_143] {strides = array<i32>} : memref<480xf32, #tpu.memory_space<vmem>>, vector<16xf32>,
            %get3A_145 = vector.shape_cast %get3A_144 : vector<16xf32> to vector<16xf32>
            %mul3A_146 = arith.mulf %convert_element_type3A_127, %get3A_145 : vector<16xf32>
            %add3A_147 = arith.addf %add3A_142, %mul3A_146 : vector<16xf32>
            %get3A_148 = arith.index_cast %scan3A_79 : i32 to index
            %get3A_149 = arith.index_cast %multiple_of3A_93 : i32 to index
            %get3A_150 = tpu.vector_load %arg31[%get3A_148, %get3A_149] {strides = array<i32>} : memref<32x128xf32, #tpu.memory_space<vmem>>, vector<1x16xf32>,
            %get3A_151 = vector.shape_cast %get3A_150 : vector<1x16xf32> to vector<16xf32>
            %add3A_152 = arith.addf %add3A_147, %get3A_151 : vector<16xf32>
            %max3A = arith.maximumf %add3A_152, %broadcast_in_dim3A_128 : vector<16xf32>
            %swap3A = arith.index_cast %scan3A_79 : i32 to index
            %swap3A_153 = arith.index_cast %multiple_of3A_93 : i32 to index
            %swap3A_154 = tpu.vector_load %arg34[%swap3A, %swap3A_153] {strides = array<i32>} : memref<32x128xf32, #tpu.memory_space<vmem>>, vector<1x16xf32>,
            %swap3A_155 = vector.shape_cast %swap3A_154 : vector<1x16xf32> to vector<16xf32>
            %swap3A_156 = vector.shape_cast %max3A : vector<16xf32> to vector<1x16xf32>
            tpu.vector_store %arg34[%swap3A, %swap3A_153], %swap3A_156 {strides = array<i32>} : memref<32x128xf32, #tpu.memory_space<vmem>>, vector<1x16xf32>,
            %get3A_157 = arith.constant 64 : index
            %get3A_158 = tpu.vector_load %arg41[%get3A_157] {strides = array<i32>} : memref<480xf32, #tpu.memory_space<vmem>>, vector<16xf32>,
            %get3A_159 = vector.shape_cast %get3A_158 : vector<16xf32> to vector<16xf32>
            %mul3A_160 = arith.mulf %convert_element_type3A_106, %get3A_159 : vector<16xf32>
            %get3A_161 = arith.constant 80 : index
            %get3A_162 = tpu.vector_load %arg41[%get3A_161] {strides = array<i32>} : memref<480xf32, #tpu.memory_space<vmem>>, vector<16xf32>,
            %get3A_163 = vector.shape_cast %get3A_162 : vector<16xf32> to vector<16xf32>
            %mul3A_164 = arith.mulf %convert_element_type3A_113, %get3A_163 : vector<16xf32>
            %add3A_165 = arith.addf %mul3A_160, %mul3A_164 : vector<16xf32>
            %get3A_166 = arith.constant 96 : index
            %get3A_167 = tpu.vector_load %arg41[%get3A_166] {strides = array<i32>} : memref<480xf32, #tpu.memory_space<vmem>>, vector<16xf32>,
            %get3A_168 = vector.shape_cast %get3A_167 : vector<16xf32> to vector<16xf32>
            %mul3A_169 = arith.mulf %convert_element_type3A_120, %get3A_168 : vector<16xf32>
            %add3A_170 = arith.addf %add3A_165, %mul3A_169 : vector<16xf32>
            %get3A_171 = arith.constant 112 : index
            %get3A_172 = tpu.vector_load %arg41[%get3A_171] {strides = array<i32>} : memref<480xf32, #tpu.memory_space<vmem>>, vector<16xf32>,
            %get3A_173 = vector.shape_cast %get3A_172 : vector<16xf32> to vector<16xf32>
            %mul3A_174 = arith.mulf %convert_element_type3A_127, %get3A_173 : vector<16xf32>
            %add3A_175 = arith.addf %add3A_170, %mul3A_174 : vector<16xf32>
            %get3A_176 = arith.index_cast %scan3A_79 : i32 to index
            %get3A_177 = arith.index_cast %multiple_of3A_93 : i32 to index
            %get3A_178 = tpu.vector_load %arg32[%get3A_176, %get3A_177] {strides = array<i32>} : memref<32x128xf32, #tpu.memory_space<vmem>>, vector<1x16xf32>,
            %get3A_179 = vector.shape_cast %get3A_178 : vector<1x16xf32> to vector<16xf32>
            %add3A_180 = arith.addf %add3A_175, %get3A_179 : vector<16xf32>
            %max3A_181 = arith.maximumf %add3A_180, %broadcast_in_dim3A_128 : vector<16xf32>
            %swap3A_182 = arith.index_cast %scan3A_79 : i32 to index
            %swap3A_183 = arith.index_cast %multiple_of3A_93 : i32 to index
            %swap3A_184 = tpu.vector_load %arg35[%swap3A_182, %swap3A_183] {strides = array<i32>} : memref<32x128xf32, #tpu.memory_space<vmem>>, vector<1x16xf32>,
            %swap3A_185 = vector.shape_cast %swap3A_184 : vector<1x16xf32> to vector<16xf32>
            %swap3A_186 = vector.shape_cast %max3A_181 : vector<16xf32> to vector<1x16xf32>
            tpu.vector_store %arg35[%swap3A_182, %swap3A_183], %swap3A_186 {strides = array<i32>} : memref<32x128xf32, #tpu.memory_space<vmem>>, vector<1x16xf32>,
            %get3A_187 = arith.constant 128 : index
            %get3A_188 = tpu.vector_load %arg41[%get3A_187] {strides = array<i32>} : memref<480xf32, #tpu.memory_space<vmem>>, vector<16xf32>,
            %get3A_189 = vector.shape_cast %get3A_188 : vector<16xf32> to vector<16xf32>
            %mul3A_190 = arith.mulf %convert_element_type3A_106, %get3A_189 : vector<16xf32>
            %get3A_191 = arith.constant 144 : index
            %get3A_192 = tpu.vector_load %arg41[%get3A_191] {strides = array<i32>} : memref<480xf32, #tpu.memory_space<vmem>>, vector<16xf32>,
            %get3A_193 = vector.shape_cast %get3A_192 : vector<16xf32> to vector<16xf32>
            %mul3A_194 = arith.mulf %convert_element_type3A_113, %get3A_193 : vector<16xf32>
            %add3A_195 = arith.addf %mul3A_190, %mul3A_194 : vector<16xf32>
            %get3A_196 = arith.constant 160 : index
            %get3A_197 = tpu.vector_load %arg41[%get3A_196] {strides = array<i32>} : memref<480xf32, #tpu.memory_space<vmem>>, vector<16xf32>,
            %get3A_198 = vector.shape_cast %get3A_197 : vector<16xf32> to vector<16xf32>
            %mul3A_199 = arith.mulf %convert_element_type3A_120, %get3A_198 : vector<16xf32>
            %add3A_200 = arith.addf %add3A_195, %mul3A_199 : vector<16xf32>
            %get3A_201 = arith.constant 176 : index
            %get3A_202 = tpu.vector_load %arg41[%get3A_201] {strides = array<i32>} : memref<480xf32, #tpu.memory_space<vmem>>, vector<16xf32>,
            %get3A_203 = vector.shape_cast %get3A_202 : vector<16xf32> to vector<16xf32>
            %mul3A_204 = arith.mulf %convert_element_type3A_127, %get3A_203 : vector<16xf32>
            %add3A_205 = arith.addf %add3A_200, %mul3A_204 : vector<16xf32>
            %get3A_206 = arith.index_cast %scan3A_79 : i32 to index
            %get3A_207 = arith.index_cast %multiple_of3A_93 : i32 to index
            %get3A_208 = tpu.vector_load %arg33[%get3A_206, %get3A_207] {strides = array<i32>} : memref<32x128xf32, #tpu.memory_space<vmem>>, vector<1x16xf32>,
            %get3A_209 = vector.shape_cast %get3A_208 : vector<1x16xf32> to vector<16xf32>
            %add3A_210 = arith.addf %add3A_205, %get3A_209 : vector<16xf32>
            %max3A_211 = arith.maximumf %add3A_210, %broadcast_in_dim3A_128 : vector<16xf32>
            %swap3A_212 = arith.index_cast %scan3A_79 : i32 to index
            %swap3A_213 = arith.index_cast %multiple_of3A_93 : i32 to index
            %swap3A_214 = tpu.vector_load %arg36[%swap3A_212, %swap3A_213] {strides = array<i32>} : memref<32x128xf32, #tpu.memory_space<vmem>>, vector<1x16xf32>,
            %swap3A_215 = vector.shape_cast %swap3A_214 : vector<1x16xf32> to vector<16xf32>
            %swap3A_216 = vector.shape_cast %max3A_211 : vector<16xf32> to vector<1x16xf32>
            tpu.vector_store %arg36[%swap3A_212, %swap3A_213], %swap3A_216 {strides = array<i32>} : memref<32x128xf32, #tpu.memory_space<vmem>>, vector<1x16xf32>,
            %scan3A_217 = arith.constant 0 : i32
            scf.yield %scan3A_217 : i32
          }
          %scan3A_87 = arith.constant 8 : i32
          %scan3A_88 = arith.constant 0 : i32
          scf.yield %scan3A_88 : i32
        }
        %scan3A_70 = arith.constant 32 : i32
        %scan3A_71 = arith.constant 0 : i32
        %scan3A_72 = arith.constant 0 : i32
        %scan3A_73 = arith.constant 32 : i32
        %scan3A_74 = arith.addi %scan3A_72, %scan3A_73 : i32
        %scan3A_75 = arith.constant 1 : i32
        %scan3A_76 = scf.for %scan3A_79 = %scan3A_72 to %scan3A_74 step %scan3A_75 iter_args(%scan3A_80 = %scan3A_71) -> (i32)  : i32 {
          %dma_start3A = arith.constant 0 : i32
          %dma_start3A_81 = tpu.memref_slice %arg34[%scan3A_79, %dma_start3A] : memref<32x128xf32, #tpu.memory_space<vmem>> -> memref<1x128xf32, #tpu.memory_space<vmem>>
          %dma_start3A_82 = tpu.memref_squeeze %dma_start3A_81 : memref<1x128xf32, #tpu.memory_space<vmem>> -> memref<128xf32, #tpu.memory_space<vmem>>
          %dma_start3A_83 = arith.constant 0 : i32
          %dma_start3A_84 = tpu.memref_slice %arg26[%scan3A_79, %dma_start3A_83] : memref<32x128xi32, #tpu.memory_space<vmem>> -> memref<1x128xi32, #tpu.memory_space<vmem>>
          %dma_start3A_85 = tpu.memref_squeeze %dma_start3A_84 : memref<1x128xi32, #tpu.memory_space<vmem>> -> memref<128xi32, #tpu.memory_space<vmem>>
          %dma_start3A_86 = arith.constant 0 : i32
          %dma_start3A_87 = tpu.memref_slice %arg21[%dma_start3A_86] : memref<102400xf32, #tpu.memory_space<vmem_shared>> -> memref<102400xf32, #tpu.memory_space<vmem_shared>>
          tpu.enqueue_indirect_dma source(%dma_start3A_82 : memref<128xf32, #tpu.memory_space<vmem>>) target(%dma_start3A_87 : memref<102400xf32, #tpu.memory_space<vmem_shared>>) offsets(%dma_start3A_85 : memref<128xi32, #tpu.memory_space<vmem>>) semaphore(%arg42 : memref<!tpu.dma_semaphore, #tpu.memory_space<semaphore_mem>>) {add = true}
          %dma_wait3A = arith.constant 0 : i32
          %dma_wait3A_88 = tpu.memref_slice %arg34[%scan3A_79, %dma_wait3A] : memref<32x128xf32, #tpu.memory_space<vmem>> -> memref<1x128xf32, #tpu.memory_space<vmem>>
          %dma_wait3A_89 = tpu.memref_squeeze %dma_wait3A_88 : memref<1x128xf32, #tpu.memory_space<vmem>> -> memref<128xf32, #tpu.memory_space<vmem>>
          %dma_wait3A_90 = arith.constant 0 : i32
          %dma_wait3A_91 = tpu.memref_slice %arg26[%scan3A_79, %dma_wait3A_90] : memref<32x128xi32, #tpu.memory_space<vmem>> -> memref<1x128xi32, #tpu.memory_space<vmem>>
          %dma_wait3A_92 = tpu.memref_squeeze %dma_wait3A_91 : memref<1x128xi32, #tpu.memory_space<vmem>> -> memref<128xi32, #tpu.memory_space<vmem>>
          %dma_wait3A_93 = arith.constant 0 : i32
          %dma_wait3A_94 = tpu.memref_slice %arg21[%dma_wait3A_93] : memref<102400xf32, #tpu.memory_space<vmem_shared>> -> memref<102400xf32, #tpu.memory_space<vmem_shared>>
          tpu.wait_indirect_dma semaphore(%arg42 : memref<!tpu.dma_semaphore, #tpu.memory_space<semaphore_mem>>) src(%dma_wait3A_89 : memref<128xf32, #tpu.memory_space<vmem>>) dst(%dma_wait3A_94 : memref<102400xf32, #tpu.memory_space<vmem_shared>>)
          %dma_start3A_95 = arith.constant 0 : i32
          %dma_start3A_96 = tpu.memref_slice %arg35[%scan3A_79, %dma_start3A_95] : memref<32x128xf32, #tpu.memory_space<vmem>> -> memref<1x128xf32, #tpu.memory_space<vmem>>
          %dma_start3A_97 = tpu.memref_squeeze %dma_start3A_96 : memref<1x128xf32, #tpu.memory_space<vmem>> -> memref<128xf32, #tpu.memory_space<vmem>>
          %dma_start3A_98 = arith.constant 0 : i32
          %dma_start3A_99 = tpu.memref_slice %arg26[%scan3A_79, %dma_start3A_98] : memref<32x128xi32, #tpu.memory_space<vmem>> -> memref<1x128xi32, #tpu.memory_space<vmem>>
          %dma_start3A_100 = tpu.memref_squeeze %dma_start3A_99 : memref<1x128xi32, #tpu.memory_space<vmem>> -> memref<128xi32, #tpu.memory_space<vmem>>
          %dma_start3A_101 = arith.constant 0 : i32
          %dma_start3A_102 = tpu.memref_slice %arg22[%dma_start3A_101] : memref<102400xf32, #tpu.memory_space<vmem_shared>> -> memref<102400xf32, #tpu.memory_space<vmem_shared>>
          tpu.enqueue_indirect_dma source(%dma_start3A_97 : memref<128xf32, #tpu.memory_space<vmem>>) target(%dma_start3A_102 : memref<102400xf32, #tpu.memory_space<vmem_shared>>) offsets(%dma_start3A_100 : memref<128xi32, #tpu.memory_space<vmem>>) semaphore(%arg42 : memref<!tpu.dma_semaphore, #tpu.memory_space<semaphore_mem>>) {add = true}
          %dma_wait3A_103 = arith.constant 0 : i32
          %dma_wait3A_104 = tpu.memref_slice %arg35[%scan3A_79, %dma_wait3A_103] : memref<32x128xf32, #tpu.memory_space<vmem>> -> memref<1x128xf32, #tpu.memory_space<vmem>>
          %dma_wait3A_105 = tpu.memref_squeeze %dma_wait3A_104 : memref<1x128xf32, #tpu.memory_space<vmem>> -> memref<128xf32, #tpu.memory_space<vmem>>
          %dma_wait3A_106 = arith.constant 0 : i32
          %dma_wait3A_107 = tpu.memref_slice %arg26[%scan3A_79, %dma_wait3A_106] : memref<32x128xi32, #tpu.memory_space<vmem>> -> memref<1x128xi32, #tpu.memory_space<vmem>>
          %dma_wait3A_108 = tpu.memref_squeeze %dma_wait3A_107 : memref<1x128xi32, #tpu.memory_space<vmem>> -> memref<128xi32, #tpu.memory_space<vmem>>
          %dma_wait3A_109 = arith.constant 0 : i32
          %dma_wait3A_110 = tpu.memref_slice %arg22[%dma_wait3A_109] : memref<102400xf32, #tpu.memory_space<vmem_shared>> -> memref<102400xf32, #tpu.memory_space<vmem_shared>>
          tpu.wait_indirect_dma semaphore(%arg42 : memref<!tpu.dma_semaphore, #tpu.memory_space<semaphore_mem>>) src(%dma_wait3A_105 : memref<128xf32, #tpu.memory_space<vmem>>) dst(%dma_wait3A_110 : memref<102400xf32, #tpu.memory_space<vmem_shared>>)
          %dma_start3A_111 = arith.constant 0 : i32
          %dma_start3A_112 = tpu.memref_slice %arg36[%scan3A_79, %dma_start3A_111] : memref<32x128xf32, #tpu.memory_space<vmem>> -> memref<1x128xf32, #tpu.memory_space<vmem>>
          %dma_start3A_113 = tpu.memref_squeeze %dma_start3A_112 : memref<1x128xf32, #tpu.memory_space<vmem>> -> memref<128xf32, #tpu.memory_space<vmem>>
          %dma_start3A_114 = arith.constant 0 : i32
          %dma_start3A_115 = tpu.memref_slice %arg26[%scan3A_79, %dma_start3A_114] : memref<32x128xi32, #tpu.memory_space<vmem>> -> memref<1x128xi32, #tpu.memory_space<vmem>>
          %dma_start3A_116 = tpu.memref_squeeze %dma_start3A_115 : memref<1x128xi32, #tpu.memory_space<vmem>> -> memref<128xi32, #tpu.memory_space<vmem>>
          %dma_start3A_117 = arith.constant 0 : i32
          %dma_start3A_118 = tpu.memref_slice %arg23[%dma_start3A_117] : memref<102400xf32, #tpu.memory_space<vmem_shared>> -> memref<102400xf32, #tpu.memory_space<vmem_shared>>
          tpu.enqueue_indirect_dma source(%dma_start3A_113 : memref<128xf32, #tpu.memory_space<vmem>>) target(%dma_start3A_118 : memref<102400xf32, #tpu.memory_space<vmem_shared>>) offsets(%dma_start3A_116 : memref<128xi32, #tpu.memory_space<vmem>>) semaphore(%arg42 : memref<!tpu.dma_semaphore, #tpu.memory_space<semaphore_mem>>) {add = true}
          %dma_wait3A_119 = arith.constant 0 : i32
          %dma_wait3A_120 = tpu.memref_slice %arg36[%scan3A_79, %dma_wait3A_119] : memref<32x128xf32, #tpu.memory_space<vmem>> -> memref<1x128xf32, #tpu.memory_space<vmem>>
          %dma_wait3A_121 = tpu.memref_squeeze %dma_wait3A_120 : memref<1x128xf32, #tpu.memory_space<vmem>> -> memref<128xf32, #tpu.memory_space<vmem>>
          %dma_wait3A_122 = arith.constant 0 : i32
          %dma_wait3A_123 = tpu.memref_slice %arg26[%scan3A_79, %dma_wait3A_122] : memref<32x128xi32, #tpu.memory_space<vmem>> -> memref<1x128xi32, #tpu.memory_space<vmem>>
          %dma_wait3A_124 = tpu.memref_squeeze %dma_wait3A_123 : memref<1x128xi32, #tpu.memory_space<vmem>> -> memref<128xi32, #tpu.memory_space<vmem>>
          %dma_wait3A_125 = arith.constant 0 : i32
          %dma_wait3A_126 = tpu.memref_slice %arg23[%dma_wait3A_125] : memref<102400xf32, #tpu.memory_space<vmem_shared>> -> memref<102400xf32, #tpu.memory_space<vmem_shared>>
          tpu.wait_indirect_dma semaphore(%arg42 : memref<!tpu.dma_semaphore, #tpu.memory_space<semaphore_mem>>) src(%dma_wait3A_121 : memref<128xf32, #tpu.memory_space<vmem>>) dst(%dma_wait3A_126 : memref<102400xf32, #tpu.memory_space<vmem_shared>>)
          %scan3A_127 = arith.constant 0 : i32
          scf.yield %scan3A_127 : i32
        }
        %scan3A_77 = arith.constant 32 : i32
        %scan3A_78 = arith.constant 0 : i32
        scf.yield %scan3A_78 : i32
      }
      %scan3A_37 = arith.constant 25 : i32
      %barrier3A_38 = arith.constant 0 : index
      tpu.barrier barrier_id(%barrier3A_38)
      %scan3A_39 = arith.constant 0 : i32
      %scan3A_40 = arith.constant 0 : i32
      %scan3A_41 = arith.constant 25 : i32
      %scan3A_42 = arith.addi %scan3A_40, %scan3A_41 : i32
      %scan3A_43 = arith.constant 1 : i32
      %scan3A_44 = scf.for %scan3A_52 = %scan3A_40 to %scan3A_42 step %scan3A_43 iter_args(%scan3A_53 = %scan3A_39) -> (i32)  : i32 {
        %mul3A_54 = arith.constant 32 : i32
        %mul3A_55 = arith.muli %scan3A_52, %mul3A_54 : i32
        %add3A_56 = arith.addi %mul3A_2, %mul3A_55 : i32
        "tpu.region"() ({
          %run_scoped3A = tpu.sem_alloc : memref<!tpu.dma_semaphore, #tpu.memory_space<semaphore_mem>>
          %dma_start3A = arith.constant 0 : i32
          %dma_start3A_79 = tpu.memref_slice %arg3[%add3A_56, %dma_start3A] : memref<12800x128xi32, #tpu.memory_space<hbm>> -> memref<32x128xi32, #tpu.memory_space<hbm>>
          %dma_start3A_80 = arith.constant 0 : i32
          %dma_start3A_81 = tpu.memref_slice %arg3[%add3A_56, %dma_start3A_80] : memref<12800x128xi32, #tpu.memory_space<hbm>> -> memref<32x128xi32, #tpu.memory_space<hbm>>
          tpu.enqueue_dma source(%dma_start3A_81 : memref<32x128xi32, #tpu.memory_space<hbm>>) target(%arg25 : memref<32x128xi32, #tpu.memory_space<vmem>>) target_semaphore(%run_scoped3A : memref<!tpu.dma_semaphore, #tpu.memory_space<semaphore_mem>>)
          %dma_wait3A = arith.constant 0 : i32
          %dma_wait3A_82 = tpu.memref_slice %arg3[%add3A_56, %dma_wait3A] : memref<12800x128xi32, #tpu.memory_space<hbm>> -> memref<32x128xi32, #tpu.memory_space<hbm>>
          %dma_wait3A_83 = arith.constant 0 : i32
          %dma_wait3A_84 = tpu.memref_slice %arg3[%add3A_56, %dma_wait3A_83] : memref<12800x128xi32, #tpu.memory_space<hbm>> -> memref<32x128xi32, #tpu.memory_space<hbm>>
          tpu.wait_dma2 semaphore(%run_scoped3A : memref<!tpu.dma_semaphore, #tpu.memory_space<semaphore_mem>>) src(%dma_wait3A_84 : memref<32x128xi32, #tpu.memory_space<hbm>>) dst(%arg25 : memref<32x128xi32, #tpu.memory_space<vmem>>)
          tpu.yield
        }) : () -> ()
        "tpu.region"() ({
          %run_scoped3A = tpu.sem_alloc : memref<!tpu.dma_semaphore, #tpu.memory_space<semaphore_mem>>
          %dma_start3A = arith.constant 0 : i32
          %dma_start3A_79 = tpu.memref_slice %arg4[%add3A_56, %dma_start3A] : memref<12800x128xi32, #tpu.memory_space<hbm>> -> memref<32x128xi32, #tpu.memory_space<hbm>>
          %dma_start3A_80 = arith.constant 0 : i32
          %dma_start3A_81 = tpu.memref_slice %arg4[%add3A_56, %dma_start3A_80] : memref<12800x128xi32, #tpu.memory_space<hbm>> -> memref<32x128xi32, #tpu.memory_space<hbm>>
          tpu.enqueue_dma source(%dma_start3A_81 : memref<32x128xi32, #tpu.memory_space<hbm>>) target(%arg26 : memref<32x128xi32, #tpu.memory_space<vmem>>) target_semaphore(%run_scoped3A : memref<!tpu.dma_semaphore, #tpu.memory_space<semaphore_mem>>)
          %dma_wait3A = arith.constant 0 : i32
          %dma_wait3A_82 = tpu.memref_slice %arg4[%add3A_56, %dma_wait3A] : memref<12800x128xi32, #tpu.memory_space<hbm>> -> memref<32x128xi32, #tpu.memory_space<hbm>>
          %dma_wait3A_83 = arith.constant 0 : i32
          %dma_wait3A_84 = tpu.memref_slice %arg4[%add3A_56, %dma_wait3A_83] : memref<12800x128xi32, #tpu.memory_space<hbm>> -> memref<32x128xi32, #tpu.memory_space<hbm>>
          tpu.wait_dma2 semaphore(%run_scoped3A : memref<!tpu.dma_semaphore, #tpu.memory_space<semaphore_mem>>) src(%dma_wait3A_84 : memref<32x128xi32, #tpu.memory_space<hbm>>) dst(%arg26 : memref<32x128xi32, #tpu.memory_space<vmem>>)
          tpu.yield
        }) : () -> ()
        "tpu.region"() ({
          %run_scoped3A = tpu.sem_alloc : memref<!tpu.dma_semaphore, #tpu.memory_space<semaphore_mem>>
          %dma_start3A = arith.constant 0 : i32
          %dma_start3A_79 = tpu.memref_slice %arg15[%add3A_56, %dma_start3A] : memref<12800x128xf32, #tpu.memory_space<hbm>> -> memref<32x128xf32, #tpu.memory_space<hbm>>
          %dma_start3A_80 = arith.constant 0 : i32
          %dma_start3A_81 = tpu.memref_slice %arg15[%add3A_56, %dma_start3A_80] : memref<12800x128xf32, #tpu.memory_space<hbm>> -> memref<32x128xf32, #tpu.memory_space<hbm>>
          tpu.enqueue_dma source(%dma_start3A_81 : memref<32x128xf32, #tpu.memory_space<hbm>>) target(%arg33 : memref<32x128xf32, #tpu.memory_space<vmem>>) target_semaphore(%run_scoped3A : memref<!tpu.dma_semaphore, #tpu.memory_space<semaphore_mem>>)
          %dma_wait3A = arith.constant 0 : i32
          %dma_wait3A_82 = tpu.memref_slice %arg15[%add3A_56, %dma_wait3A] : memref<12800x128xf32, #tpu.memory_space<hbm>> -> memref<32x128xf32, #tpu.memory_space<hbm>>
          %dma_wait3A_83 = arith.constant 0 : i32
          %dma_wait3A_84 = tpu.memref_slice %arg15[%add3A_56, %dma_wait3A_83] : memref<12800x128xf32, #tpu.memory_space<hbm>> -> memref<32x128xf32, #tpu.memory_space<hbm>>
          tpu.wait_dma2 semaphore(%run_scoped3A : memref<!tpu.dma_semaphore, #tpu.memory_space<semaphore_mem>>) src(%dma_wait3A_84 : memref<32x128xf32, #tpu.memory_space<hbm>>) dst(%arg33 : memref<32x128xf32, #tpu.memory_space<vmem>>)
          tpu.yield
        }) : () -> ()
        "tpu.region"() ({
          %run_scoped3A = tpu.sem_alloc : memref<!tpu.dma_semaphore, #tpu.memory_space<semaphore_mem>>
          %dma_start3A = arith.constant 0 : i32
          %dma_start3A_79 = tpu.memref_slice %arg16[%add3A_56, %dma_start3A] : memref<12800x128xf32, #tpu.memory_space<hbm>> -> memref<32x128xf32, #tpu.memory_space<hbm>>
          %dma_start3A_80 = arith.constant 0 : i32
          %dma_start3A_81 = tpu.memref_slice %arg16[%add3A_56, %dma_start3A_80] : memref<12800x128xf32, #tpu.memory_space<hbm>> -> memref<32x128xf32, #tpu.memory_space<hbm>>
          tpu.enqueue_dma source(%dma_start3A_81 : memref<32x128xf32, #tpu.memory_space<hbm>>) target(%arg37 : memref<32x128xf32, #tpu.memory_space<vmem>>) target_semaphore(%run_scoped3A : memref<!tpu.dma_semaphore, #tpu.memory_space<semaphore_mem>>)
          %dma_wait3A = arith.constant 0 : i32
          %dma_wait3A_82 = tpu.memref_slice %arg16[%add3A_56, %dma_wait3A] : memref<12800x128xf32, #tpu.memory_space<hbm>> -> memref<32x128xf32, #tpu.memory_space<hbm>>
          %dma_wait3A_83 = arith.constant 0 : i32
          %dma_wait3A_84 = tpu.memref_slice %arg16[%add3A_56, %dma_wait3A_83] : memref<12800x128xf32, #tpu.memory_space<hbm>> -> memref<32x128xf32, #tpu.memory_space<hbm>>
          tpu.wait_dma2 semaphore(%run_scoped3A : memref<!tpu.dma_semaphore, #tpu.memory_space<semaphore_mem>>) src(%dma_wait3A_84 : memref<32x128xf32, #tpu.memory_space<hbm>>) dst(%arg37 : memref<32x128xf32, #tpu.memory_space<vmem>>)
          tpu.yield
        }) : () -> ()
        "tpu.region"() ({
          %run_scoped3A = tpu.sem_alloc : memref<!tpu.dma_semaphore, #tpu.memory_space<semaphore_mem>>
          %dma_start3A = arith.constant 0 : i32
          %dma_start3A_79 = tpu.memref_slice %arg17[%add3A_56, %dma_start3A] : memref<12800x128xf32, #tpu.memory_space<hbm>> -> memref<32x128xf32, #tpu.memory_space<hbm>>
          %dma_start3A_80 = arith.constant 0 : i32
          %dma_start3A_81 = tpu.memref_slice %arg17[%add3A_56, %dma_start3A_80] : memref<12800x128xf32, #tpu.memory_space<hbm>> -> memref<32x128xf32, #tpu.memory_space<hbm>>
          tpu.enqueue_dma source(%dma_start3A_81 : memref<32x128xf32, #tpu.memory_space<hbm>>) target(%arg38 : memref<32x128xf32, #tpu.memory_space<vmem>>) target_semaphore(%run_scoped3A : memref<!tpu.dma_semaphore, #tpu.memory_space<semaphore_mem>>)
          %dma_wait3A = arith.constant 0 : i32
          %dma_wait3A_82 = tpu.memref_slice %arg17[%add3A_56, %dma_wait3A] : memref<12800x128xf32, #tpu.memory_space<hbm>> -> memref<32x128xf32, #tpu.memory_space<hbm>>
          %dma_wait3A_83 = arith.constant 0 : i32
          %dma_wait3A_84 = tpu.memref_slice %arg17[%add3A_56, %dma_wait3A_83] : memref<12800x128xf32, #tpu.memory_space<hbm>> -> memref<32x128xf32, #tpu.memory_space<hbm>>
          tpu.wait_dma2 semaphore(%run_scoped3A : memref<!tpu.dma_semaphore, #tpu.memory_space<semaphore_mem>>) src(%dma_wait3A_84 : memref<32x128xf32, #tpu.memory_space<hbm>>) dst(%arg38 : memref<32x128xf32, #tpu.memory_space<vmem>>)
          tpu.yield
        }) : () -> ()
        %scan3A_57 = arith.constant 0 : i32
        %scan3A_58 = arith.constant 0 : i32
        %scan3A_59 = arith.constant 32 : i32
        %scan3A_60 = arith.addi %scan3A_58, %scan3A_59 : i32
        %scan3A_61 = arith.constant 1 : i32
        %scan3A_62 = scf.for %scan3A_79 = %scan3A_58 to %scan3A_60 step %scan3A_61 iter_args(%scan3A_80 = %scan3A_57) -> (i32)  : i32 {
          %dma_start3A = arith.constant 0 : i32
          %dma_start3A_81 = tpu.memref_slice %arg27[%scan3A_79, %dma_start3A] : memref<32x128xf32, #tpu.memory_space<vmem>> -> memref<1x128xf32, #tpu.memory_space<vmem>>
          %dma_start3A_82 = tpu.memref_squeeze %dma_start3A_81 : memref<1x128xf32, #tpu.memory_space<vmem>> -> memref<128xf32, #tpu.memory_space<vmem>>
          %dma_start3A_83 = arith.constant 0 : i32
          %dma_start3A_84 = tpu.memref_slice %arg25[%scan3A_79, %dma_start3A_83] : memref<32x128xi32, #tpu.memory_space<vmem>> -> memref<1x128xi32, #tpu.memory_space<vmem>>
          %dma_start3A_85 = tpu.memref_squeeze %dma_start3A_84 : memref<1x128xi32, #tpu.memory_space<vmem>> -> memref<128xi32, #tpu.memory_space<vmem>>
          %dma_start3A_86 = arith.constant 0 : i32
          %dma_start3A_87 = tpu.memref_slice %arg21[%dma_start3A_86] : memref<102400xf32, #tpu.memory_space<vmem_shared>> -> memref<102400xf32, #tpu.memory_space<vmem_shared>>
          tpu.enqueue_indirect_dma source(%dma_start3A_87 : memref<102400xf32, #tpu.memory_space<vmem_shared>>) target(%dma_start3A_82 : memref<128xf32, #tpu.memory_space<vmem>>) offsets(%dma_start3A_85 : memref<128xi32, #tpu.memory_space<vmem>>) semaphore(%arg42 : memref<!tpu.dma_semaphore, #tpu.memory_space<semaphore_mem>>)
          %dma_start3A_88 = arith.constant 0 : i32
          %dma_start3A_89 = tpu.memref_slice %arg28[%scan3A_79, %dma_start3A_88] : memref<32x128xf32, #tpu.memory_space<vmem>> -> memref<1x128xf32, #tpu.memory_space<vmem>>
          %dma_start3A_90 = tpu.memref_squeeze %dma_start3A_89 : memref<1x128xf32, #tpu.memory_space<vmem>> -> memref<128xf32, #tpu.memory_space<vmem>>
          %dma_start3A_91 = arith.constant 0 : i32
          %dma_start3A_92 = tpu.memref_slice %arg25[%scan3A_79, %dma_start3A_91] : memref<32x128xi32, #tpu.memory_space<vmem>> -> memref<1x128xi32, #tpu.memory_space<vmem>>
          %dma_start3A_93 = tpu.memref_squeeze %dma_start3A_92 : memref<1x128xi32, #tpu.memory_space<vmem>> -> memref<128xi32, #tpu.memory_space<vmem>>
          %dma_start3A_94 = arith.constant 0 : i32
          %dma_start3A_95 = tpu.memref_slice %arg22[%dma_start3A_94] : memref<102400xf32, #tpu.memory_space<vmem_shared>> -> memref<102400xf32, #tpu.memory_space<vmem_shared>>
          tpu.enqueue_indirect_dma source(%dma_start3A_95 : memref<102400xf32, #tpu.memory_space<vmem_shared>>) target(%dma_start3A_90 : memref<128xf32, #tpu.memory_space<vmem>>) offsets(%dma_start3A_93 : memref<128xi32, #tpu.memory_space<vmem>>) semaphore(%arg42 : memref<!tpu.dma_semaphore, #tpu.memory_space<semaphore_mem>>)
          %dma_start3A_96 = arith.constant 0 : i32
          %dma_start3A_97 = tpu.memref_slice %arg29[%scan3A_79, %dma_start3A_96] : memref<32x128xf32, #tpu.memory_space<vmem>> -> memref<1x128xf32, #tpu.memory_space<vmem>>
          %dma_start3A_98 = tpu.memref_squeeze %dma_start3A_97 : memref<1x128xf32, #tpu.memory_space<vmem>> -> memref<128xf32, #tpu.memory_space<vmem>>
          %dma_start3A_99 = arith.constant 0 : i32
          %dma_start3A_100 = tpu.memref_slice %arg25[%scan3A_79, %dma_start3A_99] : memref<32x128xi32, #tpu.memory_space<vmem>> -> memref<1x128xi32, #tpu.memory_space<vmem>>
          %dma_start3A_101 = tpu.memref_squeeze %dma_start3A_100 : memref<1x128xi32, #tpu.memory_space<vmem>> -> memref<128xi32, #tpu.memory_space<vmem>>
          %dma_start3A_102 = arith.constant 0 : i32
          %dma_start3A_103 = tpu.memref_slice %arg23[%dma_start3A_102] : memref<102400xf32, #tpu.memory_space<vmem_shared>> -> memref<102400xf32, #tpu.memory_space<vmem_shared>>
          tpu.enqueue_indirect_dma source(%dma_start3A_103 : memref<102400xf32, #tpu.memory_space<vmem_shared>>) target(%dma_start3A_98 : memref<128xf32, #tpu.memory_space<vmem>>) offsets(%dma_start3A_101 : memref<128xi32, #tpu.memory_space<vmem>>) semaphore(%arg42 : memref<!tpu.dma_semaphore, #tpu.memory_space<semaphore_mem>>)
          %dma_start3A_104 = arith.constant 0 : i32
          %dma_start3A_105 = tpu.memref_slice %arg30[%scan3A_79, %dma_start3A_104] : memref<32x128xf32, #tpu.memory_space<vmem>> -> memref<1x128xf32, #tpu.memory_space<vmem>>
          %dma_start3A_106 = tpu.memref_squeeze %dma_start3A_105 : memref<1x128xf32, #tpu.memory_space<vmem>> -> memref<128xf32, #tpu.memory_space<vmem>>
          %dma_start3A_107 = arith.constant 0 : i32
          %dma_start3A_108 = tpu.memref_slice %arg26[%scan3A_79, %dma_start3A_107] : memref<32x128xi32, #tpu.memory_space<vmem>> -> memref<1x128xi32, #tpu.memory_space<vmem>>
          %dma_start3A_109 = tpu.memref_squeeze %dma_start3A_108 : memref<1x128xi32, #tpu.memory_space<vmem>> -> memref<128xi32, #tpu.memory_space<vmem>>
          %dma_start3A_110 = arith.constant 0 : i32
          %dma_start3A_111 = tpu.memref_slice %arg21[%dma_start3A_110] : memref<102400xf32, #tpu.memory_space<vmem_shared>> -> memref<102400xf32, #tpu.memory_space<vmem_shared>>
          tpu.enqueue_indirect_dma source(%dma_start3A_111 : memref<102400xf32, #tpu.memory_space<vmem_shared>>) target(%dma_start3A_106 : memref<128xf32, #tpu.memory_space<vmem>>) offsets(%dma_start3A_109 : memref<128xi32, #tpu.memory_space<vmem>>) semaphore(%arg42 : memref<!tpu.dma_semaphore, #tpu.memory_space<semaphore_mem>>)
          %dma_start3A_112 = arith.constant 0 : i32
          %dma_start3A_113 = tpu.memref_slice %arg31[%scan3A_79, %dma_start3A_112] : memref<32x128xf32, #tpu.memory_space<vmem>> -> memref<1x128xf32, #tpu.memory_space<vmem>>
          %dma_start3A_114 = tpu.memref_squeeze %dma_start3A_113 : memref<1x128xf32, #tpu.memory_space<vmem>> -> memref<128xf32, #tpu.memory_space<vmem>>
          %dma_start3A_115 = arith.constant 0 : i32
          %dma_start3A_116 = tpu.memref_slice %arg26[%scan3A_79, %dma_start3A_115] : memref<32x128xi32, #tpu.memory_space<vmem>> -> memref<1x128xi32, #tpu.memory_space<vmem>>
          %dma_start3A_117 = tpu.memref_squeeze %dma_start3A_116 : memref<1x128xi32, #tpu.memory_space<vmem>> -> memref<128xi32, #tpu.memory_space<vmem>>
          %dma_start3A_118 = arith.constant 0 : i32
          %dma_start3A_119 = tpu.memref_slice %arg22[%dma_start3A_118] : memref<102400xf32, #tpu.memory_space<vmem_shared>> -> memref<102400xf32, #tpu.memory_space<vmem_shared>>
          tpu.enqueue_indirect_dma source(%dma_start3A_119 : memref<102400xf32, #tpu.memory_space<vmem_shared>>) target(%dma_start3A_114 : memref<128xf32, #tpu.memory_space<vmem>>) offsets(%dma_start3A_117 : memref<128xi32, #tpu.memory_space<vmem>>) semaphore(%arg42 : memref<!tpu.dma_semaphore, #tpu.memory_space<semaphore_mem>>)
          %dma_start3A_120 = arith.constant 0 : i32
          %dma_start3A_121 = tpu.memref_slice %arg32[%scan3A_79, %dma_start3A_120] : memref<32x128xf32, #tpu.memory_space<vmem>> -> memref<1x128xf32, #tpu.memory_space<vmem>>
          %dma_start3A_122 = tpu.memref_squeeze %dma_start3A_121 : memref<1x128xf32, #tpu.memory_space<vmem>> -> memref<128xf32, #tpu.memory_space<vmem>>
          %dma_start3A_123 = arith.constant 0 : i32
          %dma_start3A_124 = tpu.memref_slice %arg26[%scan3A_79, %dma_start3A_123] : memref<32x128xi32, #tpu.memory_space<vmem>> -> memref<1x128xi32, #tpu.memory_space<vmem>>
          %dma_start3A_125 = tpu.memref_squeeze %dma_start3A_124 : memref<1x128xi32, #tpu.memory_space<vmem>> -> memref<128xi32, #tpu.memory_space<vmem>>
          %dma_start3A_126 = arith.constant 0 : i32
          %dma_start3A_127 = tpu.memref_slice %arg23[%dma_start3A_126] : memref<102400xf32, #tpu.memory_space<vmem_shared>> -> memref<102400xf32, #tpu.memory_space<vmem_shared>>
          tpu.enqueue_indirect_dma source(%dma_start3A_127 : memref<102400xf32, #tpu.memory_space<vmem_shared>>) target(%dma_start3A_122 : memref<128xf32, #tpu.memory_space<vmem>>) offsets(%dma_start3A_125 : memref<128xi32, #tpu.memory_space<vmem>>) semaphore(%arg42 : memref<!tpu.dma_semaphore, #tpu.memory_space<semaphore_mem>>)
          %dma_wait3A = arith.constant 0 : i32
          %dma_wait3A_128 = tpu.memref_slice %arg27[%scan3A_79, %dma_wait3A] : memref<32x128xf32, #tpu.memory_space<vmem>> -> memref<1x128xf32, #tpu.memory_space<vmem>>
          %dma_wait3A_129 = tpu.memref_squeeze %dma_wait3A_128 : memref<1x128xf32, #tpu.memory_space<vmem>> -> memref<128xf32, #tpu.memory_space<vmem>>
          %dma_wait3A_130 = arith.constant 0 : i32
          %dma_wait3A_131 = tpu.memref_slice %arg25[%scan3A_79, %dma_wait3A_130] : memref<32x128xi32, #tpu.memory_space<vmem>> -> memref<1x128xi32, #tpu.memory_space<vmem>>
          %dma_wait3A_132 = tpu.memref_squeeze %dma_wait3A_131 : memref<1x128xi32, #tpu.memory_space<vmem>> -> memref<128xi32, #tpu.memory_space<vmem>>
          %dma_wait3A_133 = arith.constant 0 : i32
          %dma_wait3A_134 = tpu.memref_slice %arg21[%dma_wait3A_133] : memref<102400xf32, #tpu.memory_space<vmem_shared>> -> memref<102400xf32, #tpu.memory_space<vmem_shared>>
          tpu.wait_indirect_dma semaphore(%arg42 : memref<!tpu.dma_semaphore, #tpu.memory_space<semaphore_mem>>) src(%dma_wait3A_134 : memref<102400xf32, #tpu.memory_space<vmem_shared>>) dst(%dma_wait3A_129 : memref<128xf32, #tpu.memory_space<vmem>>)
          %dma_wait3A_135 = arith.constant 0 : i32
          %dma_wait3A_136 = tpu.memref_slice %arg28[%scan3A_79, %dma_wait3A_135] : memref<32x128xf32, #tpu.memory_space<vmem>> -> memref<1x128xf32, #tpu.memory_space<vmem>>
          %dma_wait3A_137 = tpu.memref_squeeze %dma_wait3A_136 : memref<1x128xf32, #tpu.memory_space<vmem>> -> memref<128xf32, #tpu.memory_space<vmem>>
          %dma_wait3A_138 = arith.constant 0 : i32
          %dma_wait3A_139 = tpu.memref_slice %arg25[%scan3A_79, %dma_wait3A_138] : memref<32x128xi32, #tpu.memory_space<vmem>> -> memref<1x128xi32, #tpu.memory_space<vmem>>
          %dma_wait3A_140 = tpu.memref_squeeze %dma_wait3A_139 : memref<1x128xi32, #tpu.memory_space<vmem>> -> memref<128xi32, #tpu.memory_space<vmem>>
          %dma_wait3A_141 = arith.constant 0 : i32
          %dma_wait3A_142 = tpu.memref_slice %arg22[%dma_wait3A_141] : memref<102400xf32, #tpu.memory_space<vmem_shared>> -> memref<102400xf32, #tpu.memory_space<vmem_shared>>
          tpu.wait_indirect_dma semaphore(%arg42 : memref<!tpu.dma_semaphore, #tpu.memory_space<semaphore_mem>>) src(%dma_wait3A_142 : memref<102400xf32, #tpu.memory_space<vmem_shared>>) dst(%dma_wait3A_137 : memref<128xf32, #tpu.memory_space<vmem>>)
          %dma_wait3A_143 = arith.constant 0 : i32
          %dma_wait3A_144 = tpu.memref_slice %arg29[%scan3A_79, %dma_wait3A_143] : memref<32x128xf32, #tpu.memory_space<vmem>> -> memref<1x128xf32, #tpu.memory_space<vmem>>
          %dma_wait3A_145 = tpu.memref_squeeze %dma_wait3A_144 : memref<1x128xf32, #tpu.memory_space<vmem>> -> memref<128xf32, #tpu.memory_space<vmem>>
          %dma_wait3A_146 = arith.constant 0 : i32
          %dma_wait3A_147 = tpu.memref_slice %arg25[%scan3A_79, %dma_wait3A_146] : memref<32x128xi32, #tpu.memory_space<vmem>> -> memref<1x128xi32, #tpu.memory_space<vmem>>
          %dma_wait3A_148 = tpu.memref_squeeze %dma_wait3A_147 : memref<1x128xi32, #tpu.memory_space<vmem>> -> memref<128xi32, #tpu.memory_space<vmem>>
          %dma_wait3A_149 = arith.constant 0 : i32
          %dma_wait3A_150 = tpu.memref_slice %arg23[%dma_wait3A_149] : memref<102400xf32, #tpu.memory_space<vmem_shared>> -> memref<102400xf32, #tpu.memory_space<vmem_shared>>
          tpu.wait_indirect_dma semaphore(%arg42 : memref<!tpu.dma_semaphore, #tpu.memory_space<semaphore_mem>>) src(%dma_wait3A_150 : memref<102400xf32, #tpu.memory_space<vmem_shared>>) dst(%dma_wait3A_145 : memref<128xf32, #tpu.memory_space<vmem>>)
          %dma_wait3A_151 = arith.constant 0 : i32
          %dma_wait3A_152 = tpu.memref_slice %arg30[%scan3A_79, %dma_wait3A_151] : memref<32x128xf32, #tpu.memory_space<vmem>> -> memref<1x128xf32, #tpu.memory_space<vmem>>
          %dma_wait3A_153 = tpu.memref_squeeze %dma_wait3A_152 : memref<1x128xf32, #tpu.memory_space<vmem>> -> memref<128xf32, #tpu.memory_space<vmem>>
          %dma_wait3A_154 = arith.constant 0 : i32
          %dma_wait3A_155 = tpu.memref_slice %arg26[%scan3A_79, %dma_wait3A_154] : memref<32x128xi32, #tpu.memory_space<vmem>> -> memref<1x128xi32, #tpu.memory_space<vmem>>
          %dma_wait3A_156 = tpu.memref_squeeze %dma_wait3A_155 : memref<1x128xi32, #tpu.memory_space<vmem>> -> memref<128xi32, #tpu.memory_space<vmem>>
          %dma_wait3A_157 = arith.constant 0 : i32
          %dma_wait3A_158 = tpu.memref_slice %arg21[%dma_wait3A_157] : memref<102400xf32, #tpu.memory_space<vmem_shared>> -> memref<102400xf32, #tpu.memory_space<vmem_shared>>
          tpu.wait_indirect_dma semaphore(%arg42 : memref<!tpu.dma_semaphore, #tpu.memory_space<semaphore_mem>>) src(%dma_wait3A_158 : memref<102400xf32, #tpu.memory_space<vmem_shared>>) dst(%dma_wait3A_153 : memref<128xf32, #tpu.memory_space<vmem>>)
          %dma_wait3A_159 = arith.constant 0 : i32
          %dma_wait3A_160 = tpu.memref_slice %arg31[%scan3A_79, %dma_wait3A_159] : memref<32x128xf32, #tpu.memory_space<vmem>> -> memref<1x128xf32, #tpu.memory_space<vmem>>
          %dma_wait3A_161 = tpu.memref_squeeze %dma_wait3A_160 : memref<1x128xf32, #tpu.memory_space<vmem>> -> memref<128xf32, #tpu.memory_space<vmem>>
          %dma_wait3A_162 = arith.constant 0 : i32
          %dma_wait3A_163 = tpu.memref_slice %arg26[%scan3A_79, %dma_wait3A_162] : memref<32x128xi32, #tpu.memory_space<vmem>> -> memref<1x128xi32, #tpu.memory_space<vmem>>
          %dma_wait3A_164 = tpu.memref_squeeze %dma_wait3A_163 : memref<1x128xi32, #tpu.memory_space<vmem>> -> memref<128xi32, #tpu.memory_space<vmem>>
          %dma_wait3A_165 = arith.constant 0 : i32
          %dma_wait3A_166 = tpu.memref_slice %arg22[%dma_wait3A_165] : memref<102400xf32, #tpu.memory_space<vmem_shared>> -> memref<102400xf32, #tpu.memory_space<vmem_shared>>
          tpu.wait_indirect_dma semaphore(%arg42 : memref<!tpu.dma_semaphore, #tpu.memory_space<semaphore_mem>>) src(%dma_wait3A_166 : memref<102400xf32, #tpu.memory_space<vmem_shared>>) dst(%dma_wait3A_161 : memref<128xf32, #tpu.memory_space<vmem>>)
          %dma_wait3A_167 = arith.constant 0 : i32
          %dma_wait3A_168 = tpu.memref_slice %arg32[%scan3A_79, %dma_wait3A_167] : memref<32x128xf32, #tpu.memory_space<vmem>> -> memref<1x128xf32, #tpu.memory_space<vmem>>
          %dma_wait3A_169 = tpu.memref_squeeze %dma_wait3A_168 : memref<1x128xf32, #tpu.memory_space<vmem>> -> memref<128xf32, #tpu.memory_space<vmem>>
          %dma_wait3A_170 = arith.constant 0 : i32
          %dma_wait3A_171 = tpu.memref_slice %arg26[%scan3A_79, %dma_wait3A_170] : memref<32x128xi32, #tpu.memory_space<vmem>> -> memref<1x128xi32, #tpu.memory_space<vmem>>
          %dma_wait3A_172 = tpu.memref_squeeze %dma_wait3A_171 : memref<1x128xi32, #tpu.memory_space<vmem>> -> memref<128xi32, #tpu.memory_space<vmem>>
          %dma_wait3A_173 = arith.constant 0 : i32
          %dma_wait3A_174 = tpu.memref_slice %arg23[%dma_wait3A_173] : memref<102400xf32, #tpu.memory_space<vmem_shared>> -> memref<102400xf32, #tpu.memory_space<vmem_shared>>
          tpu.wait_indirect_dma semaphore(%arg42 : memref<!tpu.dma_semaphore, #tpu.memory_space<semaphore_mem>>) src(%dma_wait3A_174 : memref<102400xf32, #tpu.memory_space<vmem_shared>>) dst(%dma_wait3A_169 : memref<128xf32, #tpu.memory_space<vmem>>)
          %scan3A_175 = arith.constant 0 : i32
          scf.yield %scan3A_175 : i32
        }
        %scan3A_63 = arith.constant 32 : i32
        %scan3A_64 = arith.constant 0 : i32
        %scan3A_65 = arith.constant 0 : i32
        %scan3A_66 = arith.constant 32 : i32
        %scan3A_67 = arith.addi %scan3A_65, %scan3A_66 : i32
        %scan3A_68 = arith.constant 1 : i32
        %scan3A_69 = scf.for %scan3A_79 = %scan3A_65 to %scan3A_67 step %scan3A_68 iter_args(%scan3A_80 = %scan3A_64) -> (i32)  : i32 {
          %scan3A_81 = arith.constant 0 : i32
          %scan3A_82 = arith.constant 0 : i32
          %scan3A_83 = arith.constant 8 : i32
          %scan3A_84 = arith.addi %scan3A_82, %scan3A_83 : i32
          %scan3A_85 = arith.constant 1 : i32
          %scan3A_86 = scf.for %scan3A_89 = %scan3A_82 to %scan3A_84 step %scan3A_85 iter_args(%scan3A_90 = %scan3A_81) -> (i32)  : i32 {
            %mul3A_91 = arith.constant 16 : i32
            %mul3A_92 = arith.muli %scan3A_89, %mul3A_91 : i32
            %multiple_of3A_93 = tpu.assume_multiple %mul3A_92, 16 : i32
            %get3A = arith.index_cast %scan3A_79 : i32 to index
            %get3A_94 = arith.index_cast %multiple_of3A_93 : i32 to index
            %get3A_95 = tpu.vector_load %arg37[%get3A, %get3A_94] {strides = array<i32>} : memref<32x128xf32, #tpu.memory_space<vmem>>, vector<1x16xf32>,
            %get3A_96 = vector.shape_cast %get3A_95 : vector<1x16xf32> to vector<16xf32>
            %get3A_97 = arith.index_cast %scan3A_79 : i32 to index
            %get3A_98 = arith.index_cast %multiple_of3A_93 : i32 to index
            %get3A_99 = tpu.vector_load %arg38[%get3A_97, %get3A_98] {strides = array<i32>} : memref<32x128xf32, #tpu.memory_space<vmem>>, vector<1x16xf32>,
            %get3A_100 = vector.shape_cast %get3A_99 : vector<1x16xf32> to vector<16xf32>
            %get3A_101 = arith.index_cast %scan3A_79 : i32 to index
            %get3A_102 = arith.index_cast %multiple_of3A_93 : i32 to index
            %get3A_103 = tpu.vector_load %arg27[%get3A_101, %get3A_102] {strides = array<i32>} : memref<32x128xf32, #tpu.memory_space<vmem>>, vector<1x16xf32>,
            %get3A_104 = vector.shape_cast %get3A_103 : vector<1x16xf32> to vector<16xf32>
            %add3A_105 = arith.addf %get3A_104, %get3A_96 : vector<16xf32>
            %convert_element_type3A = arith.truncf %add3A_105 : vector<16xf32> to vector<16xbf16>
            %convert_element_type3A_106 = arith.extf %convert_element_type3A : vector<16xbf16> to vector<16xf32>
            %get3A_107 = arith.constant 192 : index
            %get3A_108 = tpu.vector_load %arg41[%get3A_107] {strides = array<i32>} : memref<480xf32, #tpu.memory_space<vmem>>, vector<16xf32>,
            %get3A_109 = vector.shape_cast %get3A_108 : vector<16xf32> to vector<16xf32>
            %mul3A_110 = arith.mulf %convert_element_type3A_106, %get3A_109 : vector<16xf32>
            %get3A_111 = arith.index_cast %scan3A_79 : i32 to index
            %get3A_112 = arith.index_cast %multiple_of3A_93 : i32 to index
            %get3A_113 = tpu.vector_load %arg28[%get3A_111, %get3A_112] {strides = array<i32>} : memref<32x128xf32, #tpu.memory_space<vmem>>, vector<1x16xf32>,
            %get3A_114 = vector.shape_cast %get3A_113 : vector<1x16xf32> to vector<16xf32>
            %add3A_115 = arith.addf %get3A_114, %get3A_96 : vector<16xf32>
            %convert_element_type3A_116 = arith.truncf %add3A_115 : vector<16xf32> to vector<16xbf16>
            %convert_element_type3A_117 = arith.extf %convert_element_type3A_116 : vector<16xbf16> to vector<16xf32>
            %get3A_118 = arith.constant 208 : index
            %get3A_119 = tpu.vector_load %arg41[%get3A_118] {strides = array<i32>} : memref<480xf32, #tpu.memory_space<vmem>>, vector<16xf32>,
            %get3A_120 = vector.shape_cast %get3A_119 : vector<16xf32> to vector<16xf32>
            %mul3A_121 = arith.mulf %convert_element_type3A_117, %get3A_120 : vector<16xf32>
            %add3A_122 = arith.addf %mul3A_110, %mul3A_121 : vector<16xf32>
            %get3A_123 = arith.index_cast %scan3A_79 : i32 to index
            %get3A_124 = arith.index_cast %multiple_of3A_93 : i32 to index
            %get3A_125 = tpu.vector_load %arg29[%get3A_123, %get3A_124] {strides = array<i32>} : memref<32x128xf32, #tpu.memory_space<vmem>>, vector<1x16xf32>,
            %get3A_126 = vector.shape_cast %get3A_125 : vector<1x16xf32> to vector<16xf32>
            %add3A_127 = arith.addf %get3A_126, %get3A_96 : vector<16xf32>
            %convert_element_type3A_128 = arith.truncf %add3A_127 : vector<16xf32> to vector<16xbf16>
            %convert_element_type3A_129 = arith.extf %convert_element_type3A_128 : vector<16xbf16> to vector<16xf32>
            %get3A_130 = arith.constant 224 : index
            %get3A_131 = tpu.vector_load %arg41[%get3A_130] {strides = array<i32>} : memref<480xf32, #tpu.memory_space<vmem>>, vector<16xf32>,
            %get3A_132 = vector.shape_cast %get3A_131 : vector<16xf32> to vector<16xf32>
            %mul3A_133 = arith.mulf %convert_element_type3A_129, %get3A_132 : vector<16xf32>
            %add3A_134 = arith.addf %add3A_122, %mul3A_133 : vector<16xf32>
            %get3A_135 = arith.index_cast %scan3A_79 : i32 to index
            %get3A_136 = arith.index_cast %multiple_of3A_93 : i32 to index
            %get3A_137 = tpu.vector_load %arg30[%get3A_135, %get3A_136] {strides = array<i32>} : memref<32x128xf32, #tpu.memory_space<vmem>>, vector<1x16xf32>,
            %get3A_138 = vector.shape_cast %get3A_137 : vector<1x16xf32> to vector<16xf32>
            %add3A_139 = arith.addf %get3A_138, %get3A_100 : vector<16xf32>
            %convert_element_type3A_140 = arith.truncf %add3A_139 : vector<16xf32> to vector<16xbf16>
            %convert_element_type3A_141 = arith.extf %convert_element_type3A_140 : vector<16xbf16> to vector<16xf32>
            %get3A_142 = arith.constant 240 : index
            %get3A_143 = tpu.vector_load %arg41[%get3A_142] {strides = array<i32>} : memref<480xf32, #tpu.memory_space<vmem>>, vector<16xf32>,
            %get3A_144 = vector.shape_cast %get3A_143 : vector<16xf32> to vector<16xf32>
            %mul3A_145 = arith.mulf %convert_element_type3A_141, %get3A_144 : vector<16xf32>
            %add3A_146 = arith.addf %add3A_134, %mul3A_145 : vector<16xf32>
            %get3A_147 = arith.index_cast %scan3A_79 : i32 to index
            %get3A_148 = arith.index_cast %multiple_of3A_93 : i32 to index
            %get3A_149 = tpu.vector_load %arg31[%get3A_147, %get3A_148] {strides = array<i32>} : memref<32x128xf32, #tpu.memory_space<vmem>>, vector<1x16xf32>,
            %get3A_150 = vector.shape_cast %get3A_149 : vector<1x16xf32> to vector<16xf32>
            %add3A_151 = arith.addf %get3A_150, %get3A_100 : vector<16xf32>
            %convert_element_type3A_152 = arith.truncf %add3A_151 : vector<16xf32> to vector<16xbf16>
            %convert_element_type3A_153 = arith.extf %convert_element_type3A_152 : vector<16xbf16> to vector<16xf32>
            %get3A_154 = arith.constant 256 : index
            %get3A_155 = tpu.vector_load %arg41[%get3A_154] {strides = array<i32>} : memref<480xf32, #tpu.memory_space<vmem>>, vector<16xf32>,
            %get3A_156 = vector.shape_cast %get3A_155 : vector<16xf32> to vector<16xf32>
            %mul3A_157 = arith.mulf %convert_element_type3A_153, %get3A_156 : vector<16xf32>
            %add3A_158 = arith.addf %add3A_146, %mul3A_157 : vector<16xf32>
            %get3A_159 = arith.index_cast %scan3A_79 : i32 to index
            %get3A_160 = arith.index_cast %multiple_of3A_93 : i32 to index
            %get3A_161 = tpu.vector_load %arg32[%get3A_159, %get3A_160] {strides = array<i32>} : memref<32x128xf32, #tpu.memory_space<vmem>>, vector<1x16xf32>,
            %get3A_162 = vector.shape_cast %get3A_161 : vector<1x16xf32> to vector<16xf32>
            %add3A_163 = arith.addf %get3A_162, %get3A_100 : vector<16xf32>
            %convert_element_type3A_164 = arith.truncf %add3A_163 : vector<16xf32> to vector<16xbf16>
            %convert_element_type3A_165 = arith.extf %convert_element_type3A_164 : vector<16xbf16> to vector<16xf32>
            %get3A_166 = arith.constant 272 : index
            %get3A_167 = tpu.vector_load %arg41[%get3A_166] {strides = array<i32>} : memref<480xf32, #tpu.memory_space<vmem>>, vector<16xf32>,
            %get3A_168 = vector.shape_cast %get3A_167 : vector<16xf32> to vector<16xf32>
            %mul3A_169 = arith.mulf %convert_element_type3A_165, %get3A_168 : vector<16xf32>
            %add3A_170 = arith.addf %add3A_158, %mul3A_169 : vector<16xf32>
            %get3A_171 = arith.index_cast %scan3A_79 : i32 to index
            %get3A_172 = arith.index_cast %multiple_of3A_93 : i32 to index
            %get3A_173 = tpu.vector_load %arg33[%get3A_171, %get3A_172] {strides = array<i32>} : memref<32x128xf32, #tpu.memory_space<vmem>>, vector<1x16xf32>,
            %get3A_174 = vector.shape_cast %get3A_173 : vector<1x16xf32> to vector<16xf32>
            %add3A_175 = arith.addf %add3A_170, %get3A_174 : vector<16xf32>
            %broadcast_in_dim3A = arith.constant 0.000000e+00 : f32
            %broadcast_in_dim3A_176 = vector.broadcast %broadcast_in_dim3A : f32 to vector<16xf32>
            %max3A = arith.maximumf %add3A_175, %broadcast_in_dim3A_176 : vector<16xf32>
            %swap3A = arith.index_cast %scan3A_79 : i32 to index
            %swap3A_177 = arith.index_cast %multiple_of3A_93 : i32 to index
            %swap3A_178 = tpu.vector_load %arg34[%swap3A, %swap3A_177] {strides = array<i32>} : memref<32x128xf32, #tpu.memory_space<vmem>>, vector<1x16xf32>,
            %swap3A_179 = vector.shape_cast %swap3A_178 : vector<1x16xf32> to vector<16xf32>
            %swap3A_180 = vector.shape_cast %max3A : vector<16xf32> to vector<1x16xf32>
            tpu.vector_store %arg34[%swap3A, %swap3A_177], %swap3A_180 {strides = array<i32>} : memref<32x128xf32, #tpu.memory_space<vmem>>, vector<1x16xf32>,
            %scan3A_181 = arith.constant 0 : i32
            scf.yield %scan3A_181 : i32
          }
          %scan3A_87 = arith.constant 8 : i32
          %scan3A_88 = arith.constant 0 : i32
          scf.yield %scan3A_88 : i32
        }
        %scan3A_70 = arith.constant 32 : i32
        %scan3A_71 = arith.constant 0 : i32
        %scan3A_72 = arith.constant 0 : i32
        %scan3A_73 = arith.constant 32 : i32
        %scan3A_74 = arith.addi %scan3A_72, %scan3A_73 : i32
        %scan3A_75 = arith.constant 1 : i32
        %scan3A_76 = scf.for %scan3A_79 = %scan3A_72 to %scan3A_74 step %scan3A_75 iter_args(%scan3A_80 = %scan3A_71) -> (i32)  : i32 {
          %dma_start3A = arith.constant 0 : i32
          %dma_start3A_81 = tpu.memref_slice %arg34[%scan3A_79, %dma_start3A] : memref<32x128xf32, #tpu.memory_space<vmem>> -> memref<1x128xf32, #tpu.memory_space<vmem>>
          %dma_start3A_82 = tpu.memref_squeeze %dma_start3A_81 : memref<1x128xf32, #tpu.memory_space<vmem>> -> memref<128xf32, #tpu.memory_space<vmem>>
          %dma_start3A_83 = arith.constant 0 : i32
          %dma_start3A_84 = tpu.memref_slice %arg26[%scan3A_79, %dma_start3A_83] : memref<32x128xi32, #tpu.memory_space<vmem>> -> memref<1x128xi32, #tpu.memory_space<vmem>>
          %dma_start3A_85 = tpu.memref_squeeze %dma_start3A_84 : memref<1x128xi32, #tpu.memory_space<vmem>> -> memref<128xi32, #tpu.memory_space<vmem>>
          %dma_start3A_86 = arith.constant 0 : i32
          %dma_start3A_87 = tpu.memref_slice %arg24[%dma_start3A_86] : memref<102400xf32, #tpu.memory_space<vmem_shared>> -> memref<102400xf32, #tpu.memory_space<vmem_shared>>
          tpu.enqueue_indirect_dma source(%dma_start3A_82 : memref<128xf32, #tpu.memory_space<vmem>>) target(%dma_start3A_87 : memref<102400xf32, #tpu.memory_space<vmem_shared>>) offsets(%dma_start3A_85 : memref<128xi32, #tpu.memory_space<vmem>>) semaphore(%arg42 : memref<!tpu.dma_semaphore, #tpu.memory_space<semaphore_mem>>) {add = true}
          %dma_wait3A = arith.constant 0 : i32
          %dma_wait3A_88 = tpu.memref_slice %arg34[%scan3A_79, %dma_wait3A] : memref<32x128xf32, #tpu.memory_space<vmem>> -> memref<1x128xf32, #tpu.memory_space<vmem>>
          %dma_wait3A_89 = tpu.memref_squeeze %dma_wait3A_88 : memref<1x128xf32, #tpu.memory_space<vmem>> -> memref<128xf32, #tpu.memory_space<vmem>>
          %dma_wait3A_90 = arith.constant 0 : i32
          %dma_wait3A_91 = tpu.memref_slice %arg26[%scan3A_79, %dma_wait3A_90] : memref<32x128xi32, #tpu.memory_space<vmem>> -> memref<1x128xi32, #tpu.memory_space<vmem>>
          %dma_wait3A_92 = tpu.memref_squeeze %dma_wait3A_91 : memref<1x128xi32, #tpu.memory_space<vmem>> -> memref<128xi32, #tpu.memory_space<vmem>>
          %dma_wait3A_93 = arith.constant 0 : i32
          %dma_wait3A_94 = tpu.memref_slice %arg24[%dma_wait3A_93] : memref<102400xf32, #tpu.memory_space<vmem_shared>> -> memref<102400xf32, #tpu.memory_space<vmem_shared>>
          tpu.wait_indirect_dma semaphore(%arg42 : memref<!tpu.dma_semaphore, #tpu.memory_space<semaphore_mem>>) src(%dma_wait3A_89 : memref<128xf32, #tpu.memory_space<vmem>>) dst(%dma_wait3A_94 : memref<102400xf32, #tpu.memory_space<vmem_shared>>)
          %scan3A_95 = arith.constant 0 : i32
          scf.yield %scan3A_95 : i32
        }
        %scan3A_77 = arith.constant 32 : i32
        %scan3A_78 = arith.constant 0 : i32
        scf.yield %scan3A_78 : i32
      }
      %scan3A_45 = arith.constant 25 : i32
      %barrier3A_46 = arith.constant 0 : index
      tpu.barrier barrier_id(%barrier3A_46)
      "tpu.region"() ({
        %run_scoped3A = tpu.sem_alloc : memref<!tpu.dma_semaphore, #tpu.memory_space<semaphore_mem>>
        %dma_start3A = tpu.memref_slice %arg24[%multiple_of3A] : memref<102400xf32, #tpu.memory_space<vmem_shared>> -> memref<6400xf32, #tpu.memory_space<vmem_shared>>
        %dma_start3A_52 = tpu.memref_slice %arg24[%multiple_of3A] : memref<102400xf32, #tpu.memory_space<vmem_shared>> -> memref<6400xf32, #tpu.memory_space<vmem_shared>>
        tpu.enqueue_dma source(%dma_start3A_52 : memref<6400xf32, #tpu.memory_space<vmem_shared>>) target(%arg39 : memref<6400xf32, #tpu.memory_space<vmem>>) target_semaphore(%run_scoped3A : memref<!tpu.dma_semaphore, #tpu.memory_space<semaphore_mem>>)
        %dma_wait3A = tpu.memref_slice %arg24[%multiple_of3A] : memref<102400xf32, #tpu.memory_space<vmem_shared>> -> memref<6400xf32, #tpu.memory_space<vmem_shared>>
        %dma_wait3A_53 = tpu.memref_slice %arg24[%multiple_of3A] : memref<102400xf32, #tpu.memory_space<vmem_shared>> -> memref<6400xf32, #tpu.memory_space<vmem_shared>>
        tpu.wait_dma2 semaphore(%run_scoped3A : memref<!tpu.dma_semaphore, #tpu.memory_space<semaphore_mem>>) src(%dma_wait3A_53 : memref<6400xf32, #tpu.memory_space<vmem_shared>>) dst(%arg39 : memref<6400xf32, #tpu.memory_space<vmem>>)
        tpu.yield
      }) : () -> ()
      %mul3A_47 = arith.constant 102400 : i32
      %mul3A_48 = arith.muli %scan3A_23, %mul3A_47 : i32
      %multiple_of3A_49 = tpu.assume_multiple %mul3A_48, 102400 : i32
      %add3A_50 = arith.addi %multiple_of3A_49, %multiple_of3A : i32
      "tpu.region"() ({
        %run_scoped3A = tpu.sem_alloc : memref<!tpu.dma_semaphore, #tpu.memory_space<semaphore_mem>>
        %dma_start3A = tpu.memref_slice %arg11[%add3A_50] : memref<819200xf32, #tpu.memory_space<hbm>> -> memref<6400xf32, #tpu.memory_space<hbm>>
        %dma_start3A_52 = tpu.memref_slice %arg11[%add3A_50] : memref<819200xf32, #tpu.memory_space<hbm>> -> memref<6400xf32, #tpu.memory_space<hbm>>
        tpu.enqueue_dma source(%arg39 : memref<6400xf32, #tpu.memory_space<vmem>>) target(%dma_start3A_52 : memref<6400xf32, #tpu.memory_space<hbm>>) target_semaphore(%run_scoped3A : memref<!tpu.dma_semaphore, #tpu.memory_space<semaphore_mem>>)
        %dma_wait3A = tpu.memref_slice %arg11[%add3A_50] : memref<819200xf32, #tpu.memory_space<hbm>> -> memref<6400xf32, #tpu.memory_space<hbm>>
        %dma_wait3A_53 = tpu.memref_slice %arg11[%add3A_50] : memref<819200xf32, #tpu.memory_space<hbm>> -> memref<6400xf32, #tpu.memory_space<hbm>>
        tpu.wait_dma2 semaphore(%run_scoped3A : memref<!tpu.dma_semaphore, #tpu.memory_space<semaphore_mem>>) src(%arg39 : memref<6400xf32, #tpu.memory_space<vmem>>) dst(%dma_wait3A_53 : memref<6400xf32, #tpu.memory_space<hbm>>)
        tpu.yield
      }) : () -> ()
      "tpu.region"() ({
        %run_scoped3A = tpu.sem_alloc : memref<!tpu.dma_semaphore, #tpu.memory_space<semaphore_mem>>
        %dma_start3A = tpu.memref_slice %arg19[%multiple_of3A] : memref<102400xf32, #tpu.memory_space<vmem_shared>> -> memref<6400xf32, #tpu.memory_space<vmem_shared>>
        %dma_start3A_52 = tpu.memref_slice %arg19[%multiple_of3A] : memref<102400xf32, #tpu.memory_space<vmem_shared>> -> memref<6400xf32, #tpu.memory_space<vmem_shared>>
        tpu.enqueue_dma source(%arg39 : memref<6400xf32, #tpu.memory_space<vmem>>) target(%dma_start3A_52 : memref<6400xf32, #tpu.memory_space<vmem_shared>>) target_semaphore(%run_scoped3A : memref<!tpu.dma_semaphore, #tpu.memory_space<semaphore_mem>>)
        %dma_wait3A = tpu.memref_slice %arg19[%multiple_of3A] : memref<102400xf32, #tpu.memory_space<vmem_shared>> -> memref<6400xf32, #tpu.memory_space<vmem_shared>>
        %dma_wait3A_53 = tpu.memref_slice %arg19[%multiple_of3A] : memref<102400xf32, #tpu.memory_space<vmem_shared>> -> memref<6400xf32, #tpu.memory_space<vmem_shared>>
        tpu.wait_dma2 semaphore(%run_scoped3A : memref<!tpu.dma_semaphore, #tpu.memory_space<semaphore_mem>>) src(%arg39 : memref<6400xf32, #tpu.memory_space<vmem>>) dst(%dma_wait3A_53 : memref<6400xf32, #tpu.memory_space<vmem_shared>>)
        tpu.yield
      }) : () -> ()
      %scan3A_51 = arith.constant 0 : i32
      scf.yield %scan3A_51 : i32
    }
    %scan3A_22 = arith.constant 8 : i32
    return
  }
}

</mosaic_0001>

<sc_bundles>
// kernel: kernel.3.cloned.1.call-start
scs
__scs_entry_jumppad:
0x0: {  	(pc) =	sbr.rel $0x88, $3  }
0x1: {  	(tag) =	ssettag $0x0;
	lr =	simm.s32 $0x1  }
0x2: {  	[smem:$0x3F96] =	sst lr;
	_ =	strace $0xD0000000  }
0x3: {  	_ = 	snop  }
0x4: {  	_ = 	snop  }
0x5: {  	_ = 	snop  }
0x6: {  	_ = 	snop  }
0x7: {  	_ = 	snop  }
__scs_overlays_trampoline_lowered:
0x8: {  	[smem:$0x3FA5] =	sst s0  }
0x9: {  	[smem:$0x3FA6] =	sst s1  }
0xa: {  	[smem:$0x3FA7] =	sst s2  }
0xb: {  	[smem:$0x3FA8] =	sst s3  }
0xc: {  	[smem:$0x3FA9] =	sst s4  }
0xd: {  	[smem:$0x3FAA] =	sst s5  }
0xe: {  	[smem:$0x3FAB] =	sst s6  }
0xf: {  	[smem:$0x3FAC] =	sst s7  }
0x10: {  	[smem:$0x3FAD] =	sst s8  }
0x11: {  	[smem:$0x3FAE] =	sst s9;
	s0 =	simm.s32 @!p0 $0x0  }
0x12: {  	s1 =	sld [smem:$0x3F94];
	s0 =	simm.s32 @p0 $0x1  }
0x13: {  	[smem:$0x3FAF] =	sst s0;
	s0 =	simm.s32 @!p1 $0x0  }
0x14: {  	s2 =	sld [smem:$0x3F93];
	s0 =	simm.s32 @p1 $0x1  }
0x15: {  	[smem:$0x3FB0] =	sst s0;
	s0 =	simm.s32 @!p2 $0x0  }
0x16: {  	s3 =	sld [smem:$0x3FDB];
	s0 =	simm.s32 @p2 $0x1  }
0x17: {  	s4 =	simm.s32 $0x1BF5;
	[smem:$0x3FB2] =	sst s0  }
0x18: {  	s0 =	sld [smem:$0x3F95];
	_ =	swait.ge [sflag:s4], $0x0  }
0x19: {  	s7 =	sld [smem:$0x3F96]  }
0x1a: {  	s8 =	sadd.s32 $0xFFFFE003, lr  }
0x1b: {  	s9 =	sadd.s32 $0xFFFFFEF7, lr;
	s5 =	simm.s32 $0xFFFFFFFF;
	p2 =	slt.u32 s8, $0xFFFFF086  }
0x1c: {  	p1 =	slt.u32 s9, $0xF7A;
	s5 =	simm.s32 @!p2 $0x0  }
0x1d: {  	s5 =	simm.s32 @p1 $0x1;
	p0 =	seq.s32 s7, s2  }
0x1e: {  	s7 =	smul.u32 @!p0 $0xF7A, s2;
	p2 =	seq.s32 @!p0 s5, $0x0  }
0x1f: {  	s9 =	smul.u32 $0xF7A, s1;
	s8 =	simm.s32 @!p0 $0x1BF5;
	p2 =	por !p2, p0  }
0x20: {  	[sflag:s8] =	ssyncset.s32 @!p0 $0xFFFFF086;
	s6 =	sadd.s32 @!p0 s3, s7;
	s7 =	simm.s32 @!p0 $0x108  }
0x21: {  	s3 =	sadd.s32 s3, s9;
	s6 =	sadd.s32 @!p0 $0x88, s6;
	s7 =	simm.s32 @p2 $0x1082  }
0x22: {  	[simem:s7], [sflag:s8] =	dma.local @!p0 [hbm:s6], $0xF7A  }
0x23: {  	s9 =	sor.u32 $0xD0000000, s2;
	s6 =	simm.s32 $0x108;
	_ =	swait.ge @!p0 [sflag:s8], $0x0  }
0x24: {  	s3 =	sadd.s32 $0x88, s3;
	s6 =	simm.s32 @!p1 $0x1082;
	[sflag:s4] =	ssyncset.s32 $0xFFFFF086  }
0x25: {  	[simem:s6], [sflag:s4] =	dma.local [hbm:s3], $0xF7A  }
0x26: {  	[smem:$0x3F96] =	sst s1;
	(tag) =	ssettag s2;
	_ =	strace s9  }
0x27: {  	s1 =	sld [smem:$0x3FA6]  }
0x28: {  	s2 =	sld [smem:$0x3FA7]  }
0x29: {  	s4 =	sld [smem:$0x3FA9]  }
0x2a: {  	p0 =	seq.s32 s5, $0x0;
	s5 =	sld [smem:$0x3FAA]  }
0x2b: {  	s6 =	sld [smem:$0x3FAB]  }
0x2c: {  	s7 =	sld [smem:$0x3FAC]  }
0x2d: {  	s3 =	simm.s32 $0x108;
	s8 =	sld [smem:$0x3FAD]  }
0x2e: {  	s3 =	simm.s32 @!p0 $0x1082;
	s9 =	sld [smem:$0x3FAE]  }
0x2f: {  	lr =	sadd.s32 s0, s3;
	s0 =	sld [smem:$0x3FA5]  }
0x30: {  	s3 =	sld [smem:$0x3FA8]  }
0x31: {  	[smem:$0x3FB1] =	sst s10  }
0x32: {  	s10 =	sld [smem:$0x3FAF];
	_ =	sdelay $0x3  }
0x33: {  	p0 =	seq.s32 s10, $0x1;
	s10 =	sld [smem:$0x3FB1];
	_ =	sdelay $0x3  }
0x34: {  	[smem:$0x3FB1] =	sst s10  }
0x35: {  	s10 =	sld [smem:$0x3FB0];
	_ =	sdelay $0x3  }
0x36: {  	p1 =	seq.s32 s10, $0x1;
	s10 =	sld [smem:$0x3FB1];
	_ =	sdelay $0x3  }
0x37: {  	[smem:$0x3FB1] =	sst s10  }
0x38: {  	s10 =	sld [smem:$0x3FB2]  }
0x39: {  	_ = 	snop;
	(pc) =	sbr.ind lr, $3  }
0x3a: {  	_ = 	snop  }
0x3b: {  	_ = 	snop  }
0x3c: {  	p2 =	seq.s32 s10, $0x1;
	s10 =	sld [smem:$0x3FB1]  }
0x3d: {  	_ =	shalt  }
0x3e: {  	_ =	shalt  }
0x3f: {  	_ =	shalt  }
0x40: {  	_ =	shalt  }
0x41: {  	_ =	shalt  }
0x42: {  	_ =	shalt  }
0x43: {  	_ =	shalt  }
0x44: {  	_ =	shalt  }
0x45: {  	_ =	shalt  }
0x46: {  	_ =	shalt  }
0x47: {  	_ =	shalt  }
0x48: {  	_ =	shalt  }
0x49: {  	_ =	shalt  }
0x4a: {  	_ =	shalt  }
0x4b: {  	_ =	shalt  }
0x4c: {  	_ =	shalt  }
0x4d: {  	_ =	shalt  }
0x4e: {  	_ =	shalt  }
0x4f: {  	_ =	shalt  }
0x50: {  	_ =	shalt  }
0x51: {  	_ =	shalt  }
0x52: {  	_ =	shalt  }
0x53: {  	_ =	shalt  }
0x54: {  	_ =	shalt  }
0x55: {  	_ =	shalt  }
0x56: {  	_ =	shalt  }
0x57: {  	_ =	shalt  }
0x58: {  	_ =	shalt  }
0x59: {  	_ =	shalt  }
0x5a: {  	_ =	shalt  }
0x5b: {  	_ =	shalt  }
0x5c: {  	_ =	shalt  }
0x5d: {  	_ =	shalt  }
0x5e: {  	_ =	shalt  }
0x5f: {  	_ =	shalt  }
0x60: {  	_ =	shalt  }
0x61: {  	_ =	shalt  }
0x62: {  	_ =	shalt  }
0x63: {  	_ =	shalt  }
0x64: {  	_ =	shalt  }
0x65: {  	_ =	shalt  }
0x66: {  	_ =	shalt  }
0x67: {  	_ =	shalt  }
0x68: {  	_ =	shalt  }
0x69: {  	_ =	shalt  }
0x6a: {  	_ =	shalt  }
0x6b: {  	_ =	shalt  }
0x6c: {  	_ =	shalt  }
0x6d: {  	_ =	shalt  }
0x6e: {  	_ =	shalt  }
0x6f: {  	_ =	shalt  }
0x70: {  	_ =	shalt  }
0x71: {  	_ =	shalt  }
0x72: {  	_ =	shalt  }
0x73: {  	_ =	shalt  }
0x74: {  	_ =	shalt  }
0x75: {  	_ =	shalt  }
0x76: {  	_ =	shalt  }
0x77: {  	_ =	shalt  }
0x78: {  	_ =	shalt  }
0x79: {  	_ =	shalt  }
0x7a: {  	_ =	shalt  }
0x7b: {  	_ =	shalt  }
0x7c: {  	_ =	shalt  }
0x7d: {  	_ =	shalt  }
0x7e: {  	_ =	shalt  }
0x7f: {  	_ =	shalt  }
0x80: {  	_ =	shalt  }
0x81: {  	_ =	shalt  }
0x82: {  	_ =	shalt  }
0x83: {  	_ =	shalt  }
0x84: {  	_ =	shalt  }
0x85: {  	_ =	shalt  }
0x86: {  	_ =	shalt  }
0x87: {  	_ =	shalt  }
.Lfunc_end0:
.L_simem_size_0:
called_computation_lowered:
.L_overlay_start_0:
0x88: {  	s0 =	sld [smem:$0x3FD9]  }
0x89: {  	s1 =	sld [smem:$0x3FFE];
	_ =	sdelay $0x3  }
0x8a: {  	s0 =	sadd.s32 s1, s0  }
0x8b: {  	[smem:$0x3FBD] =	sst s0  }
0x8c: {  	_ = 	snop  }
0x8d: {  	s0 =	sld [smem:$0x3FD0];
	(tm) =	ssettm $0x1  }
0x8e: {  	s16 =	sld [smem:$0x3FFB];
	_ =	sdelay $0x3  }
0x8f: {  	_ =	strace s16  }
0x90: {  	s1 =	sld [smem:$0x3FFC];
	_ =	sdelay $0x3  }
0x91: {  	_ =	strace s1  }
0x92: {  	s1 =	sld [smem:$0x3FFD];
	_ =	sdelay $0x3  }
0x93: {  	_ =	strace s1  }
0x94: {  	_ =	strace $0x8FFFFFFF  }
0x95: {  	s17 =	sld [smem:$0x3FDB];
	_ =	sdelay $0x1  }
0x96: {  	s2 =	simm.s32 $_scs_section_size  }
0x97: {  	s3 =	simm.s32 $_size__tile_overlayer_lowered;
	s4 =	simm.s32 $_tile_overlayer_lowered  }
0x98: {  	s20 =	simm.s32 $0x1BFF;
	s19 =	sshll.u32 s4, $0x1;
	s1 =	sadd.s32 s2, s17  }
0x99: {  	s5 =	simm.s32 $0x0;
	s18 =	sshll.u32 s3, $0x1;
	s3 =	sadd.s32 s19, s1  }
0x9a: {  	[timem:s5], [sflag:s20] =	dma.local [hbm:s3], s18  }
0x9b: {  	_ =	swait.ge [sflag:s20], s18  }
0x9c: {  	s2 =	ssub.s32 $0x0, s18;
	[sflag:s20] =	ssyncset.done $0x0  }
0x9d: {  	[sflag:s20] =	ssyncadd.s32 s2;
	_ =	sdelay $0x1  }
0x9e: {  	s21 =	simm.s32 $0x1B8B  }
0x9f: {  	_ =	swait.ge [sflag:s21], $0x1  }
0xa0: {  	[sflag:s21] =	ssyncset.done $0x0  }
0xa1: {  	s23 =	simm.s32 $0x1B8E;
	s22 =	sld [smem:$0x3FFE];
	[sflag:s21] =	ssyncadd.s32 $0xFFFFFFFF  }
0xa2: {  	s24 =	simm.s32 $execute0_lowered;
	[smem:$0x3FD2] =	sst s23  }
0xa3: {  	s3 =	sshll.u32 s24, $0x1;
	_ =	strace $0x80000046;
	[dreg:$0x1] =	wrdreg $0xFFFFFFFF  }
0xa4: {  	s25 =	simm.s32 $_size_execute0_lowered;
	s1 =	sadd.s32 s1, s3;
	[dreg:$0x0] =	wrdreg $0x0  }
0xa5: {  	s3 =	sshll.u32 s25, $0x1;
	[dreg:$0x2] =	wrdreg s1  }
0xa6: {  	[dreg:$0x3] =	wrdreg s3  }
0xa7: {  	[dreg:$0x4] =	wrdreg $0xC0  }
0xa8: {  	_ =	task [dreg:s5], $0x5FFFF  }
0xa9: {  	[dreg:$0x1] =	wrdreg $0xFFFFFFFF  }
0xaa: {  	[dreg:$0x0] =	wrdreg $0x60  }
0xab: {  	[dreg:$0x2] =	wrdreg s22  }
0xac: {  	[dreg:$0x3] =	wrdreg s0  }
0xad: {  	[dreg:$0x4] =	wrdreg $0x0  }
0xae: {  	[dreg:$0x5] =	wrdreg $0x19000  }
0xaf: {  	[dreg:$0x6] =	wrdreg $0x32000  }
0xb0: {  	[dreg:$0x7] =	wrdreg $0x4B000  }
0xb1: {  	[dreg:$0x8] =	wrdreg $0x64000  }
0xb2: {  	[dreg:$0x9] =	wrdreg $0x7D000  }
0xb3: {  	[dreg:$0xa] =	wrdreg $0x96000  }
0xb4: {  	[dreg:$0xb] =	wrdreg $0x9  }
0xb5: {  	_ =	task.clear_ibuf [dreg:s5], $0xCFFFF;
	_ =	strace $0x90000046  }
0xb6: {  	s26 =	simm.s32 $0x9;
	_ =	strace $0x80000048  }
0xb7: {  	_ =	swait.ge [sflag:s26], $0x1  }
0xb8: {  	[sflag:s26] =	ssyncadd.s32 $0xFFFFFFFF  }
0xb9: {  	_ =	strace $0x90000048  }
0xba: {  	_ =	sfence  }
0xbb: {  	s28 =	sld [smem:$0x0];
	_ =	sdelay $0x1  }
0xbc: {  	s29 =	srdreg.scid  }
0xbd: {  	s30 =	sshll.u32 s29, $0xD;
	s31 =	sshrl.u32 s29, $0x2  }
0xbe: {  	s2 =	sand.u32 $0x4000, s30;
	s1 =	sand.u32 $0x1, s29;
	s0 =	sadd.s32 s31, s28  }
0xbf: {  	s1 =	sor.u32 s2, s1;
	s0 =	sshll.u32 s0, $0x11  }
0xc0: {  	s0 =	sor.u32 s0, s1  }
0xc1: {  	s0 =	sadd.s32 $0x8F2B, s0  }
0xc2: {  	[sflag:s0] =	ssyncadd.remote.s32 $0x1  }
0xc3: {  	_ =	sfence.sel $0xFFFF  }
0xc4: {  	[dreg:$0x0] =	wrdreg $0xFFFFFFFF;
	(pc) =	sbr.abs _section_cstart, $3  }
0xc5: {  	[dreg:$0x1] =	wrdreg $0xFFFFFFFF  }
0xc6: {  	_ =	task.clear_ibuf [dreg:s5], $0x2FFFF;
	_ =	strace $0x9FFFFFFF  }
0xc7: {  	(tm) =	ssettm $0x7FFFFFFF  }
tec
execute0_lowered:
.L_overlay_start_1:
0x0: {  	(tag) =	ssettag $0x1  }
0x1: {  	s10 =	rddreg [dreg:$0x0]  }
0x2: {  	s7 =	rddreg [dreg:$0x1]  }
0x3: {  	s0 =	rddreg [dreg:$0x2]  }
0x4: {  	s1 =	rddreg [dreg:$0x3]  }
0x5: {  	s2 =	rddreg [dreg:$0x4]  }
0x6: {  	s3 =	rddreg [dreg:$0x5]  }
0x7: {  	s4 =	rddreg [dreg:$0x6]  }
0x8: {  	s5 =	rddreg [dreg:$0x7]  }
0x9: {  	s6 =	rddreg [dreg:$0x8];
	s11 =	simm.s32 $0x0  }
0xa: {  	[smem:$0x7FF] =	sst s11;
	s8 =	sadd.s32 $0xA00, s10  }
0xb: {  	s12 =	sadd.s32 $0x7FA00, s10;
	_ =	strace $0x80000047;
	[dreg:$0xa] =	wrdreg s8  }
0xc: {  	s21 =	sadd.s32 $0x4DA00, s10;
	[dreg:$0x1a] =	wrdreg s12  }
0xd: {  	s22 =	sadd.s32 $0xE3A00, s10;
	[dreg:$0x1b] =	wrdreg s21  }
0xe: {  	s23 =	sadd.s32 $0xB1A00, s10;
	[dreg:$0x1c] =	wrdreg s22  }
0xf: {  	s24 =	sadd.s32 $0x179A00, s10;
	[dreg:$0x1d] =	wrdreg s23  }
0x10: {  	s13 =	sadd.s32 $0x1ABA00, s10;
	[dreg:$0xb] =	wrdreg s24  }
0x11: {  	s28 =	sadd.s32 $0x1DDA00, s10;
	[dreg:$0xc] =	wrdreg s13  }
0x12: {  	s26 =	simm.s32 $0x1C100;
	s29 =	sadd.s32 $0x20FA00, s10;
	[dreg:$0xd] =	wrdreg s28  }
0x13: {  	s30 =	simm.s32 $0x2;
	s31 =	sadd.s32 $0x1CC00, s10;
	[dreg:$0xe] =	wrdreg s29  }
0x14: {  	s9 =	sadd.s32 $0x115A00, s10;
	s25 =	sadd.s32 $0x800, s10;
	[dreg:$0xf] =	wrdreg s31  }
0x15: {  	[tilespmem:s26], [sflag:$0x2] =	stream.linear.gather [hbm4b:s25+s11], $0x200, $0x38;
	[tilespmem:$0x1C300] =	vst v63  }
0x16: {  	s14 =	stileid.u32;
	s16 =	sadd.s32 $0x241A00, s10;
	_ =	swait.ge [sflag:s30], $0x200  }
0x17: {  	s17 =	sadd.s32 $0x273A00, s10;
	s8 =	sadd.s32 $0x147A00, s10;
	[sflag:s30] =	ssyncset.done $0x0  }
0x18: {  	v0 =	vimm.f32 $0.0e+00;
	s10 =	simm.s32 $0x40;
	s11 =	simm.s32 $0x0;
	[sflag:s30] =	ssyncadd.s32 $0xFFFFFE00  }
.LBB2_1:
0x19: {  	p0 =	sne.s32 s10, $0x63C0;
	[tilespmem:s11+$0x1A800] =	vst v0;
	s11 =	smov.u32 s10;
	s10 =	sadd.s32 $0x40, s10  }
.Ltmp0:
0x1a: {  	(pc) =	sbr.rel @p0 .LBB2_1-.Ltmp0, $2  }
0x1b: {  	_ =	sdelay $0x2  }
0x1c: {  	s11 =	sshra.s32 s11, $0x2  }
0x1d: {  	s15 =	smul.u32 $0x1900, s14  }
0x1e: {  	s13 =	sshll.u32 s14, $0x6  }
0x1f: {  	s20 =	simm.s32 $0x2;
	s10 =	sadd.s32 s15, s0;
	s12 =	sshrl.u32 s15, $0x3  }
0x20: {  	[tilespmem:s11+$0x1A800] =	vst v0;
	s26 =	sor.u32 $0x1C02, s13;
	s7 =	sadd.s32 s7, s12;
	s10 =	sshrl.u32 s10, $0x3  }
0x21: {  	[spmem:s10], [sflag:s26] =	dma.local [hbm:s7], $0x320  }
0x22: {  	s28 =	sadd.s32 s15, s1;
	_ =	swait.ge [sflag:s20], $0x320;
	[dreg:$0x10] =	wrdreg s15  }
0x23: {  	[dreg:$0x12] =	wrdreg s28  }
0x24: {  	s10 =	sshrl.u32 s28, $0x3;
	[sflag:s20] =	ssyncset.done $0x0;
	s31 =	rddreg [dreg:$0xa]  }
0x25: {  	[dreg:$0x11] =	wrdreg s26;
	s7 =	sadd.s32 s31, s12;
	[sflag:s20] =	ssyncadd.s32 $0xFFFFFCE0  }
0x26: {  	[spmem:s10], [sflag:s26] =	dma.local [hbm:s7], $0x320  }
0x27: {  	_ =	swait.ge [sflag:s20], $0x320  }
0x28: {  	s21 =	smul.u32 $0x19000, s14;
	[sflag:s20] =	ssyncset.done $0x0  }
0x29: {  	s29 =	simm.s32 $0x80;
	s30 =	simm.s32 $0x1;
	[sflag:s20] =	ssyncadd.s32 $0xFFFFFCE0  }
0x2a: {  	s10 =	simm.s32 $0x0;
	s7 =	simm.s32 $0x0;
	[bflag:$0x0] =	sbarrier.arrive $0xFFFF  }
.LBB2_3:
0x2b: {  	s26 =	sshll.u32 s7, $0xC  }
0x2c: {  	[dreg:$0x1e] =	wrdreg s7;
	s7 =	sadd.s32 s21, s26  }
0x2d: {  	s12 =	sshrl.u32 s7, $0x3  }
0x2e: {  	s11 =	simm.s32 $0xAF00;
	s7 =	sadd.s32 s8, s12  }
0x2f: {  	[tilespmem:s11], [sflag:$0x2] =	stream.linear.gather [hbm4b:s7+s10], $0x1000, $0x38;
	[tilespmem:$0x1C300] =	vst v63  }
0x30: {  	_ =	swait.ge [sflag:s20], $0x1000  }
0x31: {  	[sflag:s20] =	ssyncset.done $0x0  }
0x32: {  	s31 =	simm.s32 $0xBF00;
	s28 =	sadd.s32 s9, s12;
	[sflag:s20] =	ssyncadd.s32 $0xFFFFF000  }
0x33: {  	[tilespmem:s31], [sflag:$0x2] =	stream.linear.gather [hbm4b:s28+s10], $0x1000, $0x38;
	[tilespmem:$0x1C300] =	vst v63  }
0x34: {  	_ =	swait.ge [sflag:s20], $0x1000  }
0x35: {  	[sflag:s20] =	ssyncset.done $0x0;
	s13 =	rddreg [dreg:$0x1a]  }
0x36: {  	s14 =	simm.s32 $0xCF00;
	[sflag:s20] =	ssyncadd.s32 $0xFFFFF000;
	s7 =	sadd.s32 s13, s12  }
0x37: {  	[tilespmem:s14], [sflag:$0x2] =	stream.linear.gather [hbm4b:s7+s10], $0x1000, $0x38;
	[tilespmem:$0x1C300] =	vst v63  }
0x38: {  	_ =	swait.ge [sflag:s20], $0x1000  }
0x39: {  	[sflag:s20] =	ssyncset.done $0x0;
	s15 =	rddreg [dreg:$0x1b]  }
0x3a: {  	s18 =	simm.s32 $0xDF00;
	[sflag:s20] =	ssyncadd.s32 $0xFFFFF000;
	s7 =	sadd.s32 s15, s12  }
0x3b: {  	[tilespmem:s18], [sflag:$0x2] =	stream.linear.gather [hbm4b:s7+s10], $0x1000, $0x38;
	[tilespmem:$0x1C300] =	vst v63  }
0x3c: {  	_ =	swait.ge [sflag:s20], $0x1000  }
0x3d: {  	[sflag:s20] =	ssyncset.done $0x0;
	s19 =	rddreg [dreg:$0x1c]  }
0x3e: {  	s22 =	simm.s32 $0xEF00;
	[sflag:s20] =	ssyncadd.s32 $0xFFFFF000;
	s7 =	sadd.s32 s19, s12  }
0x3f: {  	[tilespmem:s22], [sflag:$0x2] =	stream.linear.gather [hbm4b:s7+s10], $0x1000, $0x38;
	[tilespmem:$0x1C300] =	vst v63  }
0x40: {  	_ =	swait.ge [sflag:s20], $0x1000  }
0x41: {  	s24 =	simm.s32 $0xFF00;
	[sflag:s20] =	ssyncset.done $0x0;
	s23 =	rddreg [dreg:$0x1d]  }
0x42: {  	[dreg:$0x1f] =	wrdreg s12;
	[sflag:s20] =	ssyncadd.s32 $0xFFFFF000;
	s7 =	sadd.s32 s23, s12  }
0x43: {  	[tilespmem:s24], [sflag:$0x2] =	stream.linear.gather [hbm4b:s7+s10], $0x1000, $0x38;
	[tilespmem:$0x1C300] =	vst v63  }
0x44: {  	_ =	swait.ge [sflag:s20], $0x1000  }
0x45: {  	[sflag:s20] =	ssyncset.done $0x0  }
0x46: {  	s25 =	simm.s32 $0x10F00;
	s26 =	simm.s32 $0xAF00;
	[sflag:s20] =	ssyncadd.s32 $0xFFFFF000  }
0x47: {  	[tilespmem:s25], [sflag:$0x1] =	stream.indirect.gather [spmem:s0], $0x1, s26, s29, $0xb8;
	[tilespmem:$0x1C300] =	vst v63  }
0x48: {  	s28 =	simm.s32 $0x11F00;
	s31 =	simm.s32 $0xBF00  }
0x49: {  	[tilespmem:s28], [sflag:$0x1] =	stream.indirect.gather [spmem:s0], $0x1, s31, s29, $0xb8;
	[tilespmem:$0x1C300] =	vst v63  }
0x4a: {  	_ =	swait.ge [sflag:s30], $0x80  }
0x4b: {  	[sflag:s30] =	ssyncset.done $0x0  }
0x4c: {  	[sflag:s30] =	ssyncadd.s32 $0xFFFFFF80  }
0x4d: {  	_ =	swait.ge [sflag:s30], $0x80  }
0x4e: {  	s10 =	simm.s32 $0x400;
	s7 =	simm.s32 $0x80;
	[sflag:s30] =	ssyncset.done $0x0  }
.LBB2_4:
0x4f: {  	s11 =	sadd.s32 $0x10F00, s7;
	s12 =	sadd.s32 $0xAF00, s7  }
0x50: {  	[sflag:s30] =	ssyncadd.s32 $0xFFFFFF80;
	s13 =	smov.u32 s10;
	p0 =	sne.s32 s10, $0x3E00  }
0x51: {  	[tilespmem:s11], [sflag:$0x1] =	stream.indirect.gather [spmem:s0], $0x1, s12, s29, $0xb8;
	[tilespmem:$0x1C300] =	vst v63  }
0x52: {  	s11 =	sadd.s32 $0x200, s10;
	s12 =	sadd.s32 $0x11F00, s7;
	s7 =	sadd.s32 $0xBF00, s7  }
0x53: {  	[tilespmem:s12], [sflag:$0x1] =	stream.indirect.gather [spmem:s0], $0x1, s7, s29, $0xb8;
	[tilespmem:$0x1C300] =	vst v63  }
.Ltmp1:
0x54: {  	_ =	swait.ge [sflag:s30], $0x80;
	(pc) =	sbr.rel @p0 .LBB2_4-.Ltmp1, $4  }
0x55: {  	[sflag:s30] =	ssyncset.done $0x0  }
0x56: {  	[sflag:s30] =	ssyncadd.s32 $0xFFFFFF80  }
0x57: {  	_ =	swait.ge [sflag:s30], $0x80  }
0x58: {  	s10 =	smov.u32 s11;
	s7 =	sshra.s32 s13, $0x2;
	[sflag:s30] =	ssyncset.done $0x0  }
0x59: {  	s10 =	sadd.s32 $0x10F00, s7;
	s11 =	sadd.s32 $0xAF00, s7;
	[sflag:s30] =	ssyncadd.s32 $0xFFFFFF80  }
0x5a: {  	[tilespmem:s10], [sflag:$0x1] =	stream.indirect.gather [spmem:s0], $0x1, s11, s29, $0xb8;
	[tilespmem:$0x1C300] =	vst v63  }
0x5b: {  	s28 =	sadd.s32 $0x11F00, s7;
	s31 =	sadd.s32 $0xBF00, s7;
	s12 =	simm.s32 $0xEF00  }
0x5c: {  	[tilespmem:s28], [sflag:$0x1] =	stream.indirect.gather [spmem:s0], $0x1, s31, s29, $0xb8;
	[tilespmem:$0x1C300] =	vst v63  }
0x5d: {  	s13 =	simm.s32 $0x11F00;
	s23 =	simm.s32 $0x16F00;
	_ =	swait.ge [sflag:s30], $0x80  }
0x5e: {  	s18 =	simm.s32 $0xFF00;
	s24 =	simm.s32 $0x10F00;
	[sflag:s30] =	ssyncset.done $0x0  }
0x5f: {  	s25 =	simm.s32 $0x15F00;
	s26 =	simm.s32 $0x14F00;
	[sflag:s30] =	ssyncadd.s32 $0xFFFFFF80  }
0x60: {  	s7 =	simm.s32 $0x13F00;
	s14 =	simm.s32 $0x12F00;
	_ =	swait.ge [sflag:s30], $0x80  }
0x61: {  	s15 =	simm.s32 $0xDF00;
	s19 =	simm.s32 $0xCF00;
	[sflag:s30] =	ssyncset.done $0x0  }
0x62: {  	s10 =	simm.s32 $0x0;
	s11 =	simm.s32 $0x17F00;
	[sflag:s30] =	ssyncadd.s32 $0xFFFFFF80  }
.LBB2_6:
0x63: {  	v0 =	vmov s19  }
0x64: {  	v1 =	vmov s15;
	_ =	sdelay $0x1  }
0x65: {  	v2 =	vld [tilespmem:$0x1C220]  }
0x66: {  	s22 =	simm.s32 $0x0;
	v3 =	vld [tilespmem:$0x1C230]  }
0x67: {  	v5 =	vld.idx.msk [tilespmem:v0+s22+$0x0 ss:$0x1], $0xffff  }
0x68: {  	v6 =	vld.idx.msk [tilespmem:v1+s22+$0x0 ss:$0x1], $0xffff;
	_ =	sdelay $0x3  }
0x69: {  	v4 =	vld [tilespmem:$0x1C240]  }
0x6a: {  	v7 =	vmul.f32 v2, v5;
	v3 =	vmul.f32 v3, v6  }
0x6b: {  	v2 =	vmov s14  }
0x6c: {  	v3 =	vadd.f32 v3, v7;
	_ =	sdelay $0x1  }
0x6d: {  	v3 =	vadd.f32 v3, v4;
	_ =	sdelay $0x1  }
0x6e: {  	[tilespmem:v2+s22+$0x0 ss:$0x1] =	vst.idx.msk $0xffff, v3  }
0x6f: {  	v3 =	vld [tilespmem:$0x1C250]  }
0x70: {  	v4 =	vld [tilespmem:$0x1C260];
	_ =	sdelay $0x3  }
0x71: {  	v7 =	vld [tilespmem:$0x1C270]  }
0x72: {  	v8 =	vmul.f32 v3, v5;
	v4 =	vmul.f32 v4, v6  }
0x73: {  	v3 =	vmov s7  }
0x74: {  	v4 =	vadd.f32 v4, v8;
	_ =	sdelay $0x1  }
0x75: {  	v4 =	vadd.f32 v4, v7;
	_ =	sdelay $0x1  }
0x76: {  	[tilespmem:v3+s22+$0x0 ss:$0x1] =	vst.idx.msk $0xffff, v4  }
0x77: {  	v4 =	vld [tilespmem:$0x1C280]  }
0x78: {  	v7 =	vld [tilespmem:$0x1C290];
	_ =	sdelay $0x3  }
0x79: {  	v8 =	vld [tilespmem:$0x1C2A0]  }
0x7a: {  	v9 =	vmul.f32 v4, v5;
	v7 =	vmul.f32 v7, v6  }
0x7b: {  	v4 =	vmov s26  }
0x7c: {  	v7 =	vadd.f32 v7, v9;
	_ =	sdelay $0x1  }
0x7d: {  	v7 =	vadd.f32 v7, v8;
	_ =	sdelay $0x1  }
0x7e: {  	[tilespmem:v4+s22+$0x0 ss:$0x1] =	vst.idx.msk $0xffff, v7  }
0x7f: {  	v7 =	vld [tilespmem:$0x1C2B0]  }
0x80: {  	v8 =	vld [tilespmem:$0x1C2C0];
	_ =	sdelay $0x3  }
0x81: {  	v9 =	vld [tilespmem:$0x1C2D0]  }
0x82: {  	v10 =	vmul.f32 v7, v5;
	v6 =	vmul.f32 v8, v6  }
0x83: {  	v5 =	vmov s25  }
0x84: {  	v7 =	vmov s24;
	v6 =	vadd.f32 v6, v10  }
0x85: {  	v8 =	vmov s18  }
0x86: {  	v6 =	vadd.f32 v6, v9;
	_ =	sdelay $0x1  }
0x87: {  	[tilespmem:v5+s22+$0x0 ss:$0x1] =	vst.idx.msk $0xffff, v6  }
0x88: {  	v6 =	vld.idx.msk [tilespmem:v7+s22+$0x0 ss:$0x1], $0xffff  }
0x89: {  	v12 =	vld.idx.msk [tilespmem:v8+s22+$0x0 ss:$0x1], $0xffff;
	_ =	sdelay $0x1  }
0x8a: {  	v9 =	vmov s23  }
0x8b: {  	v10 =	vmov s13  }
0x8c: {  	v11 =	vmov s12  }
0x8d: {  	v6 =	vadd.f32 v12, v6;
	_ =	sdelay $0x1  }
0x8e: {  	[tilespmem:v9+s22+$0x0 ss:$0x1] =	vst.idx.msk $0xffff, v6  }
0x8f: {  	v12 =	vld.idx.msk [tilespmem:v10+s22+$0x0 ss:$0x1], $0xffff  }
0x90: {  	s28 =	simm.s32 $0x40;
	v6 =	vmov s11;
	v13 =	vld.idx.msk [tilespmem:v11+s22+$0x0 ss:$0x1], $0xffff  }
.LBB2_7:
0x91: {  	p0 =	sne.s32 s28, $0x1C0;
	s31 =	smov.u32 s28;
	s28 =	sadd.s32 $0x40, s28  }
0x92: {  	_ =	sdelay $0x3  }
0x93: {  	v12 =	vadd.f32 v13, v12;
	_ =	sdelay $0x1  }
0x94: {  	[tilespmem:v6+s22+$0x0 ss:$0x1] =	vst.idx.msk $0xffff, v12;
	s22 =	sshra.s32 s31, $0x2  }
0x95: {  	v12 =	vld [tilespmem:$0x1C220]  }
0x96: {  	v13 =	vld.idx.msk [tilespmem:v0+s22+$0x0 ss:$0x1], $0xffff  }
0x97: {  	v14 =	vld.idx.msk [tilespmem:v1+s22+$0x0 ss:$0x1], $0xffff  }
0x98: {  	v15 =	vld [tilespmem:$0x1C230];
	_ =	sdelay $0x3  }
0x99: {  	v12 =	vmul.f32 v12, v13;
	v16 =	vld [tilespmem:$0x1C240]  }
0x9a: {  	v15 =	vmul.f32 v15, v14;
	_ =	sdelay $0x1  }
0x9b: {  	v12 =	vadd.f32 v15, v12;
	_ =	sdelay $0x1  }
0x9c: {  	v12 =	vadd.f32 v12, v16;
	_ =	sdelay $0x1  }
0x9d: {  	[tilespmem:v2+s22+$0x0 ss:$0x1] =	vst.idx.msk $0xffff, v12  }
0x9e: {  	v12 =	vld [tilespmem:$0x1C250]  }
0x9f: {  	v15 =	vld [tilespmem:$0x1C260];
	_ =	sdelay $0x3  }
0xa0: {  	v12 =	vmul.f32 v12, v13;
	v16 =	vld [tilespmem:$0x1C270]  }
0xa1: {  	v15 =	vmul.f32 v15, v14;
	_ =	sdelay $0x1  }
0xa2: {  	v12 =	vadd.f32 v15, v12;
	_ =	sdelay $0x1  }
0xa3: {  	v12 =	vadd.f32 v12, v16;
	_ =	sdelay $0x1  }
0xa4: {  	[tilespmem:v3+s22+$0x0 ss:$0x1] =	vst.idx.msk $0xffff, v12  }
0xa5: {  	v12 =	vld [tilespmem:$0x1C280]  }
0xa6: {  	v15 =	vld [tilespmem:$0x1C290];
	_ =	sdelay $0x3  }
0xa7: {  	v12 =	vmul.f32 v12, v13;
	v16 =	vld [tilespmem:$0x1C2A0]  }
0xa8: {  	v15 =	vmul.f32 v15, v14;
	_ =	sdelay $0x1  }
0xa9: {  	v12 =	vadd.f32 v15, v12;
	_ =	sdelay $0x1  }
0xaa: {  	v12 =	vadd.f32 v12, v16;
	_ =	sdelay $0x1  }
0xab: {  	[tilespmem:v4+s22+$0x0 ss:$0x1] =	vst.idx.msk $0xffff, v12  }
0xac: {  	v12 =	vld [tilespmem:$0x1C2B0]  }
0xad: {  	v15 =	vld [tilespmem:$0x1C2C0];
	_ =	sdelay $0x3  }
0xae: {  	v12 =	vmul.f32 v12, v13;
	v13 =	vld [tilespmem:$0x1C2D0]  }
0xaf: {  	v14 =	vmul.f32 v15, v14;
	_ =	sdelay $0x1  }
0xb0: {  	v12 =	vadd.f32 v14, v12;
	_ =	sdelay $0x1  }
0xb1: {  	v12 =	vadd.f32 v12, v13;
	_ =	sdelay $0x1  }
0xb2: {  	[tilespmem:v5+s22+$0x0 ss:$0x1] =	vst.idx.msk $0xffff, v12  }
0xb3: {  	v12 =	vld.idx.msk [tilespmem:v7+s22+$0x0 ss:$0x1], $0xffff  }
0xb4: {  	v13 =	vld.idx.msk [tilespmem:v8+s22+$0x0 ss:$0x1], $0xffff;
	_ =	sdelay $0x5  }
.Ltmp2:
0xb5: {  	v12 =	vadd.f32 v13, v12;
	(pc) =	sbr.rel @p0 .LBB2_7-.Ltmp2, $4  }
0xb6: {  	_ = 	snop  }
0xb7: {  	[tilespmem:v9+s22+$0x0 ss:$0x1] =	vst.idx.msk $0xffff, v12  }
0xb8: {  	v12 =	vld.idx.msk [tilespmem:v10+s22+$0x0 ss:$0x1], $0xffff  }
0xb9: {  	v13 =	vld.idx.msk [tilespmem:v11+s22+$0x0 ss:$0x1], $0xffff  }
0xba: {  	s10 =	sadd.s32 $0x1, s10  }
0xbb: {  	p0 =	sne.s32 s10, $0x20  }
.Ltmp3:
0xbc: {  	_ = 	snop;
	(pc) =	sbr.rel @p0 .LBB2_6-.Ltmp3, $4  }
0xbd: {  	s11 =	sadd.s32 $0x80, s11;
	s12 =	sadd.s32 $0x80, s12;
	s13 =	sadd.s32 $0x80, s13  }
0xbe: {  	s23 =	sadd.s32 $0x80, s23;
	s18 =	sadd.s32 $0x80, s18;
	s24 =	sadd.s32 $0x80, s24;
	v0 =	vadd.f32 v13, v12  }
0xbf: {  	s25 =	sadd.s32 $0x80, s25;
	s26 =	sadd.s32 $0x80, s26;
	s7 =	sadd.s32 $0x80, s7  }
0xc0: {  	s14 =	sadd.s32 $0x80, s14;
	s15 =	sadd.s32 $0x80, s15;
	s19 =	sadd.s32 $0x80, s19;
	[tilespmem:v6+s22+$0x0 ss:$0x1] =	vst.idx.msk $0xffff, v0  }
0xc1: {  	s7 =	rddreg [dreg:$0xb]  }
0xc2: {  	s12 =	rddreg [dreg:$0x1f]  }
0xc3: {  	s10 =	simm.s32 $0x0;
	s11 =	simm.s32 $0x12F00;
	s7 =	sadd.s32 s7, s12  }
0xc4: {  	[hbm4b:s7+s10] =	stream.linear.scatter [tilespmem:s11], [sflag:$0x2], $0x1000, $0x38;
	[tilespmem:$0x1C300] =	vst v63  }
0xc5: {  	_ =	swait.ge [sflag:s20], $0x1000  }
0xc6: {  	[sflag:s20] =	ssyncset.done $0x0;
	s14 =	rddreg [dreg:$0xc]  }
0xc7: {  	s15 =	simm.s32 $0x13F00;
	[sflag:s20] =	ssyncadd.s32 $0xFFFFF000;
	s7 =	sadd.s32 s14, s12  }
0xc8: {  	[hbm4b:s7+s10] =	stream.linear.scatter [tilespmem:s15], [sflag:$0x2], $0x1000, $0x38;
	[tilespmem:$0x1C300] =	vst v63  }
0xc9: {  	_ =	swait.ge [sflag:s20], $0x1000  }
0xca: {  	[sflag:s20] =	ssyncset.done $0x0;
	s18 =	rddreg [dreg:$0xd]  }
0xcb: {  	s19 =	simm.s32 $0x14F00;
	[sflag:s20] =	ssyncadd.s32 $0xFFFFF000;
	s7 =	sadd.s32 s18, s12  }
0xcc: {  	[hbm4b:s7+s10] =	stream.linear.scatter [tilespmem:s19], [sflag:$0x2], $0x1000, $0x38;
	[tilespmem:$0x1C300] =	vst v63  }
0xcd: {  	_ =	swait.ge [sflag:s20], $0x1000  }
0xce: {  	[sflag:s20] =	ssyncset.done $0x0;
	s22 =	rddreg [dreg:$0xe]  }
0xcf: {  	s23 =	simm.s32 $0x15F00;
	[sflag:s20] =	ssyncadd.s32 $0xFFFFF000;
	s7 =	sadd.s32 s22, s12  }
0xd0: {  	[hbm4b:s7+s10] =	stream.linear.scatter [tilespmem:s23], [sflag:$0x2], $0x1000, $0x38;
	[tilespmem:$0x1C300] =	vst v63  }
0xd1: {  	_ =	swait.ge [sflag:s20], $0x1000  }
0xd2: {  	[sflag:s20] =	ssyncset.done $0x0  }
0xd3: {  	s25 =	simm.s32 $0x16F00;
	s24 =	sadd.s32 s16, s12;
	[sflag:s20] =	ssyncadd.s32 $0xFFFFF000  }
0xd4: {  	[hbm4b:s24+s10] =	stream.linear.scatter [tilespmem:s25], [sflag:$0x2], $0x1000, $0x38;
	[tilespmem:$0x1C300] =	vst v63  }
0xd5: {  	_ =	swait.ge [sflag:s20], $0x1000  }
0xd6: {  	[sflag:s20] =	ssyncset.done $0x0  }
0xd7: {  	s28 =	simm.s32 $0x17F00;
	s26 =	sadd.s32 s17, s12;
	[sflag:s20] =	ssyncadd.s32 $0xFFFFF000  }
0xd8: {  	[hbm4b:s26+s10] =	stream.linear.scatter [tilespmem:s28], [sflag:$0x2], $0x1000, $0x38;
	[tilespmem:$0x1C300] =	vst v63  }
0xd9: {  	_ =	swait.ge [sflag:s20], $0x1000  }
0xda: {  	s31 =	rddreg [dreg:$0x1e]  }
0xdb: {  	s7 =	sadd.s32 $0x1, s31  }
0xdc: {  	p0 =	sne.s32 s7, $0x19  }
.Ltmp4:
0xdd: {  	_ = 	snop;
	(pc) =	sbr.rel @p0 .LBB2_3-.Ltmp4, $3  }
0xde: {  	_ =	sdelay $0x1  }
0xdf: {  	[sflag:s20] =	ssyncset.done $0x0  }
0xe0: {  	[sflag:s20] =	ssyncadd.s32 $0xFFFFF000  }
0xe1: {  	s10 =	rddreg [dreg:$0x10]  }
0xe2: {  	s29 =	simm.s32 $0x2;
	s7 =	sadd.s32 s10, s3  }
0xe3: {  	s20 =	simm.s32 $0xAF00;
	s28 =	sadd.s32 s10, s4;
	[dreg:$0x13] =	wrdreg s7  }
0xe4: {  	s31 =	simm.s32 $0xBF00;
	s30 =	sadd.s32 s10, s5;
	[dreg:$0x14] =	wrdreg s28  }
0xe5: {  	s0 =	sadd.s32 s10, s2;
	s11 =	sadd.s32 s10, s6;
	[dreg:$0x15] =	wrdreg s30  }
0xe6: {  	s19 =	simm.s32 $0x80;
	s0 =	sshrl.u32 s0, $0x3;
	[dreg:$0x16] =	wrdreg s11  }
0xe7: {  	s22 =	simm.s32 $0x1;
	[dreg:$0x17] =	wrdreg s0;
	s0 =	simm.s32 $0x0  }
.LBB2_11:
0xe8: {  	s18 =	sadd.s32 $0x1, s0  }
0xe9: {  	[dreg:$0x19] =	wrdreg s0;
	s0 =	smul.u32 $0x19000, s18  }
0xea: {  	s7 =	rddreg [dreg:$0xa]  }
0xeb: {  	s23 =	rddreg [dreg:$0x11];
	s0 =	sadd.s32 s10, s0  }
0xec: {  	s24 =	rddreg [dreg:$0x17];
	s0 =	sshrl.u32 s0, $0x3  }
0xed: {  	[dreg:$0x18] =	wrdreg s18;
	s0 =	sadd.s32 s7, s0  }
0xee: {  	[spmem:s24], [sflag:s23] =	dma.local [hbm:s0], $0x320  }
0xef: {  	_ =	swait.ge [sflag:s29], $0x320  }
0xf0: {  	[sflag:s29] =	ssyncset.done $0x0  }
0xf1: {  	s26 =	simm.s32 $0x1A800;
	s25 =	rddreg [dreg:$0x13];
	[sflag:s29] =	ssyncadd.s32 $0xFFFFFCE0  }
0xf2: {  	[spmem:s25] =	stream.linear.scatter [tilespmem:s26], [sflag:$0x2], $0x1900, $0x38;
	[tilespmem:$0x1C300] =	vst v63  }
0xf3: {  	_ =	swait.ge [sflag:s29], $0x1900  }
0xf4: {  	[sflag:s29] =	ssyncset.done $0x0  }
0xf5: {  	s28 =	rddreg [dreg:$0x14];
	[sflag:s29] =	ssyncadd.s32 $0xFFFFE700  }
0xf6: {  	[spmem:s28] =	stream.linear.scatter [tilespmem:s26], [sflag:$0x2], $0x1900, $0x38;
	[tilespmem:$0x1C300] =	vst v63  }
0xf7: {  	_ =	swait.ge [sflag:s29], $0x1900  }
0xf8: {  	[sflag:s29] =	ssyncset.done $0x0  }
0xf9: {  	s30 =	rddreg [dreg:$0x15];
	[sflag:s29] =	ssyncadd.s32 $0xFFFFE700  }
0xfa: {  	[spmem:s30] =	stream.linear.scatter [tilespmem:s26], [sflag:$0x2], $0x1900, $0x38;
	[tilespmem:$0x1C300] =	vst v63  }
0xfb: {  	_ =	swait.ge [sflag:s29], $0x1900  }
0xfc: {  	[sflag:s29] =	ssyncset.done $0x0  }
0xfd: {  	[sflag:s29] =	ssyncadd.s32 $0xFFFFE700  }
0xfe: {  	[spmem:s11] =	stream.linear.scatter [tilespmem:s26], [sflag:$0x2], $0x1900, $0x38;
	[tilespmem:$0x1C300] =	vst v63  }
0xff: {  	_ =	swait.ge [sflag:s29], $0x1900  }
0x100: {  	[sflag:s29] =	ssyncset.done $0x0  }
0x101: {  	[sflag:s29] =	ssyncadd.s32 $0xFFFFE700  }
0x102: {  	s23 =	simm.s32 $0x0;
	[bflag:$0x0] =	sbarrier.arrive $0xFFFF  }
.LBB2_12:
0x103: {  	s0 =	sshll.u32 s23, $0xC  }
0x104: {  	s0 =	sadd.s32 s21, s0  }
0x105: {  	s0 =	sshrl.u32 s0, $0x3  }
0x106: {  	s18 =	simm.s32 $0x0;
	s7 =	sadd.s32 s8, s0  }
0x107: {  	[tilespmem:s20], [sflag:$0x2] =	stream.linear.gather [hbm4b:s7+s18], $0x1000, $0x38;
	[tilespmem:$0x1C300] =	vst v63  }
0x108: {  	_ =	swait.ge [sflag:s29], $0x1000  }
0x109: {  	[sflag:s29] =	ssyncset.done $0x0  }
0x10a: {  	s30 =	sadd.s32 s9, s0;
	[sflag:s29] =	ssyncadd.s32 $0xFFFFF000  }
0x10b: {  	[tilespmem:s31], [sflag:$0x2] =	stream.linear.gather [hbm4b:s30+s18], $0x1000, $0x38;
	[tilespmem:$0x1C300] =	vst v63  }
0x10c: {  	_ =	swait.ge [sflag:s29], $0x1000  }
0x10d: {  	[sflag:s29] =	ssyncset.done $0x0;
	s31 =	rddreg [dreg:$0xb]  }
0x10e: {  	s10 =	simm.s32 $0x10F00;
	[sflag:s29] =	ssyncadd.s32 $0xFFFFF000;
	s7 =	sadd.s32 s31, s0  }
0x10f: {  	[tilespmem:s10], [sflag:$0x2] =	stream.linear.gather [hbm4b:s7+s18], $0x1000, $0x38;
	[tilespmem:$0x1C300] =	vst v63  }
0x110: {  	_ =	swait.ge [sflag:s29], $0x1000  }
0x111: {  	[sflag:s29] =	ssyncset.done $0x0;
	s10 =	rddreg [dreg:$0xc]  }
0x112: {  	s11 =	simm.s32 $0x11F00;
	[sflag:s29] =	ssyncadd.s32 $0xFFFFF000;
	s7 =	sadd.s32 s10, s0  }
0x113: {  	[tilespmem:s11], [sflag:$0x2] =	stream.linear.gather [hbm4b:s7+s18], $0x1000, $0x38;
	[tilespmem:$0x1C300] =	vst v63  }
0x114: {  	_ =	swait.ge [sflag:s29], $0x1000  }
0x115: {  	[sflag:s29] =	ssyncset.done $0x0;
	s12 =	rddreg [dreg:$0xd]  }
0x116: {  	s13 =	simm.s32 $0x12F00;
	[sflag:s29] =	ssyncadd.s32 $0xFFFFF000;
	s7 =	sadd.s32 s12, s0  }
0x117: {  	[tilespmem:s13], [sflag:$0x2] =	stream.linear.gather [hbm4b:s7+s18], $0x1000, $0x38;
	[tilespmem:$0x1C300] =	vst v63  }
0x118: {  	_ =	swait.ge [sflag:s29], $0x1000  }
0x119: {  	[sflag:s29] =	ssyncset.done $0x0  }
0x11a: {  	s15 =	simm.s32 $0x16F00;
	s14 =	sadd.s32 s16, s0;
	[sflag:s29] =	ssyncadd.s32 $0xFFFFF000  }
0x11b: {  	[tilespmem:s15], [sflag:$0x2] =	stream.linear.gather [hbm4b:s14+s18], $0x1000, $0x38;
	[tilespmem:$0x1C300] =	vst v63  }
0x11c: {  	_ =	swait.ge [sflag:s29], $0x1000  }
0x11d: {  	[sflag:s29] =	ssyncset.done $0x0  }
0x11e: {  	s20 =	simm.s32 $0x17F00;
	s0 =	sadd.s32 s17, s0;
	[sflag:s29] =	ssyncadd.s32 $0xFFFFF000  }
0x11f: {  	[tilespmem:s20], [sflag:$0x2] =	stream.linear.gather [hbm4b:s0+s18], $0x1000, $0x38;
	[tilespmem:$0x1C300] =	vst v63  }
0x120: {  	_ =	swait.ge [sflag:s29], $0x1000  }
0x121: {  	[sflag:s29] =	ssyncset.done $0x0  }
0x122: {  	s24 =	simm.s32 $0xCF00;
	s25 =	simm.s32 $0xAF00;
	[sflag:s29] =	ssyncadd.s32 $0xFFFFF000  }
0x123: {  	[tilespmem:s24], [sflag:$0x1] =	stream.indirect.gather [spmem:s1], $0x1, s25, s19, $0xb8;
	[tilespmem:$0x1C300] =	vst v63  }
0x124: {  	s26 =	simm.s32 $0xDF00  }
0x125: {  	[tilespmem:s26], [sflag:$0x1] =	stream.indirect.gather [spmem:s2], $0x1, s25, s19, $0xb8;
	[tilespmem:$0x1C300] =	vst v63  }
0x126: {  	s28 =	simm.s32 $0xEF00;
	s30 =	simm.s32 $0xBF00  }
0x127: {  	[tilespmem:s28], [sflag:$0x1] =	stream.indirect.gather [spmem:s1], $0x1, s30, s19, $0xb8;
	[tilespmem:$0x1C300] =	vst v63  }
0x128: {  	s31 =	simm.s32 $0xFF00  }
0x129: {  	[tilespmem:s31], [sflag:$0x1] =	stream.indirect.gather [spmem:s2], $0x1, s30, s19, $0xb8;
	[tilespmem:$0x1C300] =	vst v63  }
0x12a: {  	_ =	swait.ge [sflag:s22], $0x80  }
0x12b: {  	[sflag:s22] =	ssyncset.done $0x0  }
0x12c: {  	[sflag:s22] =	ssyncadd.s32 $0xFFFFFF80  }
0x12d: {  	_ =	swait.ge [sflag:s22], $0x80  }
0x12e: {  	[sflag:s22] =	ssyncset.done $0x0  }
0x12f: {  	[sflag:s22] =	ssyncadd.s32 $0xFFFFFF80  }
0x130: {  	_ =	swait.ge [sflag:s22], $0x80  }
0x131: {  	[sflag:s22] =	ssyncset.done $0x0  }
0x132: {  	[sflag:s22] =	ssyncadd.s32 $0xFFFFFF80  }
0x133: {  	_ =	swait.ge [sflag:s22], $0x80  }
0x134: {  	s7 =	simm.s32 $0x80;
	s0 =	simm.s32 $0x400;
	[sflag:s22] =	ssyncset.done $0x0  }
.LBB2_13:
0x135: {  	s10 =	sadd.s32 $0xCF00, s7  }
0x136: {  	s11 =	sadd.s32 $0xAF00, s7;
	[sflag:s22] =	ssyncadd.s32 $0xFFFFFF80;
	s12 =	smov.u32 s0  }
0x137: {  	[tilespmem:s10], [sflag:$0x1] =	stream.indirect.gather [spmem:s1], $0x1, s11, s19, $0xb8;
	[tilespmem:$0x1C300] =	vst v63  }
0x138: {  	p0 =	sne.s32 s0, $0x3E00;
	s0 =	sadd.s32 $0x200, s0;
	s10 =	sadd.s32 $0xDF00, s7  }
0x139: {  	[tilespmem:s10], [sflag:$0x1] =	stream.indirect.gather [spmem:s2], $0x1, s11, s19, $0xb8;
	[tilespmem:$0x1C300] =	vst v63  }
0x13a: {  	s10 =	sadd.s32 $0xEF00, s7;
	s11 =	sadd.s32 $0xBF00, s7  }
0x13b: {  	[tilespmem:s10], [sflag:$0x1] =	stream.indirect.gather [spmem:s1], $0x1, s11, s19, $0xb8;
	[tilespmem:$0x1C300] =	vst v63  }
0x13c: {  	s7 =	sadd.s32 $0xFF00, s7  }
0x13d: {  	[tilespmem:s7], [sflag:$0x1] =	stream.indirect.gather [spmem:s2], $0x1, s11, s19, $0xb8;
	[tilespmem:$0x1C300] =	vst v63  }
0x13e: {  	_ =	swait.ge [sflag:s22], $0x80  }
0x13f: {  	[sflag:s22] =	ssyncset.done $0x0  }
0x140: {  	[sflag:s22] =	ssyncadd.s32 $0xFFFFFF80  }
0x141: {  	_ =	swait.ge [sflag:s22], $0x80  }
0x142: {  	[sflag:s22] =	ssyncset.done $0x0  }
0x143: {  	[sflag:s22] =	ssyncadd.s32 $0xFFFFFF80  }
.Ltmp5:
0x144: {  	_ =	swait.ge [sflag:s22], $0x80;
	(pc) =	sbr.rel @p0 .LBB2_13-.Ltmp5, $4  }
0x145: {  	[sflag:s22] =	ssyncset.done $0x0  }
0x146: {  	[sflag:s22] =	ssyncadd.s32 $0xFFFFFF80  }
0x147: {  	_ =	swait.ge [sflag:s22], $0x80  }
0x148: {  	s7 =	sshra.s32 s12, $0x2;
	[sflag:s22] =	ssyncset.done $0x0  }
0x149: {  	s0 =	sadd.s32 $0xCF00, s7;
	s10 =	sadd.s32 $0xAF00, s7;
	[sflag:s22] =	ssyncadd.s32 $0xFFFFFF80  }
0x14a: {  	[tilespmem:s0], [sflag:$0x1] =	stream.indirect.gather [spmem:s1], $0x1, s10, s19, $0xb8;
	[tilespmem:$0x1C300] =	vst v63  }
0x14b: {  	s20 =	sadd.s32 $0xDF00, s7  }
0x14c: {  	[tilespmem:s20], [sflag:$0x1] =	stream.indirect.gather [spmem:s2], $0x1, s10, s19, $0xb8;
	[tilespmem:$0x1C300] =	vst v63  }
0x14d: {  	s24 =	sadd.s32 $0xEF00, s7;
	s25 =	sadd.s32 $0xBF00, s7  }
0x14e: {  	[tilespmem:s24], [sflag:$0x1] =	stream.indirect.gather [spmem:s1], $0x1, s25, s19, $0xb8;
	[tilespmem:$0x1C300] =	vst v63  }
0x14f: {  	s26 =	sadd.s32 $0xFF00, s7  }
0x150: {  	[tilespmem:s26], [sflag:$0x1] =	stream.indirect.gather [spmem:s2], $0x1, s25, s19, $0xb8;
	[tilespmem:$0x1C300] =	vst v63  }
0x151: {  	_ =	swait.ge [sflag:s22], $0x80  }
0x152: {  	[sflag:s22] =	ssyncset.done $0x0  }
0x153: {  	[sflag:s22] =	ssyncadd.s32 $0xFFFFFF80  }
0x154: {  	_ =	swait.ge [sflag:s22], $0x80  }
0x155: {  	[sflag:s22] =	ssyncset.done $0x0  }
0x156: {  	[sflag:s22] =	ssyncadd.s32 $0xFFFFFF80  }
0x157: {  	s30 =	simm.s32 $0x15F00;
	s28 =	simm.s32 $0x14F00;
	_ =	swait.ge [sflag:s22], $0x80  }
0x158: {  	s14 =	simm.s32 $0x13F00;
	s11 =	simm.s32 $0xEF00;
	[sflag:s22] =	ssyncset.done $0x0  }
0x159: {  	s12 =	simm.s32 $0xDF00;
	s13 =	simm.s32 $0xCF00;
	[sflag:s22] =	ssyncadd.s32 $0xFFFFFF80  }
0x15a: {  	s31 =	simm.s32 $0x17F00;
	s0 =	simm.s32 $0x16F00;
	_ =	swait.ge [sflag:s22], $0x80  }
0x15b: {  	s10 =	simm.s32 $0xFF00;
	s24 =	simm.s32 $0x11F00;
	[sflag:s22] =	ssyncset.done $0x0  }
0x15c: {  	s25 =	simm.s32 $0x12F00;
	s26 =	simm.s32 $0x10F00;
	[sflag:s22] =	ssyncadd.s32 $0xFFFFFF80  }
.LBB2_15:
0x15d: {  	v1 =	vmov s12  }
0x15e: {  	v2 =	vmov s0  }
0x15f: {  	v3 =	vmov s13  }
0x160: {  	v0 =	vmov s31;
	v12 =	vld [tilespmem:$0x1C110]  }
0x161: {  	v4 =	vmov s11;
	s15 =	simm.s32 $0x0;
	v13 =	vld [tilespmem:$0x1C100]  }
0x162: {  	v8 =	vld.idx.msk [tilespmem:v1+s15+$0x0 ss:$0x1], $0xffff  }
0x163: {  	v5 =	vmov s10;
	v9 =	vld.idx.msk [tilespmem:v2+s15+$0x0 ss:$0x1], $0xffff  }
0x164: {  	v10 =	vld.idx.msk [tilespmem:v3+s15+$0x0 ss:$0x1], $0xffff  }
0x165: {  	v7 =	vld.idx.msk [tilespmem:v0+s15+$0x0 ss:$0x1], $0xffff  }
0x166: {  	v11 =	vld.idx.msk [tilespmem:v4+s15+$0x0 ss:$0x1], $0xffff  }
0x167: {  	v15 =	vld [tilespmem:$0x1C120]  }
0x168: {  	v14 =	vld.idx.msk [tilespmem:v5+s15+$0x0 ss:$0x1], $0xffff  }
0x169: {  	v6 =	vmov s26;
	v16 =	vadd.f32 v10, v9;
	v9 =	vadd.f32 v8, v9  }
0x16a: {  	v8 =	vld [tilespmem:$0x1C130]  }
0x16b: {  	v17 =	vadd.f32 v11, v7;
	v10 =	vmul.f32 v13, v16;
	v11 =	vmul.f32 v12, v9;
	_ =	sdelay $0x1  }
0x16c: {  	v14 =	vadd.f32 v14, v7;
	v7 =	vadd.f32 v11, v10;
	v10 =	vmul.f32 v15, v17  }
0x16d: {  	v11 =	vld.idx.msk [tilespmem:v6+s15+$0x0 ss:$0x1], $0xffff  }
0x16e: {  	v8 =	vmul.f32 v8, v14;
	v10 =	vadd.f32 v10, v7;
	_ =	sdelay $0x1  }
0x16f: {  	v7 =	vmov s14;
	v8 =	vadd.f32 v8, v10;
	_ =	sdelay $0x1  }
0x170: {  	v8 =	vadd.f32 v8, v11;
	_ =	sdelay $0x1  }
0x171: {  	v8 =	vmax.f32 v8, $0.0e+00  }
0x172: {  	[tilespmem:v7+s15+$0x0 ss:$0x1] =	vst.idx.msk $0xffff, v8  }
0x173: {  	v10 =	vld [tilespmem:$0x1C140]  }
0x174: {  	v11 =	vld [tilespmem:$0x1C150];
	_ =	sdelay $0x1  }
0x175: {  	v12 =	vld [tilespmem:$0x1C160]  }
0x176: {  	v8 =	vmov s24  }
0x177: {  	v13 =	vld [tilespmem:$0x1C170]  }
0x178: {  	v10 =	vmul.f32 v10, v16;
	v11 =	vmul.f32 v11, v9;
	_ =	sdelay $0x1  }
0x179: {  	v10 =	vadd.f32 v11, v10;
	v11 =	vmul.f32 v12, v17  }
0x17a: {  	v12 =	vld.idx.msk [tilespmem:v8+s15+$0x0 ss:$0x1], $0xffff  }
0x17b: {  	v13 =	vmul.f32 v13, v14;
	v11 =	vadd.f32 v11, v10;
	_ =	sdelay $0x1  }
0x17c: {  	v10 =	vmov s28;
	v11 =	vadd.f32 v13, v11;
	_ =	sdelay $0x1  }
0x17d: {  	v11 =	vadd.f32 v11, v12;
	_ =	sdelay $0x1  }
0x17e: {  	v11 =	vmax.f32 v11, $0.0e+00  }
0x17f: {  	[tilespmem:v10+s15+$0x0 ss:$0x1] =	vst.idx.msk $0xffff, v11  }
0x180: {  	v12 =	vld [tilespmem:$0x1C180]  }
0x181: {  	v13 =	vld [tilespmem:$0x1C190];
	_ =	sdelay $0x1  }
0x182: {  	v15 =	vld [tilespmem:$0x1C1A0]  }
0x183: {  	v11 =	vmov s25;
	v18 =	vld [tilespmem:$0x1C1B0];
	_ =	sdelay $0x1  }
0x184: {  	v16 =	vmul.f32 v12, v16;
	v19 =	vmul.f32 v13, v9;
	_ =	sdelay $0x1  }
0x185: {  	v13 =	vmul.f32 v15, v17;
	v15 =	vadd.f32 v19, v16  }
0x186: {  	s7 =	simm.s32 $0x40;
	v9 =	vmov s30;
	v12 =	vld.idx.msk [tilespmem:v11+s15+$0x0 ss:$0x1], $0xffff;
	v14 =	vmul.f32 v18, v14  }
.LBB2_16:
0x187: {  	p0 =	sne.s32 s7, $0x1C0;
	v13 =	vadd.f32 v13, v15;
	s20 =	smov.u32 s7;
	s7 =	sadd.s32 $0x40, s7  }
0x188: {  	_ = 	snop  }
0x189: {  	v13 =	vadd.f32 v14, v13;
	_ =	sdelay $0x1  }
0x18a: {  	v12 =	vadd.f32 v13, v12  }
0x18b: {  	s20 =	sshra.s32 s20, $0x2  }
0x18c: {  	v12 =	vmax.f32 v12, $0.0e+00  }
0x18d: {  	[tilespmem:v9+s15+$0x0 ss:$0x1] =	vst.idx.msk $0xffff, v12;
	s15 =	smov.u32 s20  }
0x18e: {  	v12 =	vld.idx.msk [tilespmem:v0+s15+$0x0 ss:$0x1], $0xffff  }
0x18f: {  	v13 =	vld.idx.msk [tilespmem:v1+s15+$0x0 ss:$0x1], $0xffff  }
0x190: {  	v14 =	vld.idx.msk [tilespmem:v2+s15+$0x0 ss:$0x1], $0xffff  }
0x191: {  	v15 =	vld.idx.msk [tilespmem:v3+s15+$0x0 ss:$0x1], $0xffff  }
0x192: {  	v16 =	vld.idx.msk [tilespmem:v4+s15+$0x0 ss:$0x1], $0xffff  }
0x193: {  	v17 =	vld [tilespmem:$0x1C110]  }
0x194: {  	v18 =	vld [tilespmem:$0x1C100]  }
0x195: {  	v19 =	vld.idx.msk [tilespmem:v5+s15+$0x0 ss:$0x1], $0xffff  }
0x196: {  	v20 =	vld [tilespmem:$0x1C120]  }
0x197: {  	v13 =	vadd.f32 v13, v14;
	v15 =	vadd.f32 v15, v14  }
0x198: {  	v14 =	vadd.f32 v16, v12;
	v16 =	vld [tilespmem:$0x1C130]  }
0x199: {  	v17 =	vmul.f32 v17, v13;
	v18 =	vmul.f32 v18, v15;
	_ =	sdelay $0x1  }
0x19a: {  	v19 =	vadd.f32 v19, v12;
	v12 =	vadd.f32 v17, v18;
	v17 =	vmul.f32 v20, v14;
	v18 =	vld.idx.msk [tilespmem:v6+s15+$0x0 ss:$0x1], $0xffff;
	_ =	sdelay $0x1  }
0x19b: {  	v12 =	vadd.f32 v17, v12;
	v16 =	vmul.f32 v16, v19;
	_ =	sdelay $0x1  }
0x19c: {  	v12 =	vadd.f32 v16, v12;
	_ =	sdelay $0x1  }
0x19d: {  	v12 =	vadd.f32 v12, v18;
	_ =	sdelay $0x1  }
0x19e: {  	v12 =	vmax.f32 v12, $0.0e+00  }
0x19f: {  	[tilespmem:v7+s15+$0x0 ss:$0x1] =	vst.idx.msk $0xffff, v12  }
0x1a0: {  	v12 =	vld [tilespmem:$0x1C140]  }
0x1a1: {  	v16 =	vld [tilespmem:$0x1C150];
	_ =	sdelay $0x1  }
0x1a2: {  	v17 =	vld [tilespmem:$0x1C160];
	_ =	sdelay $0x1  }
0x1a3: {  	v12 =	vmul.f32 v12, v15;
	v18 =	vld [tilespmem:$0x1C170]  }
0x1a4: {  	v16 =	vmul.f32 v16, v13;
	_ =	sdelay $0x1  }
0x1a5: {  	v12 =	vadd.f32 v16, v12;
	v16 =	vmul.f32 v17, v14;
	v17 =	vld.idx.msk [tilespmem:v8+s15+$0x0 ss:$0x1], $0xffff;
	_ =	sdelay $0x1  }
0x1a6: {  	v12 =	vadd.f32 v16, v12;
	v16 =	vmul.f32 v18, v19;
	_ =	sdelay $0x1  }
0x1a7: {  	v12 =	vadd.f32 v16, v12;
	_ =	sdelay $0x1  }
0x1a8: {  	v12 =	vadd.f32 v12, v17;
	_ =	sdelay $0x1  }
0x1a9: {  	v12 =	vmax.f32 v12, $0.0e+00  }
0x1aa: {  	[tilespmem:v10+s15+$0x0 ss:$0x1] =	vst.idx.msk $0xffff, v12  }
0x1ab: {  	v16 =	vld [tilespmem:$0x1C180]  }
0x1ac: {  	v17 =	vld [tilespmem:$0x1C190]  }
0x1ad: {  	v18 =	vld [tilespmem:$0x1C1A0]  }
0x1ae: {  	v20 =	vld [tilespmem:$0x1C1B0]  }
0x1af: {  	v12 =	vld.idx.msk [tilespmem:v11+s15+$0x0 ss:$0x1], $0xffff  }
.Ltmp6:
0x1b0: {  	v15 =	vmul.f32 v16, v15;
	(pc) =	sbr.rel @p0 .LBB2_16-.Ltmp6, $4  }
0x1b1: {  	v16 =	vmul.f32 v17, v13  }
0x1b2: {  	v13 =	vmul.f32 v18, v14  }
0x1b3: {  	v15 =	vadd.f32 v16, v15  }
0x1b4: {  	v14 =	vmul.f32 v20, v19  }
0x1b5: {  	v0 =	vadd.f32 v13, v15  }
0x1b6: {  	s18 =	sadd.s32 $0x1, s18  }
0x1b7: {  	p0 =	sne.s32 s18, $0x20;
	v0 =	vadd.f32 v14, v0  }
.Ltmp7:
0x1b8: {  	_ = 	snop;
	(pc) =	sbr.rel @p0 .LBB2_15-.Ltmp7, $4  }
0x1b9: {  	s30 =	sadd.s32 $0x80, s30;
	s25 =	sadd.s32 $0x80, s25;
	s28 =	sadd.s32 $0x80, s28;
	v0 =	vadd.f32 v0, v12  }
0x1ba: {  	s24 =	sadd.s32 $0x80, s24;
	s14 =	sadd.s32 $0x80, s14;
	s26 =	sadd.s32 $0x80, s26  }
0x1bb: {  	s10 =	sadd.s32 $0x80, s10;
	s11 =	sadd.s32 $0x80, s11;
	s12 =	sadd.s32 $0x80, s12;
	v0 =	vmax.f32 v0, $0.0e+00  }
0x1bc: {  	s13 =	sadd.s32 $0x80, s13;
	s31 =	sadd.s32 $0x80, s31;
	s0 =	sadd.s32 $0x80, s0;
	[tilespmem:v9+s15+$0x0 ss:$0x1] =	vst.idx.msk $0xffff, v0  }
0x1bd: {  	s0 =	simm.s32 $0x13F00;
	s7 =	simm.s32 $0xBF00  }
0x1be: {  	[spmem:s3] =	stream.indirect.scatter.add.f32 [tilespmem:s0], [sflag:$0x1], $0x1, s7, s19, $0xb8;
	[tilespmem:$0x1C300] =	vst v63  }
0x1bf: {  	_ =	swait.ge [sflag:s22], $0x80  }
0x1c0: {  	[sflag:s22] =	ssyncset.done $0x0  }
0x1c1: {  	s30 =	simm.s32 $0x14F00;
	[sflag:s22] =	ssyncadd.s32 $0xFFFFFF80  }
0x1c2: {  	[spmem:s4] =	stream.indirect.scatter.add.f32 [tilespmem:s30], [sflag:$0x1], $0x1, s7, s19, $0xb8;
	[tilespmem:$0x1C300] =	vst v63  }
0x1c3: {  	_ =	swait.ge [sflag:s22], $0x80  }
0x1c4: {  	[sflag:s22] =	ssyncset.done $0x0  }
0x1c5: {  	s31 =	simm.s32 $0x15F00;
	[sflag:s22] =	ssyncadd.s32 $0xFFFFFF80  }
0x1c6: {  	[spmem:s5] =	stream.indirect.scatter.add.f32 [tilespmem:s31], [sflag:$0x1], $0x1, s7, s19, $0xb8;
	[tilespmem:$0x1C300] =	vst v63  }
0x1c7: {  	_ =	swait.ge [sflag:s22], $0x80  }
0x1c8: {  	s0 =	simm.s32 $0x80;
	s7 =	simm.s32 $0x400;
	[sflag:s22] =	ssyncset.done $0x0  }
.LBB2_19:
0x1c9: {  	s10 =	sadd.s32 $0x13F00, s0  }
0x1ca: {  	s11 =	sadd.s32 $0xBF00, s0;
	[sflag:s22] =	ssyncadd.s32 $0xFFFFFF80;
	s12 =	smov.u32 s7  }
0x1cb: {  	[spmem:s3] =	stream.indirect.scatter.add.f32 [tilespmem:s10], [sflag:$0x1], $0x1, s11, s19, $0xb8;
	[tilespmem:$0x1C300] =	vst v63  }
0x1cc: {  	p0 =	sne.s32 s7, $0x3E00;
	s7 =	sadd.s32 $0x200, s7;
	_ =	swait.ge [sflag:s22], $0x80  }
0x1cd: {  	[sflag:s22] =	ssyncset.done $0x0  }
0x1ce: {  	s10 =	sadd.s32 $0x14F00, s0;
	[sflag:s22] =	ssyncadd.s32 $0xFFFFFF80  }
0x1cf: {  	[spmem:s4] =	stream.indirect.scatter.add.f32 [tilespmem:s10], [sflag:$0x1], $0x1, s11, s19, $0xb8;
	[tilespmem:$0x1C300] =	vst v63  }
0x1d0: {  	_ =	swait.ge [sflag:s22], $0x80  }
.Ltmp8:
0x1d1: {  	[sflag:s22] =	ssyncset.done $0x0;
	(pc) =	sbr.rel @p0 .LBB2_19-.Ltmp8, $4  }
0x1d2: {  	s0 =	sadd.s32 $0x15F00, s0;
	[sflag:s22] =	ssyncadd.s32 $0xFFFFFF80  }
0x1d3: {  	[spmem:s5] =	stream.indirect.scatter.add.f32 [tilespmem:s0], [sflag:$0x1], $0x1, s11, s19, $0xb8;
	[tilespmem:$0x1C300] =	vst v63  }
0x1d4: {  	_ =	swait.ge [sflag:s22], $0x80  }
0x1d5: {  	s0 =	sshra.s32 s12, $0x2;
	[sflag:s22] =	ssyncset.done $0x0  }
0x1d6: {  	s7 =	sadd.s32 $0x13F00, s0;
	s10 =	sadd.s32 $0xBF00, s0;
	[sflag:s22] =	ssyncadd.s32 $0xFFFFFF80  }
0x1d7: {  	[spmem:s3] =	stream.indirect.scatter.add.f32 [tilespmem:s7], [sflag:$0x1], $0x1, s10, s19, $0xb8;
	[tilespmem:$0x1C300] =	vst v63  }
0x1d8: {  	_ =	swait.ge [sflag:s22], $0x80  }
0x1d9: {  	[sflag:s22] =	ssyncset.done $0x0  }
0x1da: {  	s28 =	sadd.s32 $0x14F00, s0;
	[sflag:s22] =	ssyncadd.s32 $0xFFFFFF80  }
0x1db: {  	[spmem:s4] =	stream.indirect.scatter.add.f32 [tilespmem:s28], [sflag:$0x1], $0x1, s10, s19, $0xb8;
	[tilespmem:$0x1C300] =	vst v63  }
0x1dc: {  	s23 =	sadd.s32 $0x1, s23;
	_ =	swait.ge [sflag:s22], $0x80  }
0x1dd: {  	p0 =	sne.s32 s23, $0x19;
	[sflag:s22] =	ssyncset.done $0x0  }
.Ltmp9:
0x1de: {  	s30 =	sadd.s32 $0x15F00, s0;
	[sflag:s22] =	ssyncadd.s32 $0xFFFFFF80;
	(pc) =	sbr.rel @p0 .LBB2_12-.Ltmp9, $4  }
0x1df: {  	[spmem:s5] =	stream.indirect.scatter.add.f32 [tilespmem:s30], [sflag:$0x1], $0x1, s10, s19, $0xb8;
	[tilespmem:$0x1C300] =	vst v63  }
0x1e0: {  	_ =	swait.ge [sflag:s22], $0x80  }
0x1e1: {  	[sflag:s22] =	ssyncset.done $0x0  }
0x1e2: {  	s20 =	simm.s32 $0xAF00;
	s31 =	simm.s32 $0xBF00;
	[sflag:s22] =	ssyncadd.s32 $0xFFFFFF80  }
0x1e3: {  	[bflag:$0x0] =	sbarrier.arrive $0xFFFF;
	s18 =	simm.s32 $0x0;
	s23 =	simm.s32 $0x0  }
.LBB2_22:
0x1e4: {  	s0 =	sshll.u32 s23, $0xC  }
0x1e5: {  	s0 =	sadd.s32 s21, s0  }
0x1e6: {  	s0 =	sshrl.u32 s0, $0x3  }
0x1e7: {  	s7 =	sadd.s32 s8, s0  }
0x1e8: {  	[tilespmem:s20], [sflag:$0x2] =	stream.linear.gather [hbm4b:s7+s18], $0x1000, $0x38;
	[tilespmem:$0x1C300] =	vst v63  }
0x1e9: {  	_ =	swait.ge [sflag:s29], $0x1000  }
0x1ea: {  	[sflag:s29] =	ssyncset.done $0x0  }
0x1eb: {  	s28 =	sadd.s32 s9, s0;
	[sflag:s29] =	ssyncadd.s32 $0xFFFFF000  }
0x1ec: {  	[tilespmem:s31], [sflag:$0x2] =	stream.linear.gather [hbm4b:s28+s18], $0x1000, $0x38;
	[tilespmem:$0x1C300] =	vst v63  }
0x1ed: {  	_ =	swait.ge [sflag:s29], $0x1000  }
0x1ee: {  	[sflag:s29] =	ssyncset.done $0x0;
	s30 =	rddreg [dreg:$0xe]  }
0x1ef: {  	s10 =	simm.s32 $0x12F00;
	[sflag:s29] =	ssyncadd.s32 $0xFFFFF000;
	s7 =	sadd.s32 s30, s0  }
0x1f0: {  	[tilespmem:s10], [sflag:$0x2] =	stream.linear.gather [hbm4b:s7+s18], $0x1000, $0x38;
	[tilespmem:$0x1C300] =	vst v63  }
0x1f1: {  	_ =	swait.ge [sflag:s29], $0x1000  }
0x1f2: {  	[sflag:s29] =	ssyncset.done $0x0  }
0x1f3: {  	s11 =	simm.s32 $0x16F00;
	s10 =	sadd.s32 s16, s0;
	[sflag:s29] =	ssyncadd.s32 $0xFFFFF000  }
0x1f4: {  	[tilespmem:s11], [sflag:$0x2] =	stream.linear.gather [hbm4b:s10+s18], $0x1000, $0x38;
	[tilespmem:$0x1C300] =	vst v63  }
0x1f5: {  	_ =	swait.ge [sflag:s29], $0x1000  }
0x1f6: {  	[sflag:s29] =	ssyncset.done $0x0  }
0x1f7: {  	s12 =	simm.s32 $0x17F00;
	s0 =	sadd.s32 s17, s0;
	[sflag:s29] =	ssyncadd.s32 $0xFFFFF000  }
0x1f8: {  	[tilespmem:s12], [sflag:$0x2] =	stream.linear.gather [hbm4b:s0+s18], $0x1000, $0x38;
	[tilespmem:$0x1C300] =	vst v63  }
0x1f9: {  	_ =	swait.ge [sflag:s29], $0x1000  }
0x1fa: {  	[sflag:s29] =	ssyncset.done $0x0  }
0x1fb: {  	s13 =	simm.s32 $0xCF00;
	s14 =	simm.s32 $0xAF00;
	[sflag:s29] =	ssyncadd.s32 $0xFFFFF000  }
0x1fc: {  	[tilespmem:s13], [sflag:$0x1] =	stream.indirect.gather [spmem:s3], $0x1, s14, s19, $0xb8;
	[tilespmem:$0x1C300] =	vst v63  }
0x1fd: {  	s15 =	simm.s32 $0xDF00  }
0x1fe: {  	[tilespmem:s15], [sflag:$0x1] =	stream.indirect.gather [spmem:s4], $0x1, s14, s19, $0xb8;
	[tilespmem:$0x1C300] =	vst v63  }
0x1ff: {  	s24 =	simm.s32 $0xEF00  }
0x200: {  	[tilespmem:s24], [sflag:$0x1] =	stream.indirect.gather [spmem:s5], $0x1, s14, s19, $0xb8;
	[tilespmem:$0x1C300] =	vst v63  }
0x201: {  	s25 =	simm.s32 $0xFF00;
	s26 =	simm.s32 $0xBF00  }
0x202: {  	[tilespmem:s25], [sflag:$0x1] =	stream.indirect.gather [spmem:s3], $0x1, s26, s19, $0xb8;
	[tilespmem:$0x1C300] =	vst v63  }
0x203: {  	s28 =	simm.s32 $0x10F00  }
0x204: {  	[tilespmem:s28], [sflag:$0x1] =	stream.indirect.gather [spmem:s4], $0x1, s26, s19, $0xb8;
	[tilespmem:$0x1C300] =	vst v63  }
0x205: {  	s30 =	simm.s32 $0x11F00  }
0x206: {  	[tilespmem:s30], [sflag:$0x1] =	stream.indirect.gather [spmem:s5], $0x1, s26, s19, $0xb8;
	[tilespmem:$0x1C300] =	vst v63  }
0x207: {  	_ =	swait.ge [sflag:s22], $0x80  }
0x208: {  	[sflag:s22] =	ssyncset.done $0x0  }
0x209: {  	[sflag:s22] =	ssyncadd.s32 $0xFFFFFF80  }
0x20a: {  	_ =	swait.ge [sflag:s22], $0x80  }
0x20b: {  	[sflag:s22] =	ssyncset.done $0x0  }
0x20c: {  	[sflag:s22] =	ssyncadd.s32 $0xFFFFFF80  }
0x20d: {  	_ =	swait.ge [sflag:s22], $0x80  }
0x20e: {  	[sflag:s22] =	ssyncset.done $0x0  }
0x20f: {  	[sflag:s22] =	ssyncadd.s32 $0xFFFFFF80  }
0x210: {  	_ =	swait.ge [sflag:s22], $0x80  }
0x211: {  	[sflag:s22] =	ssyncset.done $0x0  }
0x212: {  	[sflag:s22] =	ssyncadd.s32 $0xFFFFFF80  }
0x213: {  	_ =	swait.ge [sflag:s22], $0x80  }
0x214: {  	[sflag:s22] =	ssyncset.done $0x0  }
0x215: {  	[sflag:s22] =	ssyncadd.s32 $0xFFFFFF80  }
0x216: {  	_ =	swait.ge [sflag:s22], $0x80  }
0x217: {  	s7 =	simm.s32 $0x80;
	s0 =	simm.s32 $0x400;
	[sflag:s22] =	ssyncset.done $0x0  }
.LBB2_23:
0x218: {  	s10 =	sadd.s32 $0xCF00, s7  }
0x219: {  	s11 =	sadd.s32 $0xAF00, s7;
	[sflag:s22] =	ssyncadd.s32 $0xFFFFFF80;
	s12 =	smov.u32 s0  }
0x21a: {  	[tilespmem:s10], [sflag:$0x1] =	stream.indirect.gather [spmem:s3], $0x1, s11, s19, $0xb8;
	[tilespmem:$0x1C300] =	vst v63  }
0x21b: {  	p0 =	sne.s32 s0, $0x3E00;
	s0 =	sadd.s32 $0x200, s0;
	s10 =	sadd.s32 $0xDF00, s7  }
0x21c: {  	[tilespmem:s10], [sflag:$0x1] =	stream.indirect.gather [spmem:s4], $0x1, s11, s19, $0xb8;
	[tilespmem:$0x1C300] =	vst v63  }
0x21d: {  	s10 =	sadd.s32 $0xEF00, s7  }
0x21e: {  	[tilespmem:s10], [sflag:$0x1] =	stream.indirect.gather [spmem:s5], $0x1, s11, s19, $0xb8;
	[tilespmem:$0x1C300] =	vst v63  }
0x21f: {  	s10 =	sadd.s32 $0xFF00, s7;
	s11 =	sadd.s32 $0xBF00, s7  }
0x220: {  	[tilespmem:s10], [sflag:$0x1] =	stream.indirect.gather [spmem:s3], $0x1, s11, s19, $0xb8;
	[tilespmem:$0x1C300] =	vst v63  }
0x221: {  	s10 =	sadd.s32 $0x10F00, s7  }
0x222: {  	[tilespmem:s10], [sflag:$0x1] =	stream.indirect.gather [spmem:s4], $0x1, s11, s19, $0xb8;
	[tilespmem:$0x1C300] =	vst v63  }
0x223: {  	s7 =	sadd.s32 $0x11F00, s7  }
0x224: {  	[tilespmem:s7], [sflag:$0x1] =	stream.indirect.gather [spmem:s5], $0x1, s11, s19, $0xb8;
	[tilespmem:$0x1C300] =	vst v63  }
0x225: {  	_ =	swait.ge [sflag:s22], $0x80  }
0x226: {  	[sflag:s22] =	ssyncset.done $0x0  }
0x227: {  	[sflag:s22] =	ssyncadd.s32 $0xFFFFFF80  }
0x228: {  	_ =	swait.ge [sflag:s22], $0x80  }
0x229: {  	[sflag:s22] =	ssyncset.done $0x0  }
0x22a: {  	[sflag:s22] =	ssyncadd.s32 $0xFFFFFF80  }
0x22b: {  	_ =	swait.ge [sflag:s22], $0x80  }
0x22c: {  	[sflag:s22] =	ssyncset.done $0x0  }
0x22d: {  	[sflag:s22] =	ssyncadd.s32 $0xFFFFFF80  }
0x22e: {  	_ =	swait.ge [sflag:s22], $0x80  }
0x22f: {  	[sflag:s22] =	ssyncset.done $0x0  }
0x230: {  	[sflag:s22] =	ssyncadd.s32 $0xFFFFFF80  }
.Ltmp10:
0x231: {  	_ =	swait.ge [sflag:s22], $0x80;
	(pc) =	sbr.rel @p0 .LBB2_23-.Ltmp10, $4  }
0x232: {  	[sflag:s22] =	ssyncset.done $0x0  }
0x233: {  	[sflag:s22] =	ssyncadd.s32 $0xFFFFFF80  }
0x234: {  	_ =	swait.ge [sflag:s22], $0x80  }
0x235: {  	s7 =	sshra.s32 s12, $0x2;
	[sflag:s22] =	ssyncset.done $0x0  }
0x236: {  	s0 =	sadd.s32 $0xCF00, s7;
	s10 =	sadd.s32 $0xAF00, s7;
	[sflag:s22] =	ssyncadd.s32 $0xFFFFFF80  }
0x237: {  	[tilespmem:s0], [sflag:$0x1] =	stream.indirect.gather [spmem:s3], $0x1, s10, s19, $0xb8;
	[tilespmem:$0x1C300] =	vst v63  }
0x238: {  	s14 =	sadd.s32 $0xDF00, s7  }
0x239: {  	[tilespmem:s14], [sflag:$0x1] =	stream.indirect.gather [spmem:s4], $0x1, s10, s19, $0xb8;
	[tilespmem:$0x1C300] =	vst v63  }
0x23a: {  	s15 =	sadd.s32 $0xEF00, s7  }
0x23b: {  	[tilespmem:s15], [sflag:$0x1] =	stream.indirect.gather [spmem:s5], $0x1, s10, s19, $0xb8;
	[tilespmem:$0x1C300] =	vst v63  }
0x23c: {  	s24 =	sadd.s32 $0xFF00, s7;
	s25 =	sadd.s32 $0xBF00, s7  }
0x23d: {  	[tilespmem:s24], [sflag:$0x1] =	stream.indirect.gather [spmem:s3], $0x1, s25, s19, $0xb8;
	[tilespmem:$0x1C300] =	vst v63  }
0x23e: {  	s26 =	sadd.s32 $0x10F00, s7  }
0x23f: {  	[tilespmem:s26], [sflag:$0x1] =	stream.indirect.gather [spmem:s4], $0x1, s25, s19, $0xb8;
	[tilespmem:$0x1C300] =	vst v63  }
0x240: {  	s30 =	sadd.s32 $0x11F00, s7  }
0x241: {  	[tilespmem:s30], [sflag:$0x1] =	stream.indirect.gather [spmem:s5], $0x1, s25, s19, $0xb8;
	[tilespmem:$0x1C300] =	vst v63  }
0x242: {  	_ =	swait.ge [sflag:s22], $0x80  }
0x243: {  	[sflag:s22] =	ssyncset.done $0x0  }
0x244: {  	[sflag:s22] =	ssyncadd.s32 $0xFFFFFF80  }
0x245: {  	_ =	swait.ge [sflag:s22], $0x80  }
0x246: {  	[sflag:s22] =	ssyncset.done $0x0  }
0x247: {  	[sflag:s22] =	ssyncadd.s32 $0xFFFFFF80  }
0x248: {  	_ =	swait.ge [sflag:s22], $0x80  }
0x249: {  	[sflag:s22] =	ssyncset.done $0x0  }
0x24a: {  	[sflag:s22] =	ssyncadd.s32 $0xFFFFFF80  }
0x24b: {  	_ =	swait.ge [sflag:s22], $0x80  }
0x24c: {  	[sflag:s22] =	ssyncset.done $0x0  }
0x24d: {  	[sflag:s22] =	ssyncadd.s32 $0xFFFFFF80  }
0x24e: {  	s11 =	simm.s32 $0x12F00;
	_ =	swait.ge [sflag:s22], $0x80  }
0x24f: {  	s12 =	simm.s32 $0x11F00;
	s13 =	simm.s32 $0x10F00;
	[sflag:s22] =	ssyncset.done $0x0  }
0x250: {  	s28 =	simm.s32 $0x16F00;
	s0 =	simm.s32 $0x0;
	[sflag:s22] =	ssyncadd.s32 $0xFFFFFF80  }
0x251: {  	s14 =	simm.s32 $0xFF00;
	s10 =	simm.s32 $0x13F00;
	_ =	swait.ge [sflag:s22], $0x80  }
0x252: {  	s15 =	simm.s32 $0xEF00;
	s24 =	simm.s32 $0xDF00;
	[sflag:s22] =	ssyncset.done $0x0  }
0x253: {  	s26 =	simm.s32 $0x17F00;
	s25 =	simm.s32 $0xCF00;
	[sflag:s22] =	ssyncadd.s32 $0xFFFFFF80  }
.LBB2_25:
0x254: {  	v4 =	vmov s14  }
0x255: {  	v6 =	vmov s25  }
0x256: {  	v7 =	vmov s24  }
0x257: {  	v8 =	vmov s28  }
0x258: {  	s7 =	simm.s32 $0x0  }
0x259: {  	v9 =	vmov s15;
	v10 =	vld.idx.msk [tilespmem:v4+s7+$0x0 ss:$0x1], $0xffff  }
0x25a: {  	v5 =	vmov s26;
	v3 =	vmov s13;
	v11 =	vld.idx.msk [tilespmem:v6+s7+$0x0 ss:$0x1], $0xffff  }
0x25b: {  	v2 =	vmov s12;
	v1 =	vmov s11;
	v0 =	vmov s10;
	s30 =	simm.s32 $0x40;
	v12 =	vld.idx.msk [tilespmem:v7+s7+$0x0 ss:$0x1], $0xffff  }
.LBB2_26:
0x25c: {  	p0 =	sne.s32 s30, $0x1C0;
	v13 =	vld.idx.msk [tilespmem:v8+s7+$0x0 ss:$0x1], $0xffff  }
0x25d: {  	v14 =	vld [tilespmem:$0x1C1C0]  }
0x25e: {  	v15 =	vld.idx.msk [tilespmem:v9+s7+$0x0 ss:$0x1], $0xffff  }
0x25f: {  	v16 =	vld [tilespmem:$0x1C1D0]  }
0x260: {  	v17 =	vld.idx.msk [tilespmem:v5+s7+$0x0 ss:$0x1], $0xffff  }
0x261: {  	v18 =	vld [tilespmem:$0x1C1E0]  }
0x262: {  	v11 =	vadd.f32 v11, v13;
	v12 =	vadd.f32 v12, v13;
	v19 =	vld.idx.msk [tilespmem:v3+s7+$0x0 ss:$0x1], $0xffff  }
0x263: {  	v20 =	vld [tilespmem:$0x1C1F0]  }
0x264: {  	v11 =	vmul.f32 v14, v11;
	v13 =	vadd.f32 v15, v13;
	v12 =	vmul.f32 v16, v12;
	v14 =	vld.idx.msk [tilespmem:v2+s7+$0x0 ss:$0x1], $0xffff  }
0x265: {  	v15 =	vld [tilespmem:$0x1C200]  }
0x266: {  	v10 =	vadd.f32 v10, v17;
	v11 =	vadd.f32 v12, v11;
	v12 =	vmul.f32 v18, v13  }
0x267: {  	v13 =	vld [tilespmem:$0x1C210]  }
0x268: {  	v11 =	vadd.f32 v12, v11;
	v10 =	vmul.f32 v20, v10;
	v12 =	vadd.f32 v19, v17;
	_ =	sdelay $0x1  }
0x269: {  	v10 =	vadd.f32 v10, v11;
	v11 =	vmul.f32 v15, v12;
	v12 =	vadd.f32 v14, v17;
	v14 =	vld.idx.msk [tilespmem:v1+s7+$0x0 ss:$0x1], $0xffff;
	_ =	sdelay $0x1  }
0x26a: {  	v10 =	vadd.f32 v11, v10;
	v11 =	vmul.f32 v13, v12;
	_ =	sdelay $0x1  }
0x26b: {  	v10 =	vadd.f32 v11, v10;
	_ =	sdelay $0x1  }
0x26c: {  	v10 =	vadd.f32 v10, v14;
	_ =	sdelay $0x1  }
.Ltmp11:
0x26d: {  	v10 =	vmax.f32 v10, $0.0e+00;
	(pc) =	sbr.rel @p0 .LBB2_26-.Ltmp11, $4  }
0x26e: {  	[tilespmem:v0+s7+$0x0 ss:$0x1] =	vst.idx.msk $0xffff, v10;
	s7 =	sshra.s32 s30, $0x2  }
0x26f: {  	v10 =	vld.idx.msk [tilespmem:v4+s7+$0x0 ss:$0x1], $0xffff  }
0x270: {  	v11 =	vld.idx.msk [tilespmem:v6+s7+$0x0 ss:$0x1], $0xffff  }
0x271: {  	s30 =	sadd.s32 $0x40, s30;
	v12 =	vld.idx.msk [tilespmem:v7+s7+$0x0 ss:$0x1], $0xffff  }
0x272: {  	_ =	sdelay $0x3  }
0x273: {  	v4 =	vld.idx.msk [tilespmem:v8+s7+$0x0 ss:$0x1], $0xffff  }
0x274: {  	v6 =	vld [tilespmem:$0x1C1C0]  }
0x275: {  	v7 =	vld.idx.msk [tilespmem:v9+s7+$0x0 ss:$0x1], $0xffff  }
0x276: {  	v58 =	vld [tilespmem:$0x1C1D0]  }
0x277: {  	v5 =	vld.idx.msk [tilespmem:v5+s7+$0x0 ss:$0x1], $0xffff  }
0x278: {  	v59 =	vld [tilespmem:$0x1C1E0]  }
0x279: {  	v3 =	vld.idx.msk [tilespmem:v3+s7+$0x0 ss:$0x1], $0xffff;
	v11 =	vadd.f32 v11, v4;
	v12 =	vadd.f32 v12, v4  }
0x27a: {  	v13 =	vld [tilespmem:$0x1C1F0]  }
0x27b: {  	v2 =	vld.idx.msk [tilespmem:v2+s7+$0x0 ss:$0x1], $0xffff;
	v4 =	vadd.f32 v7, v4;
	v6 =	vmul.f32 v6, v11;
	v8 =	vmul.f32 v58, v12  }
0x27c: {  	v60 =	vld [tilespmem:$0x1C200]  }
0x27d: {  	v61 =	vadd.f32 v10, v5;
	v4 =	vmul.f32 v59, v4;
	v6 =	vadd.f32 v8, v6  }
0x27e: {  	v62 =	vld [tilespmem:$0x1C210]  }
0x27f: {  	v3 =	vadd.f32 v3, v5;
	v63 =	vmul.f32 v13, v61;
	v4 =	vadd.f32 v4, v6;
	_ =	sdelay $0x1  }
0x280: {  	v2 =	vadd.f32 v2, v5;
	v3 =	vmul.f32 v60, v3;
	v4 =	vadd.f32 v63, v4  }
0x281: {  	v1 =	vld.idx.msk [tilespmem:v1+s7+$0x0 ss:$0x1], $0xffff  }
0x282: {  	v2 =	vmul.f32 v62, v2;
	v3 =	vadd.f32 v3, v4  }
0x283: {  	s0 =	sadd.s32 $0x1, s0  }
0x284: {  	p0 =	sne.s32 s0, $0x20;
	v2 =	vadd.f32 v2, v3  }
.Ltmp12:
0x285: {  	_ = 	snop;
	(pc) =	sbr.rel @p0 .LBB2_25-.Ltmp12, $4  }
0x286: {  	s10 =	sadd.s32 $0x80, s10;
	v1 =	vadd.f32 v2, v1  }
0x287: {  	s11 =	sadd.s32 $0x80, s11;
	s12 =	sadd.s32 $0x80, s12;
	s13 =	sadd.s32 $0x80, s13  }
0x288: {  	s14 =	sadd.s32 $0x80, s14;
	s15 =	sadd.s32 $0x80, s15;
	s24 =	sadd.s32 $0x80, s24;
	v1 =	vmax.f32 v1, $0.0e+00  }
0x289: {  	s25 =	sadd.s32 $0x80, s25;
	s26 =	sadd.s32 $0x80, s26;
	s28 =	sadd.s32 $0x80, s28;
	[tilespmem:v0+s7+$0x0 ss:$0x1] =	vst.idx.msk $0xffff, v1  }
0x28a: {  	s0 =	simm.s32 $0x13F00;
	s7 =	simm.s32 $0xBF00  }
0x28b: {  	[spmem:s6] =	stream.indirect.scatter.add.f32 [tilespmem:s0], [sflag:$0x1], $0x1, s7, s19, $0xb8;
	[tilespmem:$0x1C300] =	vst v63  }
0x28c: {  	s0 =	simm.s32 $0x200;
	_ =	swait.ge [sflag:s22], $0x80  }
.LBB2_29:
0x28d: {  	s7 =	sshra.s32 s0, $0x2  }
0x28e: {  	[sflag:s22] =	ssyncset.done $0x0;
	p0 =	sne.s32 s0, $0x3E00;
	s10 =	sadd.s32 $0x13F00, s7  }
.Ltmp13:
0x28f: {  	s7 =	sadd.s32 $0xBF00, s7;
	[sflag:s22] =	ssyncadd.s32 $0xFFFFFF80;
	(pc) =	sbr.rel @p0 .LBB2_29-.Ltmp13, $3  }
0x290: {  	[spmem:s6] =	stream.indirect.scatter.add.f32 [tilespmem:s10], [sflag:$0x1], $0x1, s7, s19, $0xb8;
	[tilespmem:$0x1C300] =	vst v63  }
0x291: {  	s0 =	sadd.s32 $0x200, s0;
	_ =	sdelay $0x1  }
0x292: {  	_ =	swait.ge [sflag:s22], $0x80  }
0x293: {  	s23 =	sadd.s32 $0x1, s23  }
0x294: {  	p0 =	sne.s32 s23, $0x19  }
.Ltmp14:
0x295: {  	_ = 	snop;
	(pc) =	sbr.rel @p0 .LBB2_22-.Ltmp14, $3  }
0x296: {  	_ =	sdelay $0x1  }
0x297: {  	[sflag:s22] =	ssyncset.done $0x0  }
0x298: {  	[sflag:s22] =	ssyncadd.s32 $0xFFFFFF80  }
0x299: {  	[bflag:$0x0] =	sbarrier.arrive $0xFFFF  }
0x29a: {  	s0 =	rddreg [dreg:$0x19]  }
0x29b: {  	s12 =	simm.s32 $0x18F00;
	s11 =	rddreg [dreg:$0x16]  }
0x29c: {  	[tilespmem:s12], [sflag:$0x2] =	stream.linear.gather [spmem:s11], $0x1900, $0x38;
	[tilespmem:$0x1C300] =	vst v63  }
0x29d: {  	s0 =	smul.u32 $0x19000, s0;
	_ =	swait.ge [sflag:s29], $0x1900  }
0x29e: {  	s10 =	rddreg [dreg:$0x10]  }
0x29f: {  	s0 =	sadd.s32 s10, s0  }
0x2a0: {  	[sflag:s29] =	ssyncset.done $0x0;
	s7 =	rddreg [dreg:$0xf];
	s0 =	sshrl.u32 s0, $0x3  }
0x2a1: {  	s28 =	simm.s32 $0x0;
	[sflag:s29] =	ssyncadd.s32 $0xFFFFE700;
	s0 =	sadd.s32 s7, s0  }
0x2a2: {  	[hbm4b:s0+s28] =	stream.linear.scatter [tilespmem:s12], [sflag:$0x2], $0x1900, $0x38;
	[tilespmem:$0x1C300] =	vst v63  }
0x2a3: {  	_ =	swait.ge [sflag:s29], $0x1900  }
0x2a4: {  	[sflag:s29] =	ssyncset.done $0x0  }
0x2a5: {  	s30 =	rddreg [dreg:$0x12];
	[sflag:s29] =	ssyncadd.s32 $0xFFFFE700  }
0x2a6: {  	[spmem:s30] =	stream.linear.scatter [tilespmem:s12], [sflag:$0x2], $0x1900, $0x38;
	[tilespmem:$0x1C300] =	vst v63  }
0x2a7: {  	_ =	swait.ge [sflag:s29], $0x1900  }
0x2a8: {  	s0 =	rddreg [dreg:$0x18]  }
0x2a9: {  	p0 =	sne.s32 s0, $0x8  }
.Ltmp15:
0x2aa: {  	_ = 	snop;
	(pc) =	sbr.rel @p0 .LBB2_11-.Ltmp15, $3  }
0x2ab: {  	_ =	sdelay $0x1  }
0x2ac: {  	[sflag:s29] =	ssyncset.done $0x0  }
0x2ad: {  	[sflag:s29] =	ssyncadd.s32 $0xFFFFE700  }
0x2ae: {  	_ =	sfence.sel $0x180000  }
0x2af: {  	[bflag:$0x0] =	sbarrier.arrive $0xFFFF  }
0x2b0: {  	_ =	strace $0x90000047  }
0x2b1: {  	s0 =	stileid.u32;
	[bflag:$0x2] =	sbarrier.arrive $0xFFFF  }
0x2b2: {  	p0 =	sne.s32 s0, $0x0;
	s0 =	rddreg [dreg:$0x9]  }
0x2b3: {  	s0 =	sadd.s32 @!p0 $0x100000, s0  }
0x2b4: {  	[sflag:s0] =	ssyncadd.tile.s32 @!p0 $0x1;
	_ =	shalt  }
.Lfunc_end2:
_tile_overlayer_lowered:
.L_overlay_start_2:
0x2b5: {  	(tag) =	ssettag $0x2  }
0x2b6: {  	s0 =	rddreg [dreg:$0x0];
	s2 =	stileid.u32  }
0x2b7: {  	s1 =	rddreg [dreg:$0x1];
	p0 =	sne.s32 s2, $0x0  }
0x2b8: {  	s3 =	rddreg [dreg:$0x2];
	[bflag:$0x3] =	sbarrier.arrive $0xFFFF;
	s2 =	simm.s32 @!p0 $0x1C02  }
0x2b9: {  	[timem:s3], [sflag:s2] =	dma.local @!p0 [hbm:s0], s1  }
0x2ba: {  	s0 =	simm.s32 @!p0 $0x2  }
0x2bb: {  	_ =	swait.ge @!p0 [sflag:s0], s1  }
0x2bc: {  	s1 =	ssub.s32 @!p0 $0x0, s1;
	[sflag:s0] =	ssyncset.done @!p0 $0x0  }
0x2bd: {  	[sflag:s0] =	ssyncadd.s32 @!p0 s1  }
0x2be: {  	[bflag:$0x3] =	sbarrier.arrive $0xFFFF  }
0x2bf: {  	_ =	shalt  }

</sc_bundles>
